<compile_context>
chip_gen: v7x
topology: tpu7x:2x2x1
jax: 0.10.2.dev20260603
libtpu: 0.0.44.dev20260713+nightly
codegen_flags: <defaults>
</compile_context>

<pallas_src>
import jax
import jax.numpy as jnp
from jax import lax
from jax.experimental import pallas as pl
from jax.experimental.pallas import tpu as pltpu
from jax.experimental.pallas import tpu_sc as plsc

B = 16384
S = 20
F = 32
L = 16
NC, NS = 2, 16
NW = NC * NS
U_W = B // NW
SB = 16
SB_ROWS = SB * S
N_SB = U_W // SB

_SC_MESH = dict(core_axis_name="c", subcore_axis_name="s",
                num_cores=NC, num_subcores=NS)


def _rsqrt(x):
    i = plsc.bitcast(x, jnp.int32)
    y = plsc.bitcast(jnp.int32(0x5F3759DF) - (i >> 1), jnp.float32)
    for _ in range(3):
        y = y * (1.5 - 0.5 * x * y * y)
    return y


def _ugather_body(uemb_hbm, users_hbm, out_hbm, puv, urows, sem):
    wid = lax.axis_index("s") * NC + lax.axis_index("c")
    base = wid * U_W
    pltpu.sync_copy(users_hbm.at[pl.ds(base, U_W)], puv)

    def g_body(g, carry):
        pu16 = puv[pl.ds(g * L, L)]
        for k in range(L):
            pltpu.async_copy(uemb_hbm.at[pl.ds(pu16[k], 1)],
                             urows.at[pl.ds(g * L + k, 1)], sem)
        return carry

    lax.fori_loop(0, U_W // L, g_body, 0)
    pltpu.make_async_copy(uemb_hbm.at[pl.ds(0, U_W)], urows, sem).wait()
    pltpu.sync_copy(urows, out_hbm.at[pl.ds(base, U_W)])


def _urm_body(slates_hbm, urows_hbm, doc_hbm, out_hbm,
              sidx, sflat, uv, uct, bufa, bufb, outb, sema, semb):
    wid = lax.axis_index("s") * NC + lax.axis_index("c")
    lanes = lax.iota(jnp.int32, L)
    base = wid * U_W

    pltpu.sync_copy(slates_hbm.at[pl.ds(base, U_W)], sidx)
    pltpu.sync_copy(urows_hbm.at[pl.ds(base, U_W)], uv)

    def rep_body(u, carry):
        a = sidx[u, pl.ds(0, L)]
        bv = plsc.load_gather(sidx, [jnp.zeros((L,), jnp.int32) + u, lanes + 4])
        plsc.store_scatter(sflat, [u * S + lanes], a)
        plsc.store_scatter(sflat, [u * S + 4 + lanes], bv)
        return carry

    lax.fori_loop(0, U_W, rep_body, 0)

    def tr_body(g, carry):
        urow = g * L + lanes
        for f in range(F):
            vals = plsc.load_gather(uv, [urow, jnp.full((L,), f, jnp.int32)])
            uct[f, pl.ds(g * L, L)] = vals
        return carry

    lax.fori_loop(0, U_W // L, tr_body, 0)

    def issue(sb, buf, sem):
        o = sb * SB_ROWS
        pltpu.async_copy(doc_hbm.at[sflat.at[pl.ds(o, 128)]],
                         buf.at[pl.ds(0, 128)], sem)
        pltpu.async_copy(doc_hbm.at[sflat.at[pl.ds(o + 128, 128)]],
                         buf.at[pl.ds(128, 128)], sem)
        pltpu.async_copy(doc_hbm.at[sflat.at[pl.ds(o + 256, 64)]],
                         buf.at[pl.ds(256, 64)], sem)

    def wait(buf, sem):
        pltpu.make_async_copy(doc_hbm.at[pl.ds(0, SB_ROWS)], buf, sem).wait()

    def compute(sb, buf):
        u0 = sb * SB

        def s_body(s, carry):
            rows = lanes * S + s
            dot = jnp.zeros((L,), jnp.float32)
            nsq = jnp.zeros((L,), jnp.float32)
            for f in range(F):
                d = plsc.load_gather(buf, [rows, jnp.full((L,), f, jnp.int32)])
                dot = dot + d * uct[f, pl.ds(u0, L)]
                nsq = nsq + d * d
            x = dot * _rsqrt(jnp.maximum(nsq, 1e-24))
            y = 1.0 / (1.0 + jnp.exp(-x))
            plsc.store_scatter(outb, [u0 + lanes, jnp.zeros((L,), jnp.int32) + s], y)
            return carry

        lax.fori_loop(0, S, s_body, 0)

    issue(0, bufa, sema)

    def sb2_body(i, carry):
        sb_a = 2 * i
        issue(sb_a + 1, bufb, semb)
        wait(bufa, sema)
        compute(sb_a, bufa)

        @pl.when(i < N_SB // 2 - 1)
        def _():
            issue(sb_a + 2, bufa, sema)

        wait(bufb, semb)
        compute(sb_a + 1, bufb)
        return carry

    lax.fori_loop(0, N_SB // 2, sb2_body, 0)

    pltpu.sync_copy(outb, out_hbm.at[pl.ds(base, U_W)])


@jax.jit
def _run(slates, users, doc_embed, user_embed):
    ugather = pl.kernel(
        _ugather_body,
        out_type=jax.ShapeDtypeStruct((B, F), jnp.float32),
        mesh=plsc.VectorSubcoreMesh(**_SC_MESH),
        scratch_types=[
            pltpu.VMEM((U_W,), jnp.int32),
            pltpu.VMEM((U_W, F), jnp.float32),
            pltpu.SemaphoreType.DMA,
        ],
        compiler_params=pltpu.CompilerParams(needs_layout_passes=False),
    )
    urows = ugather(user_embed, users)

    urm = pl.kernel(
        _urm_body,
        out_type=jax.ShapeDtypeStruct((B, S), jnp.float32),
        mesh=plsc.VectorSubcoreMesh(**_SC_MESH),
        scratch_types=[
            pltpu.VMEM((U_W, S), jnp.int32),
            pltpu.VMEM((U_W * S,), jnp.int32),
            pltpu.VMEM((U_W, F), jnp.float32),
            pltpu.VMEM((F, U_W), jnp.float32),
            pltpu.VMEM((SB_ROWS, F), jnp.float32),
            pltpu.VMEM((SB_ROWS, F), jnp.float32),
            pltpu.VMEM((U_W, S), jnp.float32),
            pltpu.SemaphoreType.DMA,
            pltpu.SemaphoreType.DMA,
        ],
        compiler_params=pltpu.CompilerParams(
            needs_layout_passes=False, use_tc_tiling_on_sc=False),
    )
    return urm(slates, urows, doc_embed)


def kernel(slates, users, doc_embed, item_bias, user_embed, user_bias):
    del item_bias, user_bias
    return _run(slates, users, doc_embed, user_embed)

# --- scband reference (transcript-rebuilt; emitter-appended) ---
"""Pipeline reference for scband-urm-5394478923969 (READ-ONLY COPY).

The authoritative reference and input builder live on the scoring server;
editing this copy changes nothing except your own understanding.
"""

import jax, jax.numpy as jnp
import numpy as np

MAX_IID = 1000000
MAX_UID = 1000000
F_SIZE = 32
SLATE = 20
B = 16384


def setup_inputs(seed: int = 0) -> dict:
    key = jax.random.key(seed)
    k1, k2, k3, k4 = jax.random.split(key, 4)
    a = float(np.sqrt(2.0 / F_SIZE))
    slates = jax.random.randint(k1, (B, SLATE), 0, MAX_IID + 1, dtype=jnp.int32)
    users = jax.random.randint(k2, (B,), 0, MAX_UID + 1, dtype=jnp.int32)
    doc_embed = jax.random.uniform(k3, (MAX_IID + 1, F_SIZE), minval=-a, maxval=a, dtype=jnp.float32)
    user_embed = jax.random.uniform(k4, (MAX_UID + 1, F_SIZE), minval=-a, maxval=a, dtype=jnp.float32)
    item_bias = jnp.zeros((MAX_IID + 1, 1), dtype=jnp.float32)
    user_bias = jnp.zeros((MAX_UID + 1, 1), dtype=jnp.float32)
    return {
        "slates": slates,
        "users": users,
        "doc_embed": doc_embed,
        "item_bias": item_bias,
        "user_embed": user_embed,
        "user_bias": user_bias,
    }


def reference(slates, users, doc_embed, item_bias, user_embed, user_bias):
    # dEmb = F.normalize(self.docEmbed(slates), p=2, dim=-1).view(B, S, -1)
    dEmb = jnp.take(doc_embed, slates, axis=0)  # [B, S, F]
    norm = jnp.linalg.norm(dEmb, axis=-1, keepdims=True)
    dEmb = dEmb / jnp.maximum(norm, 1e-12)
    # dBias = self.itemBias(slates).view(B, S)
    dBias = jnp.take(item_bias, slates, axis=0)[..., 0]  # [B, S]
    # NOTE: the original code first computes a normalized uEmb, then immediately
    # overwrites it with the UNNORMALIZED embedding. We faithfully keep the
    # unnormalized version since that is what is actually used.
    uEmb = jnp.take(user_embed, users, axis=0)  # [B, F]
    uBias = jnp.take(user_bias, users, axis=0)[:, 0]  # [B]
    # output = bmm(dEmb, uEmb.view(B, F, 1)).view(B, S) + dBias; then + uBias broadcast
    out = jnp.einsum("bsf,bf->bs", dEmb, uEmb) + dBias + uBias[:, None]
    return jax.nn.sigmoid(out)

if __name__ == "__main__":
    import jax
    _d = setup_inputs()
    print(jax.jit(kernel)(*tuple(_d.values())))

</pallas_src>

<mosaic_0001>
#map = affine_map<(d0, d1) -> (0, 0)>
#map1 = affine_map<(d0, d1) -> (0)>
module attributes {stable_mosaic.version = 14 : i64} {
  func.func @_ugather_body(%arg0: i32, %arg1: i32, %arg2: memref<1000001x32xf32, #tpu.memory_space<hbm>>, %arg3: memref<16384xi32, #tpu.memory_space<hbm>>, %arg4: memref<16384x32xf32, #tpu.memory_space<hbm>>, %arg5: memref<512xi32, #tpu.memory_space<vmem>>, %arg6: memref<512x32xf32, #tpu.memory_space<vmem>>, %arg7: memref<!tpu.dma_semaphore, #tpu.memory_space<semaphore_mem>>) attributes {dimension_semantics = [#tpu.dimension_semantics<core_parallel>, #tpu.dimension_semantics<subcore_parallel>], iteration_bounds = array<i64: 2, 16>, scalar_prefetch = 0 : i64, scratch_operands = 3 : i64, tpu.core_type = #tpu.core_type<sc_vector_subcore>, window_params = [{transform_indices = #map}, {transform_indices = #map1}, {transform_indices = #map}]} {
    %mul3A = arith.constant 2 : i32
    %mul3A_0 = arith.muli %arg1, %mul3A : i32
    %add3A = arith.addi %mul3A_0, %arg0 : i32
    %mul3A_1 = arith.constant 512 : i32
    %mul3A_2 = arith.muli %add3A, %mul3A_1 : i32
    "tpu.region"() ({
      %run_scoped3A = tpu.sem_alloc : memref<!tpu.dma_semaphore, #tpu.memory_space<semaphore_mem>>
      %dma_start3A = tpu.memref_slice %arg3[%mul3A_2] : memref<16384xi32, #tpu.memory_space<hbm>> -> memref<512xi32, #tpu.memory_space<hbm>>
      %dma_start3A_13 = tpu.memref_slice %arg3[%mul3A_2] : memref<16384xi32, #tpu.memory_space<hbm>> -> memref<512xi32, #tpu.memory_space<hbm>>
      tpu.enqueue_dma source(%dma_start3A_13 : memref<512xi32, #tpu.memory_space<hbm>>) target(%arg5 : memref<512xi32, #tpu.memory_space<vmem>>) target_semaphore(%run_scoped3A : memref<!tpu.dma_semaphore, #tpu.memory_space<semaphore_mem>>)
      %dma_wait3A_14 = tpu.memref_slice %arg3[%mul3A_2] : memref<16384xi32, #tpu.memory_space<hbm>> -> memref<512xi32, #tpu.memory_space<hbm>>
      %dma_wait3A_15 = tpu.memref_slice %arg3[%mul3A_2] : memref<16384xi32, #tpu.memory_space<hbm>> -> memref<512xi32, #tpu.memory_space<hbm>>
      tpu.wait_dma2 semaphore(%run_scoped3A : memref<!tpu.dma_semaphore, #tpu.memory_space<semaphore_mem>>) src(%dma_wait3A_15 : memref<512xi32, #tpu.memory_space<hbm>>) dst(%arg5 : memref<512xi32, #tpu.memory_space<vmem>>)
      tpu.yield
    }) : () -> ()
    %scan3A = arith.constant 0 : i32
    %scan3A_3 = arith.constant 0 : i32
    %scan3A_4 = arith.constant 32 : i32
    %scan3A_5 = arith.addi %scan3A_3, %scan3A_4 : i32
    %scan3A_6 = arith.constant 1 : i32
    scf.for %scan3A_13 = %scan3A_3 to %scan3A_5 step %scan3A_6  : i32 {
      %mul3A_14 = arith.constant 16 : i32
      %mul3A_15 = arith.muli %scan3A_13, %mul3A_14 : i32
      %get3A = arith.index_cast %mul3A_15 : i32 to index
      %get3A_16 = tpu.vector_load %arg5[%get3A] {strides = array<i32>} : memref<512xi32, #tpu.memory_space<vmem>>, vector<16xi32>,
      %slice3A = vector.extract_strided_slice %get3A_16 {offsets = [0], sizes = [1], strides = [1]} : vector<16xi32> to vector<1xi32>
      %squeeze3A = vector.extract %slice3A[0] : i32 from vector<1xi32>
      %mul3A_17 = arith.constant 16 : i32
      %mul3A_18 = arith.muli %scan3A_13, %mul3A_17 : i32
      %add3A_19 = arith.constant 0 : i32
      %add3A_20 = arith.addi %mul3A_18, %add3A_19 : i32
      %dma_start3A = arith.constant 0 : i32
      %dma_start3A_21 = tpu.memref_slice %arg6[%add3A_20, %dma_start3A] : memref<512x32xf32, #tpu.memory_space<vmem>> -> memref<1x32xf32, #tpu.memory_space<vmem>>
      %dma_start3A_22 = arith.constant 0 : i32
      %dma_start3A_23 = tpu.memref_slice %arg2[%squeeze3A, %dma_start3A_22] : memref<1000001x32xf32, #tpu.memory_space<hbm>> -> memref<1x32xf32, #tpu.memory_space<hbm>>
      %dma_start3A_24 = arith.constant 0 : i32
      %dma_start3A_25 = tpu.memref_slice %arg6[%add3A_20, %dma_start3A_24] : memref<512x32xf32, #tpu.memory_space<vmem>> -> memref<1x32xf32, #tpu.memory_space<vmem>>
      %dma_start3A_26 = arith.constant 0 : i32
      %dma_start3A_27 = tpu.memref_slice %arg2[%squeeze3A, %dma_start3A_26] : memref<1000001x32xf32, #tpu.memory_space<hbm>> -> memref<1x32xf32, #tpu.memory_space<hbm>>
      tpu.enqueue_dma source(%dma_start3A_27 : memref<1x32xf32, #tpu.memory_space<hbm>>) target(%dma_start3A_25 : memref<1x32xf32, #tpu.memory_space<vmem>>) target_semaphore(%arg7 : memref<!tpu.dma_semaphore, #tpu.memory_space<semaphore_mem>>)
      %slice3A_28 = vector.extract_strided_slice %get3A_16 {offsets = [1], sizes = [1], strides = [1]} : vector<16xi32> to vector<1xi32>
      %squeeze3A_29 = vector.extract %slice3A_28[0] : i32 from vector<1xi32>
      %mul3A_30 = arith.constant 16 : i32
      %mul3A_31 = arith.muli %scan3A_13, %mul3A_30 : i32
      %add3A_32 = arith.constant 1 : i32
      %add3A_33 = arith.addi %mul3A_31, %add3A_32 : i32
      %dma_start3A_34 = arith.constant 0 : i32
      %dma_start3A_35 = tpu.memref_slice %arg6[%add3A_33, %dma_start3A_34] : memref<512x32xf32, #tpu.memory_space<vmem>> -> memref<1x32xf32, #tpu.memory_space<vmem>>
      %dma_start3A_36 = arith.constant 0 : i32
      %dma_start3A_37 = tpu.memref_slice %arg2[%squeeze3A_29, %dma_start3A_36] : memref<1000001x32xf32, #tpu.memory_space<hbm>> -> memref<1x32xf32, #tpu.memory_space<hbm>>
      %dma_start3A_38 = arith.constant 0 : i32
      %dma_start3A_39 = tpu.memref_slice %arg6[%add3A_33, %dma_start3A_38] : memref<512x32xf32, #tpu.memory_space<vmem>> -> memref<1x32xf32, #tpu.memory_space<vmem>>
      %dma_start3A_40 = arith.constant 0 : i32
      %dma_start3A_41 = tpu.memref_slice %arg2[%squeeze3A_29, %dma_start3A_40] : memref<1000001x32xf32, #tpu.memory_space<hbm>> -> memref<1x32xf32, #tpu.memory_space<hbm>>
      tpu.enqueue_dma source(%dma_start3A_41 : memref<1x32xf32, #tpu.memory_space<hbm>>) target(%dma_start3A_39 : memref<1x32xf32, #tpu.memory_space<vmem>>) target_semaphore(%arg7 : memref<!tpu.dma_semaphore, #tpu.memory_space<semaphore_mem>>)
      %slice3A_42 = vector.extract_strided_slice %get3A_16 {offsets = [2], sizes = [1], strides = [1]} : vector<16xi32> to vector<1xi32>
      %squeeze3A_43 = vector.extract %slice3A_42[0] : i32 from vector<1xi32>
      %mul3A_44 = arith.constant 16 : i32
      %mul3A_45 = arith.muli %scan3A_13, %mul3A_44 : i32
      %add3A_46 = arith.constant 2 : i32
      %add3A_47 = arith.addi %mul3A_45, %add3A_46 : i32
      %dma_start3A_48 = arith.constant 0 : i32
      %dma_start3A_49 = tpu.memref_slice %arg6[%add3A_47, %dma_start3A_48] : memref<512x32xf32, #tpu.memory_space<vmem>> -> memref<1x32xf32, #tpu.memory_space<vmem>>
      %dma_start3A_50 = arith.constant 0 : i32
      %dma_start3A_51 = tpu.memref_slice %arg2[%squeeze3A_43, %dma_start3A_50] : memref<1000001x32xf32, #tpu.memory_space<hbm>> -> memref<1x32xf32, #tpu.memory_space<hbm>>
      %dma_start3A_52 = arith.constant 0 : i32
      %dma_start3A_53 = tpu.memref_slice %arg6[%add3A_47, %dma_start3A_52] : memref<512x32xf32, #tpu.memory_space<vmem>> -> memref<1x32xf32, #tpu.memory_space<vmem>>
      %dma_start3A_54 = arith.constant 0 : i32
      %dma_start3A_55 = tpu.memref_slice %arg2[%squeeze3A_43, %dma_start3A_54] : memref<1000001x32xf32, #tpu.memory_space<hbm>> -> memref<1x32xf32, #tpu.memory_space<hbm>>
      tpu.enqueue_dma source(%dma_start3A_55 : memref<1x32xf32, #tpu.memory_space<hbm>>) target(%dma_start3A_53 : memref<1x32xf32, #tpu.memory_space<vmem>>) target_semaphore(%arg7 : memref<!tpu.dma_semaphore, #tpu.memory_space<semaphore_mem>>)
      %slice3A_56 = vector.extract_strided_slice %get3A_16 {offsets = [3], sizes = [1], strides = [1]} : vector<16xi32> to vector<1xi32>
      %squeeze3A_57 = vector.extract %slice3A_56[0] : i32 from vector<1xi32>
      %mul3A_58 = arith.constant 16 : i32
      %mul3A_59 = arith.muli %scan3A_13, %mul3A_58 : i32
      %add3A_60 = arith.constant 3 : i32
      %add3A_61 = arith.addi %mul3A_59, %add3A_60 : i32
      %dma_start3A_62 = arith.constant 0 : i32
      %dma_start3A_63 = tpu.memref_slice %arg6[%add3A_61, %dma_start3A_62] : memref<512x32xf32, #tpu.memory_space<vmem>> -> memref<1x32xf32, #tpu.memory_space<vmem>>
      %dma_start3A_64 = arith.constant 0 : i32
      %dma_start3A_65 = tpu.memref_slice %arg2[%squeeze3A_57, %dma_start3A_64] : memref<1000001x32xf32, #tpu.memory_space<hbm>> -> memref<1x32xf32, #tpu.memory_space<hbm>>
      %dma_start3A_66 = arith.constant 0 : i32
      %dma_start3A_67 = tpu.memref_slice %arg6[%add3A_61, %dma_start3A_66] : memref<512x32xf32, #tpu.memory_space<vmem>> -> memref<1x32xf32, #tpu.memory_space<vmem>>
      %dma_start3A_68 = arith.constant 0 : i32
      %dma_start3A_69 = tpu.memref_slice %arg2[%squeeze3A_57, %dma_start3A_68] : memref<1000001x32xf32, #tpu.memory_space<hbm>> -> memref<1x32xf32, #tpu.memory_space<hbm>>
      tpu.enqueue_dma source(%dma_start3A_69 : memref<1x32xf32, #tpu.memory_space<hbm>>) target(%dma_start3A_67 : memref<1x32xf32, #tpu.memory_space<vmem>>) target_semaphore(%arg7 : memref<!tpu.dma_semaphore, #tpu.memory_space<semaphore_mem>>)
      %slice3A_70 = vector.extract_strided_slice %get3A_16 {offsets = [4], sizes = [1], strides = [1]} : vector<16xi32> to vector<1xi32>
      %squeeze3A_71 = vector.extract %slice3A_70[0] : i32 from vector<1xi32>
      %mul3A_72 = arith.constant 16 : i32
      %mul3A_73 = arith.muli %scan3A_13, %mul3A_72 : i32
      %add3A_74 = arith.constant 4 : i32
      %add3A_75 = arith.addi %mul3A_73, %add3A_74 : i32
      %dma_start3A_76 = arith.constant 0 : i32
      %dma_start3A_77 = tpu.memref_slice %arg6[%add3A_75, %dma_start3A_76] : memref<512x32xf32, #tpu.memory_space<vmem>> -> memref<1x32xf32, #tpu.memory_space<vmem>>
      %dma_start3A_78 = arith.constant 0 : i32
      %dma_start3A_79 = tpu.memref_slice %arg2[%squeeze3A_71, %dma_start3A_78] : memref<1000001x32xf32, #tpu.memory_space<hbm>> -> memref<1x32xf32, #tpu.memory_space<hbm>>
      %dma_start3A_80 = arith.constant 0 : i32
      %dma_start3A_81 = tpu.memref_slice %arg6[%add3A_75, %dma_start3A_80] : memref<512x32xf32, #tpu.memory_space<vmem>> -> memref<1x32xf32, #tpu.memory_space<vmem>>
      %dma_start3A_82 = arith.constant 0 : i32
      %dma_start3A_83 = tpu.memref_slice %arg2[%squeeze3A_71, %dma_start3A_82] : memref<1000001x32xf32, #tpu.memory_space<hbm>> -> memref<1x32xf32, #tpu.memory_space<hbm>>
      tpu.enqueue_dma source(%dma_start3A_83 : memref<1x32xf32, #tpu.memory_space<hbm>>) target(%dma_start3A_81 : memref<1x32xf32, #tpu.memory_space<vmem>>) target_semaphore(%arg7 : memref<!tpu.dma_semaphore, #tpu.memory_space<semaphore_mem>>)
      %slice3A_84 = vector.extract_strided_slice %get3A_16 {offsets = [5], sizes = [1], strides = [1]} : vector<16xi32> to vector<1xi32>
      %squeeze3A_85 = vector.extract %slice3A_84[0] : i32 from vector<1xi32>
      %mul3A_86 = arith.constant 16 : i32
      %mul3A_87 = arith.muli %scan3A_13, %mul3A_86 : i32
      %add3A_88 = arith.constant 5 : i32
      %add3A_89 = arith.addi %mul3A_87, %add3A_88 : i32
      %dma_start3A_90 = arith.constant 0 : i32
      %dma_start3A_91 = tpu.memref_slice %arg6[%add3A_89, %dma_start3A_90] : memref<512x32xf32, #tpu.memory_space<vmem>> -> memref<1x32xf32, #tpu.memory_space<vmem>>
      %dma_start3A_92 = arith.constant 0 : i32
      %dma_start3A_93 = tpu.memref_slice %arg2[%squeeze3A_85, %dma_start3A_92] : memref<1000001x32xf32, #tpu.memory_space<hbm>> -> memref<1x32xf32, #tpu.memory_space<hbm>>
      %dma_start3A_94 = arith.constant 0 : i32
      %dma_start3A_95 = tpu.memref_slice %arg6[%add3A_89, %dma_start3A_94] : memref<512x32xf32, #tpu.memory_space<vmem>> -> memref<1x32xf32, #tpu.memory_space<vmem>>
      %dma_start3A_96 = arith.constant 0 : i32
      %dma_start3A_97 = tpu.memref_slice %arg2[%squeeze3A_85, %dma_start3A_96] : memref<1000001x32xf32, #tpu.memory_space<hbm>> -> memref<1x32xf32, #tpu.memory_space<hbm>>
      tpu.enqueue_dma source(%dma_start3A_97 : memref<1x32xf32, #tpu.memory_space<hbm>>) target(%dma_start3A_95 : memref<1x32xf32, #tpu.memory_space<vmem>>) target_semaphore(%arg7 : memref<!tpu.dma_semaphore, #tpu.memory_space<semaphore_mem>>)
      %slice3A_98 = vector.extract_strided_slice %get3A_16 {offsets = [6], sizes = [1], strides = [1]} : vector<16xi32> to vector<1xi32>
      %squeeze3A_99 = vector.extract %slice3A_98[0] : i32 from vector<1xi32>
      %mul3A_100 = arith.constant 16 : i32
      %mul3A_101 = arith.muli %scan3A_13, %mul3A_100 : i32
      %add3A_102 = arith.constant 6 : i32
      %add3A_103 = arith.addi %mul3A_101, %add3A_102 : i32
      %dma_start3A_104 = arith.constant 0 : i32
      %dma_start3A_105 = tpu.memref_slice %arg6[%add3A_103, %dma_start3A_104] : memref<512x32xf32, #tpu.memory_space<vmem>> -> memref<1x32xf32, #tpu.memory_space<vmem>>
      %dma_start3A_106 = arith.constant 0 : i32
      %dma_start3A_107 = tpu.memref_slice %arg2[%squeeze3A_99, %dma_start3A_106] : memref<1000001x32xf32, #tpu.memory_space<hbm>> -> memref<1x32xf32, #tpu.memory_space<hbm>>
      %dma_start3A_108 = arith.constant 0 : i32
      %dma_start3A_109 = tpu.memref_slice %arg6[%add3A_103, %dma_start3A_108] : memref<512x32xf32, #tpu.memory_space<vmem>> -> memref<1x32xf32, #tpu.memory_space<vmem>>
      %dma_start3A_110 = arith.constant 0 : i32
      %dma_start3A_111 = tpu.memref_slice %arg2[%squeeze3A_99, %dma_start3A_110] : memref<1000001x32xf32, #tpu.memory_space<hbm>> -> memref<1x32xf32, #tpu.memory_space<hbm>>
      tpu.enqueue_dma source(%dma_start3A_111 : memref<1x32xf32, #tpu.memory_space<hbm>>) target(%dma_start3A_109 : memref<1x32xf32, #tpu.memory_space<vmem>>) target_semaphore(%arg7 : memref<!tpu.dma_semaphore, #tpu.memory_space<semaphore_mem>>)
      %slice3A_112 = vector.extract_strided_slice %get3A_16 {offsets = [7], sizes = [1], strides = [1]} : vector<16xi32> to vector<1xi32>
      %squeeze3A_113 = vector.extract %slice3A_112[0] : i32 from vector<1xi32>
      %mul3A_114 = arith.constant 16 : i32
      %mul3A_115 = arith.muli %scan3A_13, %mul3A_114 : i32
      %add3A_116 = arith.constant 7 : i32
      %add3A_117 = arith.addi %mul3A_115, %add3A_116 : i32
      %dma_start3A_118 = arith.constant 0 : i32
      %dma_start3A_119 = tpu.memref_slice %arg6[%add3A_117, %dma_start3A_118] : memref<512x32xf32, #tpu.memory_space<vmem>> -> memref<1x32xf32, #tpu.memory_space<vmem>>
      %dma_start3A_120 = arith.constant 0 : i32
      %dma_start3A_121 = tpu.memref_slice %arg2[%squeeze3A_113, %dma_start3A_120] : memref<1000001x32xf32, #tpu.memory_space<hbm>> -> memref<1x32xf32, #tpu.memory_space<hbm>>
      %dma_start3A_122 = arith.constant 0 : i32
      %dma_start3A_123 = tpu.memref_slice %arg6[%add3A_117, %dma_start3A_122] : memref<512x32xf32, #tpu.memory_space<vmem>> -> memref<1x32xf32, #tpu.memory_space<vmem>>
      %dma_start3A_124 = arith.constant 0 : i32
      %dma_start3A_125 = tpu.memref_slice %arg2[%squeeze3A_113, %dma_start3A_124] : memref<1000001x32xf32, #tpu.memory_space<hbm>> -> memref<1x32xf32, #tpu.memory_space<hbm>>
      tpu.enqueue_dma source(%dma_start3A_125 : memref<1x32xf32, #tpu.memory_space<hbm>>) target(%dma_start3A_123 : memref<1x32xf32, #tpu.memory_space<vmem>>) target_semaphore(%arg7 : memref<!tpu.dma_semaphore, #tpu.memory_space<semaphore_mem>>)
      %slice3A_126 = vector.extract_strided_slice %get3A_16 {offsets = [8], sizes = [1], strides = [1]} : vector<16xi32> to vector<1xi32>
      %squeeze3A_127 = vector.extract %slice3A_126[0] : i32 from vector<1xi32>
      %mul3A_128 = arith.constant 16 : i32
      %mul3A_129 = arith.muli %scan3A_13, %mul3A_128 : i32
      %add3A_130 = arith.constant 8 : i32
      %add3A_131 = arith.addi %mul3A_129, %add3A_130 : i32
      %dma_start3A_132 = arith.constant 0 : i32
      %dma_start3A_133 = tpu.memref_slice %arg6[%add3A_131, %dma_start3A_132] : memref<512x32xf32, #tpu.memory_space<vmem>> -> memref<1x32xf32, #tpu.memory_space<vmem>>
      %dma_start3A_134 = arith.constant 0 : i32
      %dma_start3A_135 = tpu.memref_slice %arg2[%squeeze3A_127, %dma_start3A_134] : memref<1000001x32xf32, #tpu.memory_space<hbm>> -> memref<1x32xf32, #tpu.memory_space<hbm>>
      %dma_start3A_136 = arith.constant 0 : i32
      %dma_start3A_137 = tpu.memref_slice %arg6[%add3A_131, %dma_start3A_136] : memref<512x32xf32, #tpu.memory_space<vmem>> -> memref<1x32xf32, #tpu.memory_space<vmem>>
      %dma_start3A_138 = arith.constant 0 : i32
      %dma_start3A_139 = tpu.memref_slice %arg2[%squeeze3A_127, %dma_start3A_138] : memref<1000001x32xf32, #tpu.memory_space<hbm>> -> memref<1x32xf32, #tpu.memory_space<hbm>>
      tpu.enqueue_dma source(%dma_start3A_139 : memref<1x32xf32, #tpu.memory_space<hbm>>) target(%dma_start3A_137 : memref<1x32xf32, #tpu.memory_space<vmem>>) target_semaphore(%arg7 : memref<!tpu.dma_semaphore, #tpu.memory_space<semaphore_mem>>)
      %slice3A_140 = vector.extract_strided_slice %get3A_16 {offsets = [9], sizes = [1], strides = [1]} : vector<16xi32> to vector<1xi32>
      %squeeze3A_141 = vector.extract %slice3A_140[0] : i32 from vector<1xi32>
      %mul3A_142 = arith.constant 16 : i32
      %mul3A_143 = arith.muli %scan3A_13, %mul3A_142 : i32
      %add3A_144 = arith.constant 9 : i32
      %add3A_145 = arith.addi %mul3A_143, %add3A_144 : i32
      %dma_start3A_146 = arith.constant 0 : i32
      %dma_start3A_147 = tpu.memref_slice %arg6[%add3A_145, %dma_start3A_146] : memref<512x32xf32, #tpu.memory_space<vmem>> -> memref<1x32xf32, #tpu.memory_space<vmem>>
      %dma_start3A_148 = arith.constant 0 : i32
      %dma_start3A_149 = tpu.memref_slice %arg2[%squeeze3A_141, %dma_start3A_148] : memref<1000001x32xf32, #tpu.memory_space<hbm>> -> memref<1x32xf32, #tpu.memory_space<hbm>>
      %dma_start3A_150 = arith.constant 0 : i32
      %dma_start3A_151 = tpu.memref_slice %arg6[%add3A_145, %dma_start3A_150] : memref<512x32xf32, #tpu.memory_space<vmem>> -> memref<1x32xf32, #tpu.memory_space<vmem>>
      %dma_start3A_152 = arith.constant 0 : i32
      %dma_start3A_153 = tpu.memref_slice %arg2[%squeeze3A_141, %dma_start3A_152] : memref<1000001x32xf32, #tpu.memory_space<hbm>> -> memref<1x32xf32, #tpu.memory_space<hbm>>
      tpu.enqueue_dma source(%dma_start3A_153 : memref<1x32xf32, #tpu.memory_space<hbm>>) target(%dma_start3A_151 : memref<1x32xf32, #tpu.memory_space<vmem>>) target_semaphore(%arg7 : memref<!tpu.dma_semaphore, #tpu.memory_space<semaphore_mem>>)
      %slice3A_154 = vector.extract_strided_slice %get3A_16 {offsets = [10], sizes = [1], strides = [1]} : vector<16xi32> to vector<1xi32>
      %squeeze3A_155 = vector.extract %slice3A_154[0] : i32 from vector<1xi32>
      %mul3A_156 = arith.constant 16 : i32
      %mul3A_157 = arith.muli %scan3A_13, %mul3A_156 : i32
      %add3A_158 = arith.constant 10 : i32
      %add3A_159 = arith.addi %mul3A_157, %add3A_158 : i32
      %dma_start3A_160 = arith.constant 0 : i32
      %dma_start3A_161 = tpu.memref_slice %arg6[%add3A_159, %dma_start3A_160] : memref<512x32xf32, #tpu.memory_space<vmem>> -> memref<1x32xf32, #tpu.memory_space<vmem>>
      %dma_start3A_162 = arith.constant 0 : i32
      %dma_start3A_163 = tpu.memref_slice %arg2[%squeeze3A_155, %dma_start3A_162] : memref<1000001x32xf32, #tpu.memory_space<hbm>> -> memref<1x32xf32, #tpu.memory_space<hbm>>
      %dma_start3A_164 = arith.constant 0 : i32
      %dma_start3A_165 = tpu.memref_slice %arg6[%add3A_159, %dma_start3A_164] : memref<512x32xf32, #tpu.memory_space<vmem>> -> memref<1x32xf32, #tpu.memory_space<vmem>>
      %dma_start3A_166 = arith.constant 0 : i32
      %dma_start3A_167 = tpu.memref_slice %arg2[%squeeze3A_155, %dma_start3A_166] : memref<1000001x32xf32, #tpu.memory_space<hbm>> -> memref<1x32xf32, #tpu.memory_space<hbm>>
      tpu.enqueue_dma source(%dma_start3A_167 : memref<1x32xf32, #tpu.memory_space<hbm>>) target(%dma_start3A_165 : memref<1x32xf32, #tpu.memory_space<vmem>>) target_semaphore(%arg7 : memref<!tpu.dma_semaphore, #tpu.memory_space<semaphore_mem>>)
      %slice3A_168 = vector.extract_strided_slice %get3A_16 {offsets = [11], sizes = [1], strides = [1]} : vector<16xi32> to vector<1xi32>
      %squeeze3A_169 = vector.extract %slice3A_168[0] : i32 from vector<1xi32>
      %mul3A_170 = arith.constant 16 : i32
      %mul3A_171 = arith.muli %scan3A_13, %mul3A_170 : i32
      %add3A_172 = arith.constant 11 : i32
      %add3A_173 = arith.addi %mul3A_171, %add3A_172 : i32
      %dma_start3A_174 = arith.constant 0 : i32
      %dma_start3A_175 = tpu.memref_slice %arg6[%add3A_173, %dma_start3A_174] : memref<512x32xf32, #tpu.memory_space<vmem>> -> memref<1x32xf32, #tpu.memory_space<vmem>>
      %dma_start3A_176 = arith.constant 0 : i32
      %dma_start3A_177 = tpu.memref_slice %arg2[%squeeze3A_169, %dma_start3A_176] : memref<1000001x32xf32, #tpu.memory_space<hbm>> -> memref<1x32xf32, #tpu.memory_space<hbm>>
      %dma_start3A_178 = arith.constant 0 : i32
      %dma_start3A_179 = tpu.memref_slice %arg6[%add3A_173, %dma_start3A_178] : memref<512x32xf32, #tpu.memory_space<vmem>> -> memref<1x32xf32, #tpu.memory_space<vmem>>
      %dma_start3A_180 = arith.constant 0 : i32
      %dma_start3A_181 = tpu.memref_slice %arg2[%squeeze3A_169, %dma_start3A_180] : memref<1000001x32xf32, #tpu.memory_space<hbm>> -> memref<1x32xf32, #tpu.memory_space<hbm>>
      tpu.enqueue_dma source(%dma_start3A_181 : memref<1x32xf32, #tpu.memory_space<hbm>>) target(%dma_start3A_179 : memref<1x32xf32, #tpu.memory_space<vmem>>) target_semaphore(%arg7 : memref<!tpu.dma_semaphore, #tpu.memory_space<semaphore_mem>>)
      %slice3A_182 = vector.extract_strided_slice %get3A_16 {offsets = [12], sizes = [1], strides = [1]} : vector<16xi32> to vector<1xi32>
      %squeeze3A_183 = vector.extract %slice3A_182[0] : i32 from vector<1xi32>
      %mul3A_184 = arith.constant 16 : i32
      %mul3A_185 = arith.muli %scan3A_13, %mul3A_184 : i32
      %add3A_186 = arith.constant 12 : i32
      %add3A_187 = arith.addi %mul3A_185, %add3A_186 : i32
      %dma_start3A_188 = arith.constant 0 : i32
      %dma_start3A_189 = tpu.memref_slice %arg6[%add3A_187, %dma_start3A_188] : memref<512x32xf32, #tpu.memory_space<vmem>> -> memref<1x32xf32, #tpu.memory_space<vmem>>
      %dma_start3A_190 = arith.constant 0 : i32
      %dma_start3A_191 = tpu.memref_slice %arg2[%squeeze3A_183, %dma_start3A_190] : memref<1000001x32xf32, #tpu.memory_space<hbm>> -> memref<1x32xf32, #tpu.memory_space<hbm>>
      %dma_start3A_192 = arith.constant 0 : i32
      %dma_start3A_193 = tpu.memref_slice %arg6[%add3A_187, %dma_start3A_192] : memref<512x32xf32, #tpu.memory_space<vmem>> -> memref<1x32xf32, #tpu.memory_space<vmem>>
      %dma_start3A_194 = arith.constant 0 : i32
      %dma_start3A_195 = tpu.memref_slice %arg2[%squeeze3A_183, %dma_start3A_194] : memref<1000001x32xf32, #tpu.memory_space<hbm>> -> memref<1x32xf32, #tpu.memory_space<hbm>>
      tpu.enqueue_dma source(%dma_start3A_195 : memref<1x32xf32, #tpu.memory_space<hbm>>) target(%dma_start3A_193 : memref<1x32xf32, #tpu.memory_space<vmem>>) target_semaphore(%arg7 : memref<!tpu.dma_semaphore, #tpu.memory_space<semaphore_mem>>)
      %slice3A_196 = vector.extract_strided_slice %get3A_16 {offsets = [13], sizes = [1], strides = [1]} : vector<16xi32> to vector<1xi32>
      %squeeze3A_197 = vector.extract %slice3A_196[0] : i32 from vector<1xi32>
      %mul3A_198 = arith.constant 16 : i32
      %mul3A_199 = arith.muli %scan3A_13, %mul3A_198 : i32
      %add3A_200 = arith.constant 13 : i32
      %add3A_201 = arith.addi %mul3A_199, %add3A_200 : i32
      %dma_start3A_202 = arith.constant 0 : i32
      %dma_start3A_203 = tpu.memref_slice %arg6[%add3A_201, %dma_start3A_202] : memref<512x32xf32, #tpu.memory_space<vmem>> -> memref<1x32xf32, #tpu.memory_space<vmem>>
      %dma_start3A_204 = arith.constant 0 : i32
      %dma_start3A_205 = tpu.memref_slice %arg2[%squeeze3A_197, %dma_start3A_204] : memref<1000001x32xf32, #tpu.memory_space<hbm>> -> memref<1x32xf32, #tpu.memory_space<hbm>>
      %dma_start3A_206 = arith.constant 0 : i32
      %dma_start3A_207 = tpu.memref_slice %arg6[%add3A_201, %dma_start3A_206] : memref<512x32xf32, #tpu.memory_space<vmem>> -> memref<1x32xf32, #tpu.memory_space<vmem>>
      %dma_start3A_208 = arith.constant 0 : i32
      %dma_start3A_209 = tpu.memref_slice %arg2[%squeeze3A_197, %dma_start3A_208] : memref<1000001x32xf32, #tpu.memory_space<hbm>> -> memref<1x32xf32, #tpu.memory_space<hbm>>
      tpu.enqueue_dma source(%dma_start3A_209 : memref<1x32xf32, #tpu.memory_space<hbm>>) target(%dma_start3A_207 : memref<1x32xf32, #tpu.memory_space<vmem>>) target_semaphore(%arg7 : memref<!tpu.dma_semaphore, #tpu.memory_space<semaphore_mem>>)
      %slice3A_210 = vector.extract_strided_slice %get3A_16 {offsets = [14], sizes = [1], strides = [1]} : vector<16xi32> to vector<1xi32>
      %squeeze3A_211 = vector.extract %slice3A_210[0] : i32 from vector<1xi32>
      %mul3A_212 = arith.constant 16 : i32
      %mul3A_213 = arith.muli %scan3A_13, %mul3A_212 : i32
      %add3A_214 = arith.constant 14 : i32
      %add3A_215 = arith.addi %mul3A_213, %add3A_214 : i32
      %dma_start3A_216 = arith.constant 0 : i32
      %dma_start3A_217 = tpu.memref_slice %arg6[%add3A_215, %dma_start3A_216] : memref<512x32xf32, #tpu.memory_space<vmem>> -> memref<1x32xf32, #tpu.memory_space<vmem>>
      %dma_start3A_218 = arith.constant 0 : i32
      %dma_start3A_219 = tpu.memref_slice %arg2[%squeeze3A_211, %dma_start3A_218] : memref<1000001x32xf32, #tpu.memory_space<hbm>> -> memref<1x32xf32, #tpu.memory_space<hbm>>
      %dma_start3A_220 = arith.constant 0 : i32
      %dma_start3A_221 = tpu.memref_slice %arg6[%add3A_215, %dma_start3A_220] : memref<512x32xf32, #tpu.memory_space<vmem>> -> memref<1x32xf32, #tpu.memory_space<vmem>>
      %dma_start3A_222 = arith.constant 0 : i32
      %dma_start3A_223 = tpu.memref_slice %arg2[%squeeze3A_211, %dma_start3A_222] : memref<1000001x32xf32, #tpu.memory_space<hbm>> -> memref<1x32xf32, #tpu.memory_space<hbm>>
      tpu.enqueue_dma source(%dma_start3A_223 : memref<1x32xf32, #tpu.memory_space<hbm>>) target(%dma_start3A_221 : memref<1x32xf32, #tpu.memory_space<vmem>>) target_semaphore(%arg7 : memref<!tpu.dma_semaphore, #tpu.memory_space<semaphore_mem>>)
      %slice3A_224 = vector.extract_strided_slice %get3A_16 {offsets = [15], sizes = [1], strides = [1]} : vector<16xi32> to vector<1xi32>
      %squeeze3A_225 = vector.extract %slice3A_224[0] : i32 from vector<1xi32>
      %mul3A_226 = arith.constant 16 : i32
      %mul3A_227 = arith.muli %scan3A_13, %mul3A_226 : i32
      %add3A_228 = arith.constant 15 : i32
      %add3A_229 = arith.addi %mul3A_227, %add3A_228 : i32
      %dma_start3A_230 = arith.constant 0 : i32
      %dma_start3A_231 = tpu.memref_slice %arg6[%add3A_229, %dma_start3A_230] : memref<512x32xf32, #tpu.memory_space<vmem>> -> memref<1x32xf32, #tpu.memory_space<vmem>>
      %dma_start3A_232 = arith.constant 0 : i32
      %dma_start3A_233 = tpu.memref_slice %arg2[%squeeze3A_225, %dma_start3A_232] : memref<1000001x32xf32, #tpu.memory_space<hbm>> -> memref<1x32xf32, #tpu.memory_space<hbm>>
      %dma_start3A_234 = arith.constant 0 : i32
      %dma_start3A_235 = tpu.memref_slice %arg6[%add3A_229, %dma_start3A_234] : memref<512x32xf32, #tpu.memory_space<vmem>> -> memref<1x32xf32, #tpu.memory_space<vmem>>
      %dma_start3A_236 = arith.constant 0 : i32
      %dma_start3A_237 = tpu.memref_slice %arg2[%squeeze3A_225, %dma_start3A_236] : memref<1000001x32xf32, #tpu.memory_space<hbm>> -> memref<1x32xf32, #tpu.memory_space<hbm>>
      tpu.enqueue_dma source(%dma_start3A_237 : memref<1x32xf32, #tpu.memory_space<hbm>>) target(%dma_start3A_235 : memref<1x32xf32, #tpu.memory_space<vmem>>) target_semaphore(%arg7 : memref<!tpu.dma_semaphore, #tpu.memory_space<semaphore_mem>>)
    }
    %scan3A_7 = arith.constant 32 : i32
    %dma_wait3A = arith.constant 0 : i32
    %dma_wait3A_8 = arith.constant 0 : i32
    %dma_wait3A_9 = tpu.memref_slice %arg2[%dma_wait3A, %dma_wait3A_8] : memref<1000001x32xf32, #tpu.memory_space<hbm>> -> memref<512x32xf32, #tpu.memory_space<hbm>>
    %dma_wait3A_10 = arith.constant 0 : i32
    %dma_wait3A_11 = arith.constant 0 : i32
    %dma_wait3A_12 = tpu.memref_slice %arg2[%dma_wait3A_10, %dma_wait3A_11] : memref<1000001x32xf32, #tpu.memory_space<hbm>> -> memref<512x32xf32, #tpu.memory_space<hbm>>
    tpu.wait_dma2 semaphore(%arg7 : memref<!tpu.dma_semaphore, #tpu.memory_space<semaphore_mem>>) src(%dma_wait3A_12 : memref<512x32xf32, #tpu.memory_space<hbm>>) dst(%arg6 : memref<512x32xf32, #tpu.memory_space<vmem>>)
    "tpu.region"() ({
      %run_scoped3A = tpu.sem_alloc : memref<!tpu.dma_semaphore, #tpu.memory_space<semaphore_mem>>
      %dma_start3A = arith.constant 0 : i32
      %dma_start3A_13 = tpu.memref_slice %arg4[%mul3A_2, %dma_start3A] : memref<16384x32xf32, #tpu.memory_space<hbm>> -> memref<512x32xf32, #tpu.memory_space<hbm>>
      %dma_start3A_14 = arith.constant 0 : i32
      %dma_start3A_15 = tpu.memref_slice %arg4[%mul3A_2, %dma_start3A_14] : memref<16384x32xf32, #tpu.memory_space<hbm>> -> memref<512x32xf32, #tpu.memory_space<hbm>>
      tpu.enqueue_dma source(%arg6 : memref<512x32xf32, #tpu.memory_space<vmem>>) target(%dma_start3A_15 : memref<512x32xf32, #tpu.memory_space<hbm>>) target_semaphore(%run_scoped3A : memref<!tpu.dma_semaphore, #tpu.memory_space<semaphore_mem>>)
      %dma_wait3A_16 = arith.constant 0 : i32
      %dma_wait3A_17 = tpu.memref_slice %arg4[%mul3A_2, %dma_wait3A_16] : memref<16384x32xf32, #tpu.memory_space<hbm>> -> memref<512x32xf32, #tpu.memory_space<hbm>>
      %dma_wait3A_18 = arith.constant 0 : i32
      %dma_wait3A_19 = tpu.memref_slice %arg4[%mul3A_2, %dma_wait3A_18] : memref<16384x32xf32, #tpu.memory_space<hbm>> -> memref<512x32xf32, #tpu.memory_space<hbm>>
      tpu.wait_dma2 semaphore(%run_scoped3A : memref<!tpu.dma_semaphore, #tpu.memory_space<semaphore_mem>>) src(%arg6 : memref<512x32xf32, #tpu.memory_space<vmem>>) dst(%dma_wait3A_19 : memref<512x32xf32, #tpu.memory_space<hbm>>)
      tpu.yield
    }) : () -> ()
    return
  }
}

#map = affine_map<(d0, d1) -> (0, 0)>
module attributes {stable_mosaic.version = 14 : i64} {
  func.func @_urm_body(%arg0: i32, %arg1: i32, %arg2: memref<16384x20xi32, #tpu.memory_space<hbm>>, %arg3: memref<16384x32xf32, #tpu.memory_space<hbm>>, %arg4: memref<1000001x32xf32, #tpu.memory_space<hbm>>, %arg5: memref<16384x20xf32, #tpu.memory_space<hbm>>, %arg6: memref<512x20xi32, #tpu.memory_space<vmem>>, %arg7: memref<10240xi32, #tpu.memory_space<vmem>>, %arg8: memref<512x32xf32, #tpu.memory_space<vmem>>, %arg9: memref<32x512xf32, #tpu.memory_space<vmem>>, %arg10: memref<320x32xf32, #tpu.memory_space<vmem>>, %arg11: memref<320x32xf32, #tpu.memory_space<vmem>>, %arg12: memref<512x20xf32, #tpu.memory_space<vmem>>, %arg13: memref<!tpu.dma_semaphore, #tpu.memory_space<semaphore_mem>>, %arg14: memref<!tpu.dma_semaphore, #tpu.memory_space<semaphore_mem>>) attributes {dimension_semantics = [#tpu.dimension_semantics<core_parallel>, #tpu.dimension_semantics<subcore_parallel>], iteration_bounds = array<i64: 2, 16>, scalar_prefetch = 0 : i64, scratch_operands = 9 : i64, tpu.core_type = #tpu.core_type<sc_vector_subcore>, window_params = [{transform_indices = #map}, {transform_indices = #map}, {transform_indices = #map}, {transform_indices = #map}]} {
    %mul3A = arith.constant 2 : i32
    %mul3A_0 = arith.muli %arg1, %mul3A : i32
    %add3A = arith.addi %mul3A_0, %arg0 : i32
    %iota3A = tpu.iota {dimensions = array<i32: 0>} : vector<16xi32>
    %mul3A_1 = arith.constant 512 : i32
    %mul3A_2 = arith.muli %add3A, %mul3A_1 : i32
    "tpu.region"() ({
      %run_scoped3A = tpu.sem_alloc : memref<!tpu.dma_semaphore, #tpu.memory_space<semaphore_mem>>
      %dma_start3A_43 = arith.constant 0 : i32
      %dma_start3A_44 = tpu.memref_slice %arg2[%mul3A_2, %dma_start3A_43] : memref<16384x20xi32, #tpu.memory_space<hbm>> -> memref<512x20xi32, #tpu.memory_space<hbm>>
      %dma_start3A_45 = arith.constant 0 : i32
      %dma_start3A_46 = tpu.memref_slice %arg2[%mul3A_2, %dma_start3A_45] : memref<16384x20xi32, #tpu.memory_space<hbm>> -> memref<512x20xi32, #tpu.memory_space<hbm>>
      tpu.enqueue_dma source(%dma_start3A_46 : memref<512x20xi32, #tpu.memory_space<hbm>>) target(%arg6 : memref<512x20xi32, #tpu.memory_space<vmem>>) target_semaphore(%run_scoped3A : memref<!tpu.dma_semaphore, #tpu.memory_space<semaphore_mem>>)
      %dma_wait3A = arith.constant 0 : i32
      %dma_wait3A_47 = tpu.memref_slice %arg2[%mul3A_2, %dma_wait3A] : memref<16384x20xi32, #tpu.memory_space<hbm>> -> memref<512x20xi32, #tpu.memory_space<hbm>>
      %dma_wait3A_48 = arith.constant 0 : i32
      %dma_wait3A_49 = tpu.memref_slice %arg2[%mul3A_2, %dma_wait3A_48] : memref<16384x20xi32, #tpu.memory_space<hbm>> -> memref<512x20xi32, #tpu.memory_space<hbm>>
      tpu.wait_dma2 semaphore(%run_scoped3A : memref<!tpu.dma_semaphore, #tpu.memory_space<semaphore_mem>>) src(%dma_wait3A_49 : memref<512x20xi32, #tpu.memory_space<hbm>>) dst(%arg6 : memref<512x20xi32, #tpu.memory_space<vmem>>)
      tpu.yield
    }) : () -> ()
    "tpu.region"() ({
      %run_scoped3A = tpu.sem_alloc : memref<!tpu.dma_semaphore, #tpu.memory_space<semaphore_mem>>
      %dma_start3A_43 = arith.constant 0 : i32
      %dma_start3A_44 = tpu.memref_slice %arg3[%mul3A_2, %dma_start3A_43] : memref<16384x32xf32, #tpu.memory_space<hbm>> -> memref<512x32xf32, #tpu.memory_space<hbm>>
      %dma_start3A_45 = arith.constant 0 : i32
      %dma_start3A_46 = tpu.memref_slice %arg3[%mul3A_2, %dma_start3A_45] : memref<16384x32xf32, #tpu.memory_space<hbm>> -> memref<512x32xf32, #tpu.memory_space<hbm>>
      tpu.enqueue_dma source(%dma_start3A_46 : memref<512x32xf32, #tpu.memory_space<hbm>>) target(%arg8 : memref<512x32xf32, #tpu.memory_space<vmem>>) target_semaphore(%run_scoped3A : memref<!tpu.dma_semaphore, #tpu.memory_space<semaphore_mem>>)
      %dma_wait3A = arith.constant 0 : i32
      %dma_wait3A_47 = tpu.memref_slice %arg3[%mul3A_2, %dma_wait3A] : memref<16384x32xf32, #tpu.memory_space<hbm>> -> memref<512x32xf32, #tpu.memory_space<hbm>>
      %dma_wait3A_48 = arith.constant 0 : i32
      %dma_wait3A_49 = tpu.memref_slice %arg3[%mul3A_2, %dma_wait3A_48] : memref<16384x32xf32, #tpu.memory_space<hbm>> -> memref<512x32xf32, #tpu.memory_space<hbm>>
      tpu.wait_dma2 semaphore(%run_scoped3A : memref<!tpu.dma_semaphore, #tpu.memory_space<semaphore_mem>>) src(%dma_wait3A_49 : memref<512x32xf32, #tpu.memory_space<hbm>>) dst(%arg8 : memref<512x32xf32, #tpu.memory_space<vmem>>)
      tpu.yield
    }) : () -> ()
    %scan3A = arith.constant 0 : i32
    %scan3A_3 = arith.constant 0 : i32
    %scan3A_4 = arith.constant 512 : i32
    %scan3A_5 = arith.addi %scan3A_3, %scan3A_4 : i32
    %scan3A_6 = arith.constant 1 : i32
    scf.for %scan3A_43 = %scan3A_3 to %scan3A_5 step %scan3A_6  : i32 {
      %get3A = arith.index_cast %scan3A_43 : i32 to index
      %get3A_44 = arith.constant 0 : index
      %get3A_45 = tpu.vector_load %arg6[%get3A, %get3A_44] {strides = array<i32>} : memref<512x20xi32, #tpu.memory_space<vmem>>, vector<16xi32>,
      %broadcast_in_dim3A = arith.constant 0 : i32
      %broadcast_in_dim3A_46 = vector.broadcast %broadcast_in_dim3A : i32 to vector<16xi32>
      %add3A_47 = vector.broadcast %scan3A_43 : i32 to vector<16xi32>
      %add3A_48 = arith.addi %broadcast_in_dim3A_46, %add3A_47 : vector<16xi32>
      %add3A_49 = arith.constant 4 : i32
      %add3A_50 = vector.broadcast %add3A_49 : i32 to vector<16xi32>
      %add3A_51 = arith.addi %iota3A, %add3A_50 : vector<16xi32>
      %gather3A = tpu.vector_load_idx %arg6[%add3A_48, %add3A_51] : memref<512x20xi32, #tpu.memory_space<vmem>>[vector<16xi32>, vector<16xi32>], vector<16xi32>,
      %mul3A_52 = arith.constant 20 : i32
      %mul3A_53 = arith.muli %scan3A_43, %mul3A_52 : i32
      %add3A_54 = vector.broadcast %mul3A_53 : i32 to vector<16xi32>
      %add3A_55 = arith.addi %add3A_54, %iota3A : vector<16xi32>
      tpu.vector_store_idx %arg7[%add3A_55], %get3A_45 : memref<10240xi32, #tpu.memory_space<vmem>>[vector<16xi32>], vector<16xi32>,
      %mul3A_56 = arith.constant 20 : i32
      %mul3A_57 = arith.muli %scan3A_43, %mul3A_56 : i32
      %add3A_58 = arith.constant 4 : i32
      %add3A_59 = arith.addi %mul3A_57, %add3A_58 : i32
      %add3A_60 = vector.broadcast %add3A_59 : i32 to vector<16xi32>
      %add3A_61 = arith.addi %add3A_60, %iota3A : vector<16xi32>
      tpu.vector_store_idx %arg7[%add3A_61], %gather3A : memref<10240xi32, #tpu.memory_space<vmem>>[vector<16xi32>], vector<16xi32>,
    }
    %scan3A_7 = arith.constant 512 : i32
    %scan3A_8 = arith.constant 0 : i32
    %scan3A_9 = arith.constant 0 : i32
    %scan3A_10 = arith.constant 32 : i32
    %scan3A_11 = arith.addi %scan3A_9, %scan3A_10 : i32
    %scan3A_12 = arith.constant 1 : i32
    scf.for %scan3A_43 = %scan3A_9 to %scan3A_11 step %scan3A_12  : i32 {
      %mul3A_44 = arith.constant 16 : i32
      %mul3A_45 = arith.muli %scan3A_43, %mul3A_44 : i32
      %add3A_46 = vector.broadcast %mul3A_45 : i32 to vector<16xi32>
      %add3A_47 = arith.addi %add3A_46, %iota3A : vector<16xi32>
      %broadcast_in_dim3A = arith.constant 0 : i32
      %broadcast_in_dim3A_48 = vector.broadcast %broadcast_in_dim3A : i32 to vector<16xi32>
      %gather3A = tpu.vector_load_idx %arg8[%add3A_47, %broadcast_in_dim3A_48] : memref<512x32xf32, #tpu.memory_space<vmem>>[vector<16xi32>, vector<16xi32>], vector<16xf32>,
      %mul3A_49 = arith.constant 16 : i32
      %mul3A_50 = arith.muli %scan3A_43, %mul3A_49 : i32
      %swap3A = arith.constant 0 : i32
      %swap3A_51 = arith.index_cast %swap3A : i32 to index
      %swap3A_52 = arith.index_cast %mul3A_50 : i32 to index
      %swap3A_53 = tpu.vector_load %arg9[%swap3A_51, %swap3A_52] {strides = array<i32>} : memref<32x512xf32, #tpu.memory_space<vmem>>, vector<16xf32>,
      tpu.vector_store %arg9[%swap3A_51, %swap3A_52], %gather3A {strides = array<i32>} : memref<32x512xf32, #tpu.memory_space<vmem>>, vector<16xf32>,
      %broadcast_in_dim3A_54 = arith.constant 1 : i32
      %broadcast_in_dim3A_55 = vector.broadcast %broadcast_in_dim3A_54 : i32 to vector<16xi32>
      %gather3A_56 = tpu.vector_load_idx %arg8[%add3A_47, %broadcast_in_dim3A_55] : memref<512x32xf32, #tpu.memory_space<vmem>>[vector<16xi32>, vector<16xi32>], vector<16xf32>,
      %mul3A_57 = arith.constant 16 : i32
      %mul3A_58 = arith.muli %scan3A_43, %mul3A_57 : i32
      %swap3A_59 = arith.constant 1 : i32
      %swap3A_60 = arith.index_cast %swap3A_59 : i32 to index
      %swap3A_61 = arith.index_cast %mul3A_58 : i32 to index
      %swap3A_62 = tpu.vector_load %arg9[%swap3A_60, %swap3A_61] {strides = array<i32>} : memref<32x512xf32, #tpu.memory_space<vmem>>, vector<16xf32>,
      tpu.vector_store %arg9[%swap3A_60, %swap3A_61], %gather3A_56 {strides = array<i32>} : memref<32x512xf32, #tpu.memory_space<vmem>>, vector<16xf32>,
      %broadcast_in_dim3A_63 = arith.constant 2 : i32
      %broadcast_in_dim3A_64 = vector.broadcast %broadcast_in_dim3A_63 : i32 to vector<16xi32>
      %gather3A_65 = tpu.vector_load_idx %arg8[%add3A_47, %broadcast_in_dim3A_64] : memref<512x32xf32, #tpu.memory_space<vmem>>[vector<16xi32>, vector<16xi32>], vector<16xf32>,
      %mul3A_66 = arith.constant 16 : i32
      %mul3A_67 = arith.muli %scan3A_43, %mul3A_66 : i32
      %swap3A_68 = arith.constant 2 : i32
      %swap3A_69 = arith.index_cast %swap3A_68 : i32 to index
      %swap3A_70 = arith.index_cast %mul3A_67 : i32 to index
      %swap3A_71 = tpu.vector_load %arg9[%swap3A_69, %swap3A_70] {strides = array<i32>} : memref<32x512xf32, #tpu.memory_space<vmem>>, vector<16xf32>,
      tpu.vector_store %arg9[%swap3A_69, %swap3A_70], %gather3A_65 {strides = array<i32>} : memref<32x512xf32, #tpu.memory_space<vmem>>, vector<16xf32>,
      %broadcast_in_dim3A_72 = arith.constant 3 : i32
      %broadcast_in_dim3A_73 = vector.broadcast %broadcast_in_dim3A_72 : i32 to vector<16xi32>
      %gather3A_74 = tpu.vector_load_idx %arg8[%add3A_47, %broadcast_in_dim3A_73] : memref<512x32xf32, #tpu.memory_space<vmem>>[vector<16xi32>, vector<16xi32>], vector<16xf32>,
      %mul3A_75 = arith.constant 16 : i32
      %mul3A_76 = arith.muli %scan3A_43, %mul3A_75 : i32
      %swap3A_77 = arith.constant 3 : i32
      %swap3A_78 = arith.index_cast %swap3A_77 : i32 to index
      %swap3A_79 = arith.index_cast %mul3A_76 : i32 to index
      %swap3A_80 = tpu.vector_load %arg9[%swap3A_78, %swap3A_79] {strides = array<i32>} : memref<32x512xf32, #tpu.memory_space<vmem>>, vector<16xf32>,
      tpu.vector_store %arg9[%swap3A_78, %swap3A_79], %gather3A_74 {strides = array<i32>} : memref<32x512xf32, #tpu.memory_space<vmem>>, vector<16xf32>,
      %broadcast_in_dim3A_81 = arith.constant 4 : i32
      %broadcast_in_dim3A_82 = vector.broadcast %broadcast_in_dim3A_81 : i32 to vector<16xi32>
      %gather3A_83 = tpu.vector_load_idx %arg8[%add3A_47, %broadcast_in_dim3A_82] : memref<512x32xf32, #tpu.memory_space<vmem>>[vector<16xi32>, vector<16xi32>], vector<16xf32>,
      %mul3A_84 = arith.constant 16 : i32
      %mul3A_85 = arith.muli %scan3A_43, %mul3A_84 : i32
      %swap3A_86 = arith.constant 4 : i32
      %swap3A_87 = arith.index_cast %swap3A_86 : i32 to index
      %swap3A_88 = arith.index_cast %mul3A_85 : i32 to index
      %swap3A_89 = tpu.vector_load %arg9[%swap3A_87, %swap3A_88] {strides = array<i32>} : memref<32x512xf32, #tpu.memory_space<vmem>>, vector<16xf32>,
      tpu.vector_store %arg9[%swap3A_87, %swap3A_88], %gather3A_83 {strides = array<i32>} : memref<32x512xf32, #tpu.memory_space<vmem>>, vector<16xf32>,
      %broadcast_in_dim3A_90 = arith.constant 5 : i32
      %broadcast_in_dim3A_91 = vector.broadcast %broadcast_in_dim3A_90 : i32 to vector<16xi32>
      %gather3A_92 = tpu.vector_load_idx %arg8[%add3A_47, %broadcast_in_dim3A_91] : memref<512x32xf32, #tpu.memory_space<vmem>>[vector<16xi32>, vector<16xi32>], vector<16xf32>,
      %mul3A_93 = arith.constant 16 : i32
      %mul3A_94 = arith.muli %scan3A_43, %mul3A_93 : i32
      %swap3A_95 = arith.constant 5 : i32
      %swap3A_96 = arith.index_cast %swap3A_95 : i32 to index
      %swap3A_97 = arith.index_cast %mul3A_94 : i32 to index
      %swap3A_98 = tpu.vector_load %arg9[%swap3A_96, %swap3A_97] {strides = array<i32>} : memref<32x512xf32, #tpu.memory_space<vmem>>, vector<16xf32>,
      tpu.vector_store %arg9[%swap3A_96, %swap3A_97], %gather3A_92 {strides = array<i32>} : memref<32x512xf32, #tpu.memory_space<vmem>>, vector<16xf32>,
      %broadcast_in_dim3A_99 = arith.constant 6 : i32
      %broadcast_in_dim3A_100 = vector.broadcast %broadcast_in_dim3A_99 : i32 to vector<16xi32>
      %gather3A_101 = tpu.vector_load_idx %arg8[%add3A_47, %broadcast_in_dim3A_100] : memref<512x32xf32, #tpu.memory_space<vmem>>[vector<16xi32>, vector<16xi32>], vector<16xf32>,
      %mul3A_102 = arith.constant 16 : i32
      %mul3A_103 = arith.muli %scan3A_43, %mul3A_102 : i32
      %swap3A_104 = arith.constant 6 : i32
      %swap3A_105 = arith.index_cast %swap3A_104 : i32 to index
      %swap3A_106 = arith.index_cast %mul3A_103 : i32 to index
      %swap3A_107 = tpu.vector_load %arg9[%swap3A_105, %swap3A_106] {strides = array<i32>} : memref<32x512xf32, #tpu.memory_space<vmem>>, vector<16xf32>,
      tpu.vector_store %arg9[%swap3A_105, %swap3A_106], %gather3A_101 {strides = array<i32>} : memref<32x512xf32, #tpu.memory_space<vmem>>, vector<16xf32>,
      %broadcast_in_dim3A_108 = arith.constant 7 : i32
      %broadcast_in_dim3A_109 = vector.broadcast %broadcast_in_dim3A_108 : i32 to vector<16xi32>
      %gather3A_110 = tpu.vector_load_idx %arg8[%add3A_47, %broadcast_in_dim3A_109] : memref<512x32xf32, #tpu.memory_space<vmem>>[vector<16xi32>, vector<16xi32>], vector<16xf32>,
      %mul3A_111 = arith.constant 16 : i32
      %mul3A_112 = arith.muli %scan3A_43, %mul3A_111 : i32
      %swap3A_113 = arith.constant 7 : i32
      %swap3A_114 = arith.index_cast %swap3A_113 : i32 to index
      %swap3A_115 = arith.index_cast %mul3A_112 : i32 to index
      %swap3A_116 = tpu.vector_load %arg9[%swap3A_114, %swap3A_115] {strides = array<i32>} : memref<32x512xf32, #tpu.memory_space<vmem>>, vector<16xf32>,
      tpu.vector_store %arg9[%swap3A_114, %swap3A_115], %gather3A_110 {strides = array<i32>} : memref<32x512xf32, #tpu.memory_space<vmem>>, vector<16xf32>,
      %broadcast_in_dim3A_117 = arith.constant 8 : i32
      %broadcast_in_dim3A_118 = vector.broadcast %broadcast_in_dim3A_117 : i32 to vector<16xi32>
      %gather3A_119 = tpu.vector_load_idx %arg8[%add3A_47, %broadcast_in_dim3A_118] : memref<512x32xf32, #tpu.memory_space<vmem>>[vector<16xi32>, vector<16xi32>], vector<16xf32>,
      %mul3A_120 = arith.constant 16 : i32
      %mul3A_121 = arith.muli %scan3A_43, %mul3A_120 : i32
      %swap3A_122 = arith.constant 8 : i32
      %swap3A_123 = arith.index_cast %swap3A_122 : i32 to index
      %swap3A_124 = arith.index_cast %mul3A_121 : i32 to index
      %swap3A_125 = tpu.vector_load %arg9[%swap3A_123, %swap3A_124] {strides = array<i32>} : memref<32x512xf32, #tpu.memory_space<vmem>>, vector<16xf32>,
      tpu.vector_store %arg9[%swap3A_123, %swap3A_124], %gather3A_119 {strides = array<i32>} : memref<32x512xf32, #tpu.memory_space<vmem>>, vector<16xf32>,
      %broadcast_in_dim3A_126 = arith.constant 9 : i32
      %broadcast_in_dim3A_127 = vector.broadcast %broadcast_in_dim3A_126 : i32 to vector<16xi32>
      %gather3A_128 = tpu.vector_load_idx %arg8[%add3A_47, %broadcast_in_dim3A_127] : memref<512x32xf32, #tpu.memory_space<vmem>>[vector<16xi32>, vector<16xi32>], vector<16xf32>,
      %mul3A_129 = arith.constant 16 : i32
      %mul3A_130 = arith.muli %scan3A_43, %mul3A_129 : i32
      %swap3A_131 = arith.constant 9 : i32
      %swap3A_132 = arith.index_cast %swap3A_131 : i32 to index
      %swap3A_133 = arith.index_cast %mul3A_130 : i32 to index
      %swap3A_134 = tpu.vector_load %arg9[%swap3A_132, %swap3A_133] {strides = array<i32>} : memref<32x512xf32, #tpu.memory_space<vmem>>, vector<16xf32>,
      tpu.vector_store %arg9[%swap3A_132, %swap3A_133], %gather3A_128 {strides = array<i32>} : memref<32x512xf32, #tpu.memory_space<vmem>>, vector<16xf32>,
      %broadcast_in_dim3A_135 = arith.constant 10 : i32
      %broadcast_in_dim3A_136 = vector.broadcast %broadcast_in_dim3A_135 : i32 to vector<16xi32>
      %gather3A_137 = tpu.vector_load_idx %arg8[%add3A_47, %broadcast_in_dim3A_136] : memref<512x32xf32, #tpu.memory_space<vmem>>[vector<16xi32>, vector<16xi32>], vector<16xf32>,
      %mul3A_138 = arith.constant 16 : i32
      %mul3A_139 = arith.muli %scan3A_43, %mul3A_138 : i32
      %swap3A_140 = arith.constant 10 : i32
      %swap3A_141 = arith.index_cast %swap3A_140 : i32 to index
      %swap3A_142 = arith.index_cast %mul3A_139 : i32 to index
      %swap3A_143 = tpu.vector_load %arg9[%swap3A_141, %swap3A_142] {strides = array<i32>} : memref<32x512xf32, #tpu.memory_space<vmem>>, vector<16xf32>,
      tpu.vector_store %arg9[%swap3A_141, %swap3A_142], %gather3A_137 {strides = array<i32>} : memref<32x512xf32, #tpu.memory_space<vmem>>, vector<16xf32>,
      %broadcast_in_dim3A_144 = arith.constant 11 : i32
      %broadcast_in_dim3A_145 = vector.broadcast %broadcast_in_dim3A_144 : i32 to vector<16xi32>
      %gather3A_146 = tpu.vector_load_idx %arg8[%add3A_47, %broadcast_in_dim3A_145] : memref<512x32xf32, #tpu.memory_space<vmem>>[vector<16xi32>, vector<16xi32>], vector<16xf32>,
      %mul3A_147 = arith.constant 16 : i32
      %mul3A_148 = arith.muli %scan3A_43, %mul3A_147 : i32
      %swap3A_149 = arith.constant 11 : i32
      %swap3A_150 = arith.index_cast %swap3A_149 : i32 to index
      %swap3A_151 = arith.index_cast %mul3A_148 : i32 to index
      %swap3A_152 = tpu.vector_load %arg9[%swap3A_150, %swap3A_151] {strides = array<i32>} : memref<32x512xf32, #tpu.memory_space<vmem>>, vector<16xf32>,
      tpu.vector_store %arg9[%swap3A_150, %swap3A_151], %gather3A_146 {strides = array<i32>} : memref<32x512xf32, #tpu.memory_space<vmem>>, vector<16xf32>,
      %broadcast_in_dim3A_153 = arith.constant 12 : i32
      %broadcast_in_dim3A_154 = vector.broadcast %broadcast_in_dim3A_153 : i32 to vector<16xi32>
      %gather3A_155 = tpu.vector_load_idx %arg8[%add3A_47, %broadcast_in_dim3A_154] : memref<512x32xf32, #tpu.memory_space<vmem>>[vector<16xi32>, vector<16xi32>], vector<16xf32>,
      %mul3A_156 = arith.constant 16 : i32
      %mul3A_157 = arith.muli %scan3A_43, %mul3A_156 : i32
      %swap3A_158 = arith.constant 12 : i32
      %swap3A_159 = arith.index_cast %swap3A_158 : i32 to index
      %swap3A_160 = arith.index_cast %mul3A_157 : i32 to index
      %swap3A_161 = tpu.vector_load %arg9[%swap3A_159, %swap3A_160] {strides = array<i32>} : memref<32x512xf32, #tpu.memory_space<vmem>>, vector<16xf32>,
      tpu.vector_store %arg9[%swap3A_159, %swap3A_160], %gather3A_155 {strides = array<i32>} : memref<32x512xf32, #tpu.memory_space<vmem>>, vector<16xf32>,
      %broadcast_in_dim3A_162 = arith.constant 13 : i32
      %broadcast_in_dim3A_163 = vector.broadcast %broadcast_in_dim3A_162 : i32 to vector<16xi32>
      %gather3A_164 = tpu.vector_load_idx %arg8[%add3A_47, %broadcast_in_dim3A_163] : memref<512x32xf32, #tpu.memory_space<vmem>>[vector<16xi32>, vector<16xi32>], vector<16xf32>,
      %mul3A_165 = arith.constant 16 : i32
      %mul3A_166 = arith.muli %scan3A_43, %mul3A_165 : i32
      %swap3A_167 = arith.constant 13 : i32
      %swap3A_168 = arith.index_cast %swap3A_167 : i32 to index
      %swap3A_169 = arith.index_cast %mul3A_166 : i32 to index
      %swap3A_170 = tpu.vector_load %arg9[%swap3A_168, %swap3A_169] {strides = array<i32>} : memref<32x512xf32, #tpu.memory_space<vmem>>, vector<16xf32>,
      tpu.vector_store %arg9[%swap3A_168, %swap3A_169], %gather3A_164 {strides = array<i32>} : memref<32x512xf32, #tpu.memory_space<vmem>>, vector<16xf32>,
      %broadcast_in_dim3A_171 = arith.constant 14 : i32
      %broadcast_in_dim3A_172 = vector.broadcast %broadcast_in_dim3A_171 : i32 to vector<16xi32>
      %gather3A_173 = tpu.vector_load_idx %arg8[%add3A_47, %broadcast_in_dim3A_172] : memref<512x32xf32, #tpu.memory_space<vmem>>[vector<16xi32>, vector<16xi32>], vector<16xf32>,
      %mul3A_174 = arith.constant 16 : i32
      %mul3A_175 = arith.muli %scan3A_43, %mul3A_174 : i32
      %swap3A_176 = arith.constant 14 : i32
      %swap3A_177 = arith.index_cast %swap3A_176 : i32 to index
      %swap3A_178 = arith.index_cast %mul3A_175 : i32 to index
      %swap3A_179 = tpu.vector_load %arg9[%swap3A_177, %swap3A_178] {strides = array<i32>} : memref<32x512xf32, #tpu.memory_space<vmem>>, vector<16xf32>,
      tpu.vector_store %arg9[%swap3A_177, %swap3A_178], %gather3A_173 {strides = array<i32>} : memref<32x512xf32, #tpu.memory_space<vmem>>, vector<16xf32>,
      %broadcast_in_dim3A_180 = arith.constant 15 : i32
      %broadcast_in_dim3A_181 = vector.broadcast %broadcast_in_dim3A_180 : i32 to vector<16xi32>
      %gather3A_182 = tpu.vector_load_idx %arg8[%add3A_47, %broadcast_in_dim3A_181] : memref<512x32xf32, #tpu.memory_space<vmem>>[vector<16xi32>, vector<16xi32>], vector<16xf32>,
      %mul3A_183 = arith.constant 16 : i32
      %mul3A_184 = arith.muli %scan3A_43, %mul3A_183 : i32
      %swap3A_185 = arith.constant 15 : i32
      %swap3A_186 = arith.index_cast %swap3A_185 : i32 to index
      %swap3A_187 = arith.index_cast %mul3A_184 : i32 to index
      %swap3A_188 = tpu.vector_load %arg9[%swap3A_186, %swap3A_187] {strides = array<i32>} : memref<32x512xf32, #tpu.memory_space<vmem>>, vector<16xf32>,
      tpu.vector_store %arg9[%swap3A_186, %swap3A_187], %gather3A_182 {strides = array<i32>} : memref<32x512xf32, #tpu.memory_space<vmem>>, vector<16xf32>,
      %broadcast_in_dim3A_189 = arith.constant 16 : i32
      %broadcast_in_dim3A_190 = vector.broadcast %broadcast_in_dim3A_189 : i32 to vector<16xi32>
      %gather3A_191 = tpu.vector_load_idx %arg8[%add3A_47, %broadcast_in_dim3A_190] : memref<512x32xf32, #tpu.memory_space<vmem>>[vector<16xi32>, vector<16xi32>], vector<16xf32>,
      %mul3A_192 = arith.constant 16 : i32
      %mul3A_193 = arith.muli %scan3A_43, %mul3A_192 : i32
      %swap3A_194 = arith.constant 16 : i32
      %swap3A_195 = arith.index_cast %swap3A_194 : i32 to index
      %swap3A_196 = arith.index_cast %mul3A_193 : i32 to index
      %swap3A_197 = tpu.vector_load %arg9[%swap3A_195, %swap3A_196] {strides = array<i32>} : memref<32x512xf32, #tpu.memory_space<vmem>>, vector<16xf32>,
      tpu.vector_store %arg9[%swap3A_195, %swap3A_196], %gather3A_191 {strides = array<i32>} : memref<32x512xf32, #tpu.memory_space<vmem>>, vector<16xf32>,
      %broadcast_in_dim3A_198 = arith.constant 17 : i32
      %broadcast_in_dim3A_199 = vector.broadcast %broadcast_in_dim3A_198 : i32 to vector<16xi32>
      %gather3A_200 = tpu.vector_load_idx %arg8[%add3A_47, %broadcast_in_dim3A_199] : memref<512x32xf32, #tpu.memory_space<vmem>>[vector<16xi32>, vector<16xi32>], vector<16xf32>,
      %mul3A_201 = arith.constant 16 : i32
      %mul3A_202 = arith.muli %scan3A_43, %mul3A_201 : i32
      %swap3A_203 = arith.constant 17 : i32
      %swap3A_204 = arith.index_cast %swap3A_203 : i32 to index
      %swap3A_205 = arith.index_cast %mul3A_202 : i32 to index
      %swap3A_206 = tpu.vector_load %arg9[%swap3A_204, %swap3A_205] {strides = array<i32>} : memref<32x512xf32, #tpu.memory_space<vmem>>, vector<16xf32>,
      tpu.vector_store %arg9[%swap3A_204, %swap3A_205], %gather3A_200 {strides = array<i32>} : memref<32x512xf32, #tpu.memory_space<vmem>>, vector<16xf32>,
      %broadcast_in_dim3A_207 = arith.constant 18 : i32
      %broadcast_in_dim3A_208 = vector.broadcast %broadcast_in_dim3A_207 : i32 to vector<16xi32>
      %gather3A_209 = tpu.vector_load_idx %arg8[%add3A_47, %broadcast_in_dim3A_208] : memref<512x32xf32, #tpu.memory_space<vmem>>[vector<16xi32>, vector<16xi32>], vector<16xf32>,
      %mul3A_210 = arith.constant 16 : i32
      %mul3A_211 = arith.muli %scan3A_43, %mul3A_210 : i32
      %swap3A_212 = arith.constant 18 : i32
      %swap3A_213 = arith.index_cast %swap3A_212 : i32 to index
      %swap3A_214 = arith.index_cast %mul3A_211 : i32 to index
      %swap3A_215 = tpu.vector_load %arg9[%swap3A_213, %swap3A_214] {strides = array<i32>} : memref<32x512xf32, #tpu.memory_space<vmem>>, vector<16xf32>,
      tpu.vector_store %arg9[%swap3A_213, %swap3A_214], %gather3A_209 {strides = array<i32>} : memref<32x512xf32, #tpu.memory_space<vmem>>, vector<16xf32>,
      %broadcast_in_dim3A_216 = arith.constant 19 : i32
      %broadcast_in_dim3A_217 = vector.broadcast %broadcast_in_dim3A_216 : i32 to vector<16xi32>
      %gather3A_218 = tpu.vector_load_idx %arg8[%add3A_47, %broadcast_in_dim3A_217] : memref<512x32xf32, #tpu.memory_space<vmem>>[vector<16xi32>, vector<16xi32>], vector<16xf32>,
      %mul3A_219 = arith.constant 16 : i32
      %mul3A_220 = arith.muli %scan3A_43, %mul3A_219 : i32
      %swap3A_221 = arith.constant 19 : i32
      %swap3A_222 = arith.index_cast %swap3A_221 : i32 to index
      %swap3A_223 = arith.index_cast %mul3A_220 : i32 to index
      %swap3A_224 = tpu.vector_load %arg9[%swap3A_222, %swap3A_223] {strides = array<i32>} : memref<32x512xf32, #tpu.memory_space<vmem>>, vector<16xf32>,
      tpu.vector_store %arg9[%swap3A_222, %swap3A_223], %gather3A_218 {strides = array<i32>} : memref<32x512xf32, #tpu.memory_space<vmem>>, vector<16xf32>,
      %broadcast_in_dim3A_225 = arith.constant 20 : i32
      %broadcast_in_dim3A_226 = vector.broadcast %broadcast_in_dim3A_225 : i32 to vector<16xi32>
      %gather3A_227 = tpu.vector_load_idx %arg8[%add3A_47, %broadcast_in_dim3A_226] : memref<512x32xf32, #tpu.memory_space<vmem>>[vector<16xi32>, vector<16xi32>], vector<16xf32>,
      %mul3A_228 = arith.constant 16 : i32
      %mul3A_229 = arith.muli %scan3A_43, %mul3A_228 : i32
      %swap3A_230 = arith.constant 20 : i32
      %swap3A_231 = arith.index_cast %swap3A_230 : i32 to index
      %swap3A_232 = arith.index_cast %mul3A_229 : i32 to index
      %swap3A_233 = tpu.vector_load %arg9[%swap3A_231, %swap3A_232] {strides = array<i32>} : memref<32x512xf32, #tpu.memory_space<vmem>>, vector<16xf32>,
      tpu.vector_store %arg9[%swap3A_231, %swap3A_232], %gather3A_227 {strides = array<i32>} : memref<32x512xf32, #tpu.memory_space<vmem>>, vector<16xf32>,
      %broadcast_in_dim3A_234 = arith.constant 21 : i32
      %broadcast_in_dim3A_235 = vector.broadcast %broadcast_in_dim3A_234 : i32 to vector<16xi32>
      %gather3A_236 = tpu.vector_load_idx %arg8[%add3A_47, %broadcast_in_dim3A_235] : memref<512x32xf32, #tpu.memory_space<vmem>>[vector<16xi32>, vector<16xi32>], vector<16xf32>,
      %mul3A_237 = arith.constant 16 : i32
      %mul3A_238 = arith.muli %scan3A_43, %mul3A_237 : i32
      %swap3A_239 = arith.constant 21 : i32
      %swap3A_240 = arith.index_cast %swap3A_239 : i32 to index
      %swap3A_241 = arith.index_cast %mul3A_238 : i32 to index
      %swap3A_242 = tpu.vector_load %arg9[%swap3A_240, %swap3A_241] {strides = array<i32>} : memref<32x512xf32, #tpu.memory_space<vmem>>, vector<16xf32>,
      tpu.vector_store %arg9[%swap3A_240, %swap3A_241], %gather3A_236 {strides = array<i32>} : memref<32x512xf32, #tpu.memory_space<vmem>>, vector<16xf32>,
      %broadcast_in_dim3A_243 = arith.constant 22 : i32
      %broadcast_in_dim3A_244 = vector.broadcast %broadcast_in_dim3A_243 : i32 to vector<16xi32>
      %gather3A_245 = tpu.vector_load_idx %arg8[%add3A_47, %broadcast_in_dim3A_244] : memref<512x32xf32, #tpu.memory_space<vmem>>[vector<16xi32>, vector<16xi32>], vector<16xf32>,
      %mul3A_246 = arith.constant 16 : i32
      %mul3A_247 = arith.muli %scan3A_43, %mul3A_246 : i32
      %swap3A_248 = arith.constant 22 : i32
      %swap3A_249 = arith.index_cast %swap3A_248 : i32 to index
      %swap3A_250 = arith.index_cast %mul3A_247 : i32 to index
      %swap3A_251 = tpu.vector_load %arg9[%swap3A_249, %swap3A_250] {strides = array<i32>} : memref<32x512xf32, #tpu.memory_space<vmem>>, vector<16xf32>,
      tpu.vector_store %arg9[%swap3A_249, %swap3A_250], %gather3A_245 {strides = array<i32>} : memref<32x512xf32, #tpu.memory_space<vmem>>, vector<16xf32>,
      %broadcast_in_dim3A_252 = arith.constant 23 : i32
      %broadcast_in_dim3A_253 = vector.broadcast %broadcast_in_dim3A_252 : i32 to vector<16xi32>
      %gather3A_254 = tpu.vector_load_idx %arg8[%add3A_47, %broadcast_in_dim3A_253] : memref<512x32xf32, #tpu.memory_space<vmem>>[vector<16xi32>, vector<16xi32>], vector<16xf32>,
      %mul3A_255 = arith.constant 16 : i32
      %mul3A_256 = arith.muli %scan3A_43, %mul3A_255 : i32
      %swap3A_257 = arith.constant 23 : i32
      %swap3A_258 = arith.index_cast %swap3A_257 : i32 to index
      %swap3A_259 = arith.index_cast %mul3A_256 : i32 to index
      %swap3A_260 = tpu.vector_load %arg9[%swap3A_258, %swap3A_259] {strides = array<i32>} : memref<32x512xf32, #tpu.memory_space<vmem>>, vector<16xf32>,
      tpu.vector_store %arg9[%swap3A_258, %swap3A_259], %gather3A_254 {strides = array<i32>} : memref<32x512xf32, #tpu.memory_space<vmem>>, vector<16xf32>,
      %broadcast_in_dim3A_261 = arith.constant 24 : i32
      %broadcast_in_dim3A_262 = vector.broadcast %broadcast_in_dim3A_261 : i32 to vector<16xi32>
      %gather3A_263 = tpu.vector_load_idx %arg8[%add3A_47, %broadcast_in_dim3A_262] : memref<512x32xf32, #tpu.memory_space<vmem>>[vector<16xi32>, vector<16xi32>], vector<16xf32>,
      %mul3A_264 = arith.constant 16 : i32
      %mul3A_265 = arith.muli %scan3A_43, %mul3A_264 : i32
      %swap3A_266 = arith.constant 24 : i32
      %swap3A_267 = arith.index_cast %swap3A_266 : i32 to index
      %swap3A_268 = arith.index_cast %mul3A_265 : i32 to index
      %swap3A_269 = tpu.vector_load %arg9[%swap3A_267, %swap3A_268] {strides = array<i32>} : memref<32x512xf32, #tpu.memory_space<vmem>>, vector<16xf32>,
      tpu.vector_store %arg9[%swap3A_267, %swap3A_268], %gather3A_263 {strides = array<i32>} : memref<32x512xf32, #tpu.memory_space<vmem>>, vector<16xf32>,
      %broadcast_in_dim3A_270 = arith.constant 25 : i32
      %broadcast_in_dim3A_271 = vector.broadcast %broadcast_in_dim3A_270 : i32 to vector<16xi32>
      %gather3A_272 = tpu.vector_load_idx %arg8[%add3A_47, %broadcast_in_dim3A_271] : memref<512x32xf32, #tpu.memory_space<vmem>>[vector<16xi32>, vector<16xi32>], vector<16xf32>,
      %mul3A_273 = arith.constant 16 : i32
      %mul3A_274 = arith.muli %scan3A_43, %mul3A_273 : i32
      %swap3A_275 = arith.constant 25 : i32
      %swap3A_276 = arith.index_cast %swap3A_275 : i32 to index
      %swap3A_277 = arith.index_cast %mul3A_274 : i32 to index
      %swap3A_278 = tpu.vector_load %arg9[%swap3A_276, %swap3A_277] {strides = array<i32>} : memref<32x512xf32, #tpu.memory_space<vmem>>, vector<16xf32>,
      tpu.vector_store %arg9[%swap3A_276, %swap3A_277], %gather3A_272 {strides = array<i32>} : memref<32x512xf32, #tpu.memory_space<vmem>>, vector<16xf32>,
      %broadcast_in_dim3A_279 = arith.constant 26 : i32
      %broadcast_in_dim3A_280 = vector.broadcast %broadcast_in_dim3A_279 : i32 to vector<16xi32>
      %gather3A_281 = tpu.vector_load_idx %arg8[%add3A_47, %broadcast_in_dim3A_280] : memref<512x32xf32, #tpu.memory_space<vmem>>[vector<16xi32>, vector<16xi32>], vector<16xf32>,
      %mul3A_282 = arith.constant 16 : i32
      %mul3A_283 = arith.muli %scan3A_43, %mul3A_282 : i32
      %swap3A_284 = arith.constant 26 : i32
      %swap3A_285 = arith.index_cast %swap3A_284 : i32 to index
      %swap3A_286 = arith.index_cast %mul3A_283 : i32 to index
      %swap3A_287 = tpu.vector_load %arg9[%swap3A_285, %swap3A_286] {strides = array<i32>} : memref<32x512xf32, #tpu.memory_space<vmem>>, vector<16xf32>,
      tpu.vector_store %arg9[%swap3A_285, %swap3A_286], %gather3A_281 {strides = array<i32>} : memref<32x512xf32, #tpu.memory_space<vmem>>, vector<16xf32>,
      %broadcast_in_dim3A_288 = arith.constant 27 : i32
      %broadcast_in_dim3A_289 = vector.broadcast %broadcast_in_dim3A_288 : i32 to vector<16xi32>
      %gather3A_290 = tpu.vector_load_idx %arg8[%add3A_47, %broadcast_in_dim3A_289] : memref<512x32xf32, #tpu.memory_space<vmem>>[vector<16xi32>, vector<16xi32>], vector<16xf32>,
      %mul3A_291 = arith.constant 16 : i32
      %mul3A_292 = arith.muli %scan3A_43, %mul3A_291 : i32
      %swap3A_293 = arith.constant 27 : i32
      %swap3A_294 = arith.index_cast %swap3A_293 : i32 to index
      %swap3A_295 = arith.index_cast %mul3A_292 : i32 to index
      %swap3A_296 = tpu.vector_load %arg9[%swap3A_294, %swap3A_295] {strides = array<i32>} : memref<32x512xf32, #tpu.memory_space<vmem>>, vector<16xf32>,
      tpu.vector_store %arg9[%swap3A_294, %swap3A_295], %gather3A_290 {strides = array<i32>} : memref<32x512xf32, #tpu.memory_space<vmem>>, vector<16xf32>,
      %broadcast_in_dim3A_297 = arith.constant 28 : i32
      %broadcast_in_dim3A_298 = vector.broadcast %broadcast_in_dim3A_297 : i32 to vector<16xi32>
      %gather3A_299 = tpu.vector_load_idx %arg8[%add3A_47, %broadcast_in_dim3A_298] : memref<512x32xf32, #tpu.memory_space<vmem>>[vector<16xi32>, vector<16xi32>], vector<16xf32>,
      %mul3A_300 = arith.constant 16 : i32
      %mul3A_301 = arith.muli %scan3A_43, %mul3A_300 : i32
      %swap3A_302 = arith.constant 28 : i32
      %swap3A_303 = arith.index_cast %swap3A_302 : i32 to index
      %swap3A_304 = arith.index_cast %mul3A_301 : i32 to index
      %swap3A_305 = tpu.vector_load %arg9[%swap3A_303, %swap3A_304] {strides = array<i32>} : memref<32x512xf32, #tpu.memory_space<vmem>>, vector<16xf32>,
      tpu.vector_store %arg9[%swap3A_303, %swap3A_304], %gather3A_299 {strides = array<i32>} : memref<32x512xf32, #tpu.memory_space<vmem>>, vector<16xf32>,
      %broadcast_in_dim3A_306 = arith.constant 29 : i32
      %broadcast_in_dim3A_307 = vector.broadcast %broadcast_in_dim3A_306 : i32 to vector<16xi32>
      %gather3A_308 = tpu.vector_load_idx %arg8[%add3A_47, %broadcast_in_dim3A_307] : memref<512x32xf32, #tpu.memory_space<vmem>>[vector<16xi32>, vector<16xi32>], vector<16xf32>,
      %mul3A_309 = arith.constant 16 : i32
      %mul3A_310 = arith.muli %scan3A_43, %mul3A_309 : i32
      %swap3A_311 = arith.constant 29 : i32
      %swap3A_312 = arith.index_cast %swap3A_311 : i32 to index
      %swap3A_313 = arith.index_cast %mul3A_310 : i32 to index
      %swap3A_314 = tpu.vector_load %arg9[%swap3A_312, %swap3A_313] {strides = array<i32>} : memref<32x512xf32, #tpu.memory_space<vmem>>, vector<16xf32>,
      tpu.vector_store %arg9[%swap3A_312, %swap3A_313], %gather3A_308 {strides = array<i32>} : memref<32x512xf32, #tpu.memory_space<vmem>>, vector<16xf32>,
      %broadcast_in_dim3A_315 = arith.constant 30 : i32
      %broadcast_in_dim3A_316 = vector.broadcast %broadcast_in_dim3A_315 : i32 to vector<16xi32>
      %gather3A_317 = tpu.vector_load_idx %arg8[%add3A_47, %broadcast_in_dim3A_316] : memref<512x32xf32, #tpu.memory_space<vmem>>[vector<16xi32>, vector<16xi32>], vector<16xf32>,
      %mul3A_318 = arith.constant 16 : i32
      %mul3A_319 = arith.muli %scan3A_43, %mul3A_318 : i32
      %swap3A_320 = arith.constant 30 : i32
      %swap3A_321 = arith.index_cast %swap3A_320 : i32 to index
      %swap3A_322 = arith.index_cast %mul3A_319 : i32 to index
      %swap3A_323 = tpu.vector_load %arg9[%swap3A_321, %swap3A_322] {strides = array<i32>} : memref<32x512xf32, #tpu.memory_space<vmem>>, vector<16xf32>,
      tpu.vector_store %arg9[%swap3A_321, %swap3A_322], %gather3A_317 {strides = array<i32>} : memref<32x512xf32, #tpu.memory_space<vmem>>, vector<16xf32>,
      %broadcast_in_dim3A_324 = arith.constant 31 : i32
      %broadcast_in_dim3A_325 = vector.broadcast %broadcast_in_dim3A_324 : i32 to vector<16xi32>
      %gather3A_326 = tpu.vector_load_idx %arg8[%add3A_47, %broadcast_in_dim3A_325] : memref<512x32xf32, #tpu.memory_space<vmem>>[vector<16xi32>, vector<16xi32>], vector<16xf32>,
      %mul3A_327 = arith.constant 16 : i32
      %mul3A_328 = arith.muli %scan3A_43, %mul3A_327 : i32
      %swap3A_329 = arith.constant 31 : i32
      %swap3A_330 = arith.index_cast %swap3A_329 : i32 to index
      %swap3A_331 = arith.index_cast %mul3A_328 : i32 to index
      %swap3A_332 = tpu.vector_load %arg9[%swap3A_330, %swap3A_331] {strides = array<i32>} : memref<32x512xf32, #tpu.memory_space<vmem>>, vector<16xf32>,
      tpu.vector_store %arg9[%swap3A_330, %swap3A_331], %gather3A_326 {strides = array<i32>} : memref<32x512xf32, #tpu.memory_space<vmem>>, vector<16xf32>,
    }
    %scan3A_13 = arith.constant 32 : i32
    %dma_start3A = arith.constant 0 : i32
    %dma_start3A_14 = arith.constant 0 : i32
    %dma_start3A_15 = tpu.memref_slice %arg10[%dma_start3A, %dma_start3A_14] : memref<320x32xf32, #tpu.memory_space<vmem>> -> memref<128x32xf32, #tpu.memory_space<vmem>>
    %dma_start3A_16 = arith.constant 0 : i32
    %dma_start3A_17 = tpu.memref_slice %arg7[%dma_start3A_16] : memref<10240xi32, #tpu.memory_space<vmem>> -> memref<128xi32, #tpu.memory_space<vmem>>
    %dma_start3A_18 = arith.constant 0 : i32
    %dma_start3A_19 = arith.constant 0 : i32
    %dma_start3A_20 = tpu.memref_slice %arg4[%dma_start3A_18, %dma_start3A_19] : memref<1000001x32xf32, #tpu.memory_space<hbm>> -> memref<1000001x32xf32, #tpu.memory_space<hbm>>
    tpu.enqueue_indirect_dma source(%dma_start3A_20 : memref<1000001x32xf32, #tpu.memory_space<hbm>>) target(%dma_start3A_15 : memref<128x32xf32, #tpu.memory_space<vmem>>) offsets(%dma_start3A_17 : memref<128xi32, #tpu.memory_space<vmem>>) semaphore(%arg13 : memref<!tpu.dma_semaphore, #tpu.memory_space<semaphore_mem>>)
    %dma_start3A_21 = arith.constant 128 : i32
    %dma_start3A_22 = arith.constant 0 : i32
    %dma_start3A_23 = tpu.memref_slice %arg10[%dma_start3A_21, %dma_start3A_22] : memref<320x32xf32, #tpu.memory_space<vmem>> -> memref<128x32xf32, #tpu.memory_space<vmem>>
    %dma_start3A_24 = arith.constant 128 : i32
    %dma_start3A_25 = tpu.memref_slice %arg7[%dma_start3A_24] : memref<10240xi32, #tpu.memory_space<vmem>> -> memref<128xi32, #tpu.memory_space<vmem>>
    %dma_start3A_26 = arith.constant 0 : i32
    %dma_start3A_27 = arith.constant 0 : i32
    %dma_start3A_28 = tpu.memref_slice %arg4[%dma_start3A_26, %dma_start3A_27] : memref<1000001x32xf32, #tpu.memory_space<hbm>> -> memref<1000001x32xf32, #tpu.memory_space<hbm>>
    tpu.enqueue_indirect_dma source(%dma_start3A_28 : memref<1000001x32xf32, #tpu.memory_space<hbm>>) target(%dma_start3A_23 : memref<128x32xf32, #tpu.memory_space<vmem>>) offsets(%dma_start3A_25 : memref<128xi32, #tpu.memory_space<vmem>>) semaphore(%arg13 : memref<!tpu.dma_semaphore, #tpu.memory_space<semaphore_mem>>)
    %dma_start3A_29 = arith.constant 256 : i32
    %dma_start3A_30 = arith.constant 0 : i32
    %dma_start3A_31 = tpu.memref_slice %arg10[%dma_start3A_29, %dma_start3A_30] : memref<320x32xf32, #tpu.memory_space<vmem>> -> memref<64x32xf32, #tpu.memory_space<vmem>>
    %dma_start3A_32 = arith.constant 256 : i32
    %dma_start3A_33 = tpu.memref_slice %arg7[%dma_start3A_32] : memref<10240xi32, #tpu.memory_space<vmem>> -> memref<64xi32, #tpu.memory_space<vmem>>
    %dma_start3A_34 = arith.constant 0 : i32
    %dma_start3A_35 = arith.constant 0 : i32
    %dma_start3A_36 = tpu.memref_slice %arg4[%dma_start3A_34, %dma_start3A_35] : memref<1000001x32xf32, #tpu.memory_space<hbm>> -> memref<1000001x32xf32, #tpu.memory_space<hbm>>
    tpu.enqueue_indirect_dma source(%dma_start3A_36 : memref<1000001x32xf32, #tpu.memory_space<hbm>>) target(%dma_start3A_31 : memref<64x32xf32, #tpu.memory_space<vmem>>) offsets(%dma_start3A_33 : memref<64xi32, #tpu.memory_space<vmem>>) semaphore(%arg13 : memref<!tpu.dma_semaphore, #tpu.memory_space<semaphore_mem>>)
    %scan3A_37 = arith.constant 0 : i32
    %scan3A_38 = arith.constant 0 : i32
    %scan3A_39 = arith.constant 16 : i32
    %scan3A_40 = arith.addi %scan3A_38, %scan3A_39 : i32
    %scan3A_41 = arith.constant 1 : i32
    scf.for %scan3A_43 = %scan3A_38 to %scan3A_40 step %scan3A_41  : i32 {
      %mul3A_44 = arith.constant 2 : i32
      %mul3A_45 = arith.muli %mul3A_44, %scan3A_43 : i32
      %add3A_46 = arith.constant 1 : i32
      %add3A_47 = arith.addi %mul3A_45, %add3A_46 : i32
      %mul3A_48 = arith.constant 320 : i32
      %mul3A_49 = arith.muli %add3A_47, %mul3A_48 : i32
      %dma_start3A_50 = arith.constant 0 : i32
      %dma_start3A_51 = arith.constant 0 : i32
      %dma_start3A_52 = tpu.memref_slice %arg11[%dma_start3A_50, %dma_start3A_51] : memref<320x32xf32, #tpu.memory_space<vmem>> -> memref<128x32xf32, #tpu.memory_space<vmem>>
      %dma_start3A_53 = tpu.memref_slice %arg7[%mul3A_49] : memref<10240xi32, #tpu.memory_space<vmem>> -> memref<128xi32, #tpu.memory_space<vmem>>
      %dma_start3A_54 = arith.constant 0 : i32
      %dma_start3A_55 = arith.constant 0 : i32
      %dma_start3A_56 = tpu.memref_slice %arg4[%dma_start3A_54, %dma_start3A_55] : memref<1000001x32xf32, #tpu.memory_space<hbm>> -> memref<1000001x32xf32, #tpu.memory_space<hbm>>
      tpu.enqueue_indirect_dma source(%dma_start3A_56 : memref<1000001x32xf32, #tpu.memory_space<hbm>>) target(%dma_start3A_52 : memref<128x32xf32, #tpu.memory_space<vmem>>) offsets(%dma_start3A_53 : memref<128xi32, #tpu.memory_space<vmem>>) semaphore(%arg14 : memref<!tpu.dma_semaphore, #tpu.memory_space<semaphore_mem>>)
      %add3A_57 = arith.constant 128 : i32
      %add3A_58 = arith.addi %mul3A_49, %add3A_57 : i32
      %dma_start3A_59 = arith.constant 128 : i32
      %dma_start3A_60 = arith.constant 0 : i32
      %dma_start3A_61 = tpu.memref_slice %arg11[%dma_start3A_59, %dma_start3A_60] : memref<320x32xf32, #tpu.memory_space<vmem>> -> memref<128x32xf32, #tpu.memory_space<vmem>>
      %dma_start3A_62 = tpu.memref_slice %arg7[%add3A_58] : memref<10240xi32, #tpu.memory_space<vmem>> -> memref<128xi32, #tpu.memory_space<vmem>>
      %dma_start3A_63 = arith.constant 0 : i32
      %dma_start3A_64 = arith.constant 0 : i32
      %dma_start3A_65 = tpu.memref_slice %arg4[%dma_start3A_63, %dma_start3A_64] : memref<1000001x32xf32, #tpu.memory_space<hbm>> -> memref<1000001x32xf32, #tpu.memory_space<hbm>>
      tpu.enqueue_indirect_dma source(%dma_start3A_65 : memref<1000001x32xf32, #tpu.memory_space<hbm>>) target(%dma_start3A_61 : memref<128x32xf32, #tpu.memory_space<vmem>>) offsets(%dma_start3A_62 : memref<128xi32, #tpu.memory_space<vmem>>) semaphore(%arg14 : memref<!tpu.dma_semaphore, #tpu.memory_space<semaphore_mem>>)
      %add3A_66 = arith.constant 256 : i32
      %add3A_67 = arith.addi %mul3A_49, %add3A_66 : i32
      %dma_start3A_68 = arith.constant 256 : i32
      %dma_start3A_69 = arith.constant 0 : i32
      %dma_start3A_70 = tpu.memref_slice %arg11[%dma_start3A_68, %dma_start3A_69] : memref<320x32xf32, #tpu.memory_space<vmem>> -> memref<64x32xf32, #tpu.memory_space<vmem>>
      %dma_start3A_71 = tpu.memref_slice %arg7[%add3A_67] : memref<10240xi32, #tpu.memory_space<vmem>> -> memref<64xi32, #tpu.memory_space<vmem>>
      %dma_start3A_72 = arith.constant 0 : i32
      %dma_start3A_73 = arith.constant 0 : i32
      %dma_start3A_74 = tpu.memref_slice %arg4[%dma_start3A_72, %dma_start3A_73] : memref<1000001x32xf32, #tpu.memory_space<hbm>> -> memref<1000001x32xf32, #tpu.memory_space<hbm>>
      tpu.enqueue_indirect_dma source(%dma_start3A_74 : memref<1000001x32xf32, #tpu.memory_space<hbm>>) target(%dma_start3A_70 : memref<64x32xf32, #tpu.memory_space<vmem>>) offsets(%dma_start3A_71 : memref<64xi32, #tpu.memory_space<vmem>>) semaphore(%arg14 : memref<!tpu.dma_semaphore, #tpu.memory_space<semaphore_mem>>)
      %dma_wait3A = arith.constant 0 : i32
      %dma_wait3A_75 = arith.constant 0 : i32
      %dma_wait3A_76 = tpu.memref_slice %arg4[%dma_wait3A, %dma_wait3A_75] : memref<1000001x32xf32, #tpu.memory_space<hbm>> -> memref<320x32xf32, #tpu.memory_space<hbm>>
      %dma_wait3A_77 = arith.constant 0 : i32
      %dma_wait3A_78 = arith.constant 0 : i32
      %dma_wait3A_79 = tpu.memref_slice %arg4[%dma_wait3A_77, %dma_wait3A_78] : memref<1000001x32xf32, #tpu.memory_space<hbm>> -> memref<320x32xf32, #tpu.memory_space<hbm>>
      tpu.wait_dma2 semaphore(%arg13 : memref<!tpu.dma_semaphore, #tpu.memory_space<semaphore_mem>>) src(%dma_wait3A_79 : memref<320x32xf32, #tpu.memory_space<hbm>>) dst(%arg10 : memref<320x32xf32, #tpu.memory_space<vmem>>)
      %mul3A_80 = arith.constant 16 : i32
      %mul3A_81 = arith.muli %mul3A_45, %mul3A_80 : i32
      %scan3A_82 = arith.constant 0 : i32
      %scan3A_83 = arith.constant 0 : i32
      %scan3A_84 = arith.constant 20 : i32
      %scan3A_85 = arith.addi %scan3A_83, %scan3A_84 : i32
      %scan3A_86 = arith.constant 1 : i32
      scf.for %scan3A_106 = %scan3A_83 to %scan3A_85 step %scan3A_86  : i32 {
        %mul3A_107 = arith.constant 20 : i32
        %mul3A_108 = vector.broadcast %mul3A_107 : i32 to vector<16xi32>
        %mul3A_109 = arith.muli %iota3A, %mul3A_108 : vector<16xi32>
        %add3A_110 = vector.broadcast %scan3A_106 : i32 to vector<16xi32>
        %add3A_111 = arith.addi %mul3A_109, %add3A_110 : vector<16xi32>
        %broadcast_in_dim3A = arith.constant 0.000000e+00 : f32
        %broadcast_in_dim3A_112 = vector.broadcast %broadcast_in_dim3A : f32 to vector<16xf32>
        %broadcast_in_dim3A_113 = arith.constant 0.000000e+00 : f32
        %broadcast_in_dim3A_114 = vector.broadcast %broadcast_in_dim3A_113 : f32 to vector<16xf32>
        %broadcast_in_dim3A_115 = arith.constant 0 : i32
        %broadcast_in_dim3A_116 = vector.broadcast %broadcast_in_dim3A_115 : i32 to vector<16xi32>
        %gather3A = tpu.vector_load_idx %arg10[%add3A_111, %broadcast_in_dim3A_116] : memref<320x32xf32, #tpu.memory_space<vmem>>[vector<16xi32>, vector<16xi32>], vector<16xf32>,
        %get3A = arith.constant 0 : i32
        %get3A_117 = arith.index_cast %get3A : i32 to index
        %get3A_118 = arith.index_cast %mul3A_81 : i32 to index
        %get3A_119 = tpu.vector_load %arg9[%get3A_117, %get3A_118] {strides = array<i32>} : memref<32x512xf32, #tpu.memory_space<vmem>>, vector<16xf32>,
        %mul3A_120 = arith.mulf %gather3A, %get3A_119 : vector<16xf32>
        %add3A_121 = arith.addf %broadcast_in_dim3A_112, %mul3A_120 : vector<16xf32>
        %mul3A_122 = arith.mulf %gather3A, %gather3A : vector<16xf32>
        %add3A_123 = arith.addf %broadcast_in_dim3A_114, %mul3A_122 : vector<16xf32>
        %broadcast_in_dim3A_124 = arith.constant 1 : i32
        %broadcast_in_dim3A_125 = vector.broadcast %broadcast_in_dim3A_124 : i32 to vector<16xi32>
        %gather3A_126 = tpu.vector_load_idx %arg10[%add3A_111, %broadcast_in_dim3A_125] : memref<320x32xf32, #tpu.memory_space<vmem>>[vector<16xi32>, vector<16xi32>], vector<16xf32>,
        %get3A_127 = arith.constant 1 : i32
        %get3A_128 = arith.index_cast %get3A_127 : i32 to index
        %get3A_129 = arith.index_cast %mul3A_81 : i32 to index
        %get3A_130 = tpu.vector_load %arg9[%get3A_128, %get3A_129] {strides = array<i32>} : memref<32x512xf32, #tpu.memory_space<vmem>>, vector<16xf32>,
        %mul3A_131 = arith.mulf %gather3A_126, %get3A_130 : vector<16xf32>
        %add3A_132 = arith.addf %add3A_121, %mul3A_131 : vector<16xf32>
        %mul3A_133 = arith.mulf %gather3A_126, %gather3A_126 : vector<16xf32>
        %add3A_134 = arith.addf %add3A_123, %mul3A_133 : vector<16xf32>
        %broadcast_in_dim3A_135 = arith.constant 2 : i32
        %broadcast_in_dim3A_136 = vector.broadcast %broadcast_in_dim3A_135 : i32 to vector<16xi32>
        %gather3A_137 = tpu.vector_load_idx %arg10[%add3A_111, %broadcast_in_dim3A_136] : memref<320x32xf32, #tpu.memory_space<vmem>>[vector<16xi32>, vector<16xi32>], vector<16xf32>,
        %get3A_138 = arith.constant 2 : i32
        %get3A_139 = arith.index_cast %get3A_138 : i32 to index
        %get3A_140 = arith.index_cast %mul3A_81 : i32 to index
        %get3A_141 = tpu.vector_load %arg9[%get3A_139, %get3A_140] {strides = array<i32>} : memref<32x512xf32, #tpu.memory_space<vmem>>, vector<16xf32>,
        %mul3A_142 = arith.mulf %gather3A_137, %get3A_141 : vector<16xf32>
        %add3A_143 = arith.addf %add3A_132, %mul3A_142 : vector<16xf32>
        %mul3A_144 = arith.mulf %gather3A_137, %gather3A_137 : vector<16xf32>
        %add3A_145 = arith.addf %add3A_134, %mul3A_144 : vector<16xf32>
        %broadcast_in_dim3A_146 = arith.constant 3 : i32
        %broadcast_in_dim3A_147 = vector.broadcast %broadcast_in_dim3A_146 : i32 to vector<16xi32>
        %gather3A_148 = tpu.vector_load_idx %arg10[%add3A_111, %broadcast_in_dim3A_147] : memref<320x32xf32, #tpu.memory_space<vmem>>[vector<16xi32>, vector<16xi32>], vector<16xf32>,
        %get3A_149 = arith.constant 3 : i32
        %get3A_150 = arith.index_cast %get3A_149 : i32 to index
        %get3A_151 = arith.index_cast %mul3A_81 : i32 to index
        %get3A_152 = tpu.vector_load %arg9[%get3A_150, %get3A_151] {strides = array<i32>} : memref<32x512xf32, #tpu.memory_space<vmem>>, vector<16xf32>,
        %mul3A_153 = arith.mulf %gather3A_148, %get3A_152 : vector<16xf32>
        %add3A_154 = arith.addf %add3A_143, %mul3A_153 : vector<16xf32>
        %mul3A_155 = arith.mulf %gather3A_148, %gather3A_148 : vector<16xf32>
        %add3A_156 = arith.addf %add3A_145, %mul3A_155 : vector<16xf32>
        %broadcast_in_dim3A_157 = arith.constant 4 : i32
        %broadcast_in_dim3A_158 = vector.broadcast %broadcast_in_dim3A_157 : i32 to vector<16xi32>
        %gather3A_159 = tpu.vector_load_idx %arg10[%add3A_111, %broadcast_in_dim3A_158] : memref<320x32xf32, #tpu.memory_space<vmem>>[vector<16xi32>, vector<16xi32>], vector<16xf32>,
        %get3A_160 = arith.constant 4 : i32
        %get3A_161 = arith.index_cast %get3A_160 : i32 to index
        %get3A_162 = arith.index_cast %mul3A_81 : i32 to index
        %get3A_163 = tpu.vector_load %arg9[%get3A_161, %get3A_162] {strides = array<i32>} : memref<32x512xf32, #tpu.memory_space<vmem>>, vector<16xf32>,
        %mul3A_164 = arith.mulf %gather3A_159, %get3A_163 : vector<16xf32>
        %add3A_165 = arith.addf %add3A_154, %mul3A_164 : vector<16xf32>
        %mul3A_166 = arith.mulf %gather3A_159, %gather3A_159 : vector<16xf32>
        %add3A_167 = arith.addf %add3A_156, %mul3A_166 : vector<16xf32>
        %broadcast_in_dim3A_168 = arith.constant 5 : i32
        %broadcast_in_dim3A_169 = vector.broadcast %broadcast_in_dim3A_168 : i32 to vector<16xi32>
        %gather3A_170 = tpu.vector_load_idx %arg10[%add3A_111, %broadcast_in_dim3A_169] : memref<320x32xf32, #tpu.memory_space<vmem>>[vector<16xi32>, vector<16xi32>], vector<16xf32>,
        %get3A_171 = arith.constant 5 : i32
        %get3A_172 = arith.index_cast %get3A_171 : i32 to index
        %get3A_173 = arith.index_cast %mul3A_81 : i32 to index
        %get3A_174 = tpu.vector_load %arg9[%get3A_172, %get3A_173] {strides = array<i32>} : memref<32x512xf32, #tpu.memory_space<vmem>>, vector<16xf32>,
        %mul3A_175 = arith.mulf %gather3A_170, %get3A_174 : vector<16xf32>
        %add3A_176 = arith.addf %add3A_165, %mul3A_175 : vector<16xf32>
        %mul3A_177 = arith.mulf %gather3A_170, %gather3A_170 : vector<16xf32>
        %add3A_178 = arith.addf %add3A_167, %mul3A_177 : vector<16xf32>
        %broadcast_in_dim3A_179 = arith.constant 6 : i32
        %broadcast_in_dim3A_180 = vector.broadcast %broadcast_in_dim3A_179 : i32 to vector<16xi32>
        %gather3A_181 = tpu.vector_load_idx %arg10[%add3A_111, %broadcast_in_dim3A_180] : memref<320x32xf32, #tpu.memory_space<vmem>>[vector<16xi32>, vector<16xi32>], vector<16xf32>,
        %get3A_182 = arith.constant 6 : i32
        %get3A_183 = arith.index_cast %get3A_182 : i32 to index
        %get3A_184 = arith.index_cast %mul3A_81 : i32 to index
        %get3A_185 = tpu.vector_load %arg9[%get3A_183, %get3A_184] {strides = array<i32>} : memref<32x512xf32, #tpu.memory_space<vmem>>, vector<16xf32>,
        %mul3A_186 = arith.mulf %gather3A_181, %get3A_185 : vector<16xf32>
        %add3A_187 = arith.addf %add3A_176, %mul3A_186 : vector<16xf32>
        %mul3A_188 = arith.mulf %gather3A_181, %gather3A_181 : vector<16xf32>
        %add3A_189 = arith.addf %add3A_178, %mul3A_188 : vector<16xf32>
        %broadcast_in_dim3A_190 = arith.constant 7 : i32
        %broadcast_in_dim3A_191 = vector.broadcast %broadcast_in_dim3A_190 : i32 to vector<16xi32>
        %gather3A_192 = tpu.vector_load_idx %arg10[%add3A_111, %broadcast_in_dim3A_191] : memref<320x32xf32, #tpu.memory_space<vmem>>[vector<16xi32>, vector<16xi32>], vector<16xf32>,
        %get3A_193 = arith.constant 7 : i32
        %get3A_194 = arith.index_cast %get3A_193 : i32 to index
        %get3A_195 = arith.index_cast %mul3A_81 : i32 to index
        %get3A_196 = tpu.vector_load %arg9[%get3A_194, %get3A_195] {strides = array<i32>} : memref<32x512xf32, #tpu.memory_space<vmem>>, vector<16xf32>,
        %mul3A_197 = arith.mulf %gather3A_192, %get3A_196 : vector<16xf32>
        %add3A_198 = arith.addf %add3A_187, %mul3A_197 : vector<16xf32>
        %mul3A_199 = arith.mulf %gather3A_192, %gather3A_192 : vector<16xf32>
        %add3A_200 = arith.addf %add3A_189, %mul3A_199 : vector<16xf32>
        %broadcast_in_dim3A_201 = arith.constant 8 : i32
        %broadcast_in_dim3A_202 = vector.broadcast %broadcast_in_dim3A_201 : i32 to vector<16xi32>
        %gather3A_203 = tpu.vector_load_idx %arg10[%add3A_111, %broadcast_in_dim3A_202] : memref<320x32xf32, #tpu.memory_space<vmem>>[vector<16xi32>, vector<16xi32>], vector<16xf32>,
        %get3A_204 = arith.constant 8 : i32
        %get3A_205 = arith.index_cast %get3A_204 : i32 to index
        %get3A_206 = arith.index_cast %mul3A_81 : i32 to index
        %get3A_207 = tpu.vector_load %arg9[%get3A_205, %get3A_206] {strides = array<i32>} : memref<32x512xf32, #tpu.memory_space<vmem>>, vector<16xf32>,
        %mul3A_208 = arith.mulf %gather3A_203, %get3A_207 : vector<16xf32>
        %add3A_209 = arith.addf %add3A_198, %mul3A_208 : vector<16xf32>
        %mul3A_210 = arith.mulf %gather3A_203, %gather3A_203 : vector<16xf32>
        %add3A_211 = arith.addf %add3A_200, %mul3A_210 : vector<16xf32>
        %broadcast_in_dim3A_212 = arith.constant 9 : i32
        %broadcast_in_dim3A_213 = vector.broadcast %broadcast_in_dim3A_212 : i32 to vector<16xi32>
        %gather3A_214 = tpu.vector_load_idx %arg10[%add3A_111, %broadcast_in_dim3A_213] : memref<320x32xf32, #tpu.memory_space<vmem>>[vector<16xi32>, vector<16xi32>], vector<16xf32>,
        %get3A_215 = arith.constant 9 : i32
        %get3A_216 = arith.index_cast %get3A_215 : i32 to index
        %get3A_217 = arith.index_cast %mul3A_81 : i32 to index
        %get3A_218 = tpu.vector_load %arg9[%get3A_216, %get3A_217] {strides = array<i32>} : memref<32x512xf32, #tpu.memory_space<vmem>>, vector<16xf32>,
        %mul3A_219 = arith.mulf %gather3A_214, %get3A_218 : vector<16xf32>
        %add3A_220 = arith.addf %add3A_209, %mul3A_219 : vector<16xf32>
        %mul3A_221 = arith.mulf %gather3A_214, %gather3A_214 : vector<16xf32>
        %add3A_222 = arith.addf %add3A_211, %mul3A_221 : vector<16xf32>
        %broadcast_in_dim3A_223 = arith.constant 10 : i32
        %broadcast_in_dim3A_224 = vector.broadcast %broadcast_in_dim3A_223 : i32 to vector<16xi32>
        %gather3A_225 = tpu.vector_load_idx %arg10[%add3A_111, %broadcast_in_dim3A_224] : memref<320x32xf32, #tpu.memory_space<vmem>>[vector<16xi32>, vector<16xi32>], vector<16xf32>,
        %get3A_226 = arith.constant 10 : i32
        %get3A_227 = arith.index_cast %get3A_226 : i32 to index
        %get3A_228 = arith.index_cast %mul3A_81 : i32 to index
        %get3A_229 = tpu.vector_load %arg9[%get3A_227, %get3A_228] {strides = array<i32>} : memref<32x512xf32, #tpu.memory_space<vmem>>, vector<16xf32>,
        %mul3A_230 = arith.mulf %gather3A_225, %get3A_229 : vector<16xf32>
        %add3A_231 = arith.addf %add3A_220, %mul3A_230 : vector<16xf32>
        %mul3A_232 = arith.mulf %gather3A_225, %gather3A_225 : vector<16xf32>
        %add3A_233 = arith.addf %add3A_222, %mul3A_232 : vector<16xf32>
        %broadcast_in_dim3A_234 = arith.constant 11 : i32
        %broadcast_in_dim3A_235 = vector.broadcast %broadcast_in_dim3A_234 : i32 to vector<16xi32>
        %gather3A_236 = tpu.vector_load_idx %arg10[%add3A_111, %broadcast_in_dim3A_235] : memref<320x32xf32, #tpu.memory_space<vmem>>[vector<16xi32>, vector<16xi32>], vector<16xf32>,
        %get3A_237 = arith.constant 11 : i32
        %get3A_238 = arith.index_cast %get3A_237 : i32 to index
        %get3A_239 = arith.index_cast %mul3A_81 : i32 to index
        %get3A_240 = tpu.vector_load %arg9[%get3A_238, %get3A_239] {strides = array<i32>} : memref<32x512xf32, #tpu.memory_space<vmem>>, vector<16xf32>,
        %mul3A_241 = arith.mulf %gather3A_236, %get3A_240 : vector<16xf32>
        %add3A_242 = arith.addf %add3A_231, %mul3A_241 : vector<16xf32>
        %mul3A_243 = arith.mulf %gather3A_236, %gather3A_236 : vector<16xf32>
        %add3A_244 = arith.addf %add3A_233, %mul3A_243 : vector<16xf32>
        %broadcast_in_dim3A_245 = arith.constant 12 : i32
        %broadcast_in_dim3A_246 = vector.broadcast %broadcast_in_dim3A_245 : i32 to vector<16xi32>
        %gather3A_247 = tpu.vector_load_idx %arg10[%add3A_111, %broadcast_in_dim3A_246] : memref<320x32xf32, #tpu.memory_space<vmem>>[vector<16xi32>, vector<16xi32>], vector<16xf32>,
        %get3A_248 = arith.constant 12 : i32
        %get3A_249 = arith.index_cast %get3A_248 : i32 to index
        %get3A_250 = arith.index_cast %mul3A_81 : i32 to index
        %get3A_251 = tpu.vector_load %arg9[%get3A_249, %get3A_250] {strides = array<i32>} : memref<32x512xf32, #tpu.memory_space<vmem>>, vector<16xf32>,
        %mul3A_252 = arith.mulf %gather3A_247, %get3A_251 : vector<16xf32>
        %add3A_253 = arith.addf %add3A_242, %mul3A_252 : vector<16xf32>
        %mul3A_254 = arith.mulf %gather3A_247, %gather3A_247 : vector<16xf32>
        %add3A_255 = arith.addf %add3A_244, %mul3A_254 : vector<16xf32>
        %broadcast_in_dim3A_256 = arith.constant 13 : i32
        %broadcast_in_dim3A_257 = vector.broadcast %broadcast_in_dim3A_256 : i32 to vector<16xi32>
        %gather3A_258 = tpu.vector_load_idx %arg10[%add3A_111, %broadcast_in_dim3A_257] : memref<320x32xf32, #tpu.memory_space<vmem>>[vector<16xi32>, vector<16xi32>], vector<16xf32>,
        %get3A_259 = arith.constant 13 : i32
        %get3A_260 = arith.index_cast %get3A_259 : i32 to index
        %get3A_261 = arith.index_cast %mul3A_81 : i32 to index
        %get3A_262 = tpu.vector_load %arg9[%get3A_260, %get3A_261] {strides = array<i32>} : memref<32x512xf32, #tpu.memory_space<vmem>>, vector<16xf32>,
        %mul3A_263 = arith.mulf %gather3A_258, %get3A_262 : vector<16xf32>
        %add3A_264 = arith.addf %add3A_253, %mul3A_263 : vector<16xf32>
        %mul3A_265 = arith.mulf %gather3A_258, %gather3A_258 : vector<16xf32>
        %add3A_266 = arith.addf %add3A_255, %mul3A_265 : vector<16xf32>
        %broadcast_in_dim3A_267 = arith.constant 14 : i32
        %broadcast_in_dim3A_268 = vector.broadcast %broadcast_in_dim3A_267 : i32 to vector<16xi32>
        %gather3A_269 = tpu.vector_load_idx %arg10[%add3A_111, %broadcast_in_dim3A_268] : memref<320x32xf32, #tpu.memory_space<vmem>>[vector<16xi32>, vector<16xi32>], vector<16xf32>,
        %get3A_270 = arith.constant 14 : i32
        %get3A_271 = arith.index_cast %get3A_270 : i32 to index
        %get3A_272 = arith.index_cast %mul3A_81 : i32 to index
        %get3A_273 = tpu.vector_load %arg9[%get3A_271, %get3A_272] {strides = array<i32>} : memref<32x512xf32, #tpu.memory_space<vmem>>, vector<16xf32>,
        %mul3A_274 = arith.mulf %gather3A_269, %get3A_273 : vector<16xf32>
        %add3A_275 = arith.addf %add3A_264, %mul3A_274 : vector<16xf32>
        %mul3A_276 = arith.mulf %gather3A_269, %gather3A_269 : vector<16xf32>
        %add3A_277 = arith.addf %add3A_266, %mul3A_276 : vector<16xf32>
        %broadcast_in_dim3A_278 = arith.constant 15 : i32
        %broadcast_in_dim3A_279 = vector.broadcast %broadcast_in_dim3A_278 : i32 to vector<16xi32>
        %gather3A_280 = tpu.vector_load_idx %arg10[%add3A_111, %broadcast_in_dim3A_279] : memref<320x32xf32, #tpu.memory_space<vmem>>[vector<16xi32>, vector<16xi32>], vector<16xf32>,
        %get3A_281 = arith.constant 15 : i32
        %get3A_282 = arith.index_cast %get3A_281 : i32 to index
        %get3A_283 = arith.index_cast %mul3A_81 : i32 to index
        %get3A_284 = tpu.vector_load %arg9[%get3A_282, %get3A_283] {strides = array<i32>} : memref<32x512xf32, #tpu.memory_space<vmem>>, vector<16xf32>,
        %mul3A_285 = arith.mulf %gather3A_280, %get3A_284 : vector<16xf32>
        %add3A_286 = arith.addf %add3A_275, %mul3A_285 : vector<16xf32>
        %mul3A_287 = arith.mulf %gather3A_280, %gather3A_280 : vector<16xf32>
        %add3A_288 = arith.addf %add3A_277, %mul3A_287 : vector<16xf32>
        %broadcast_in_dim3A_289 = arith.constant 16 : i32
        %broadcast_in_dim3A_290 = vector.broadcast %broadcast_in_dim3A_289 : i32 to vector<16xi32>
        %gather3A_291 = tpu.vector_load_idx %arg10[%add3A_111, %broadcast_in_dim3A_290] : memref<320x32xf32, #tpu.memory_space<vmem>>[vector<16xi32>, vector<16xi32>], vector<16xf32>,
        %get3A_292 = arith.constant 16 : i32
        %get3A_293 = arith.index_cast %get3A_292 : i32 to index
        %get3A_294 = arith.index_cast %mul3A_81 : i32 to index
        %get3A_295 = tpu.vector_load %arg9[%get3A_293, %get3A_294] {strides = array<i32>} : memref<32x512xf32, #tpu.memory_space<vmem>>, vector<16xf32>,
        %mul3A_296 = arith.mulf %gather3A_291, %get3A_295 : vector<16xf32>
        %add3A_297 = arith.addf %add3A_286, %mul3A_296 : vector<16xf32>
        %mul3A_298 = arith.mulf %gather3A_291, %gather3A_291 : vector<16xf32>
        %add3A_299 = arith.addf %add3A_288, %mul3A_298 : vector<16xf32>
        %broadcast_in_dim3A_300 = arith.constant 17 : i32
        %broadcast_in_dim3A_301 = vector.broadcast %broadcast_in_dim3A_300 : i32 to vector<16xi32>
        %gather3A_302 = tpu.vector_load_idx %arg10[%add3A_111, %broadcast_in_dim3A_301] : memref<320x32xf32, #tpu.memory_space<vmem>>[vector<16xi32>, vector<16xi32>], vector<16xf32>,
        %get3A_303 = arith.constant 17 : i32
        %get3A_304 = arith.index_cast %get3A_303 : i32 to index
        %get3A_305 = arith.index_cast %mul3A_81 : i32 to index
        %get3A_306 = tpu.vector_load %arg9[%get3A_304, %get3A_305] {strides = array<i32>} : memref<32x512xf32, #tpu.memory_space<vmem>>, vector<16xf32>,
        %mul3A_307 = arith.mulf %gather3A_302, %get3A_306 : vector<16xf32>
        %add3A_308 = arith.addf %add3A_297, %mul3A_307 : vector<16xf32>
        %mul3A_309 = arith.mulf %gather3A_302, %gather3A_302 : vector<16xf32>
        %add3A_310 = arith.addf %add3A_299, %mul3A_309 : vector<16xf32>
        %broadcast_in_dim3A_311 = arith.constant 18 : i32
        %broadcast_in_dim3A_312 = vector.broadcast %broadcast_in_dim3A_311 : i32 to vector<16xi32>
        %gather3A_313 = tpu.vector_load_idx %arg10[%add3A_111, %broadcast_in_dim3A_312] : memref<320x32xf32, #tpu.memory_space<vmem>>[vector<16xi32>, vector<16xi32>], vector<16xf32>,
        %get3A_314 = arith.constant 18 : i32
        %get3A_315 = arith.index_cast %get3A_314 : i32 to index
        %get3A_316 = arith.index_cast %mul3A_81 : i32 to index
        %get3A_317 = tpu.vector_load %arg9[%get3A_315, %get3A_316] {strides = array<i32>} : memref<32x512xf32, #tpu.memory_space<vmem>>, vector<16xf32>,
        %mul3A_318 = arith.mulf %gather3A_313, %get3A_317 : vector<16xf32>
        %add3A_319 = arith.addf %add3A_308, %mul3A_318 : vector<16xf32>
        %mul3A_320 = arith.mulf %gather3A_313, %gather3A_313 : vector<16xf32>
        %add3A_321 = arith.addf %add3A_310, %mul3A_320 : vector<16xf32>
        %broadcast_in_dim3A_322 = arith.constant 19 : i32
        %broadcast_in_dim3A_323 = vector.broadcast %broadcast_in_dim3A_322 : i32 to vector<16xi32>
        %gather3A_324 = tpu.vector_load_idx %arg10[%add3A_111, %broadcast_in_dim3A_323] : memref<320x32xf32, #tpu.memory_space<vmem>>[vector<16xi32>, vector<16xi32>], vector<16xf32>,
        %get3A_325 = arith.constant 19 : i32
        %get3A_326 = arith.index_cast %get3A_325 : i32 to index
        %get3A_327 = arith.index_cast %mul3A_81 : i32 to index
        %get3A_328 = tpu.vector_load %arg9[%get3A_326, %get3A_327] {strides = array<i32>} : memref<32x512xf32, #tpu.memory_space<vmem>>, vector<16xf32>,
        %mul3A_329 = arith.mulf %gather3A_324, %get3A_328 : vector<16xf32>
        %add3A_330 = arith.addf %add3A_319, %mul3A_329 : vector<16xf32>
        %mul3A_331 = arith.mulf %gather3A_324, %gather3A_324 : vector<16xf32>
        %add3A_332 = arith.addf %add3A_321, %mul3A_331 : vector<16xf32>
        %broadcast_in_dim3A_333 = arith.constant 20 : i32
        %broadcast_in_dim3A_334 = vector.broadcast %broadcast_in_dim3A_333 : i32 to vector<16xi32>
        %gather3A_335 = tpu.vector_load_idx %arg10[%add3A_111, %broadcast_in_dim3A_334] : memref<320x32xf32, #tpu.memory_space<vmem>>[vector<16xi32>, vector<16xi32>], vector<16xf32>,
        %get3A_336 = arith.constant 20 : i32
        %get3A_337 = arith.index_cast %get3A_336 : i32 to index
        %get3A_338 = arith.index_cast %mul3A_81 : i32 to index
        %get3A_339 = tpu.vector_load %arg9[%get3A_337, %get3A_338] {strides = array<i32>} : memref<32x512xf32, #tpu.memory_space<vmem>>, vector<16xf32>,
        %mul3A_340 = arith.mulf %gather3A_335, %get3A_339 : vector<16xf32>
        %add3A_341 = arith.addf %add3A_330, %mul3A_340 : vector<16xf32>
        %mul3A_342 = arith.mulf %gather3A_335, %gather3A_335 : vector<16xf32>
        %add3A_343 = arith.addf %add3A_332, %mul3A_342 : vector<16xf32>
        %broadcast_in_dim3A_344 = arith.constant 21 : i32
        %broadcast_in_dim3A_345 = vector.broadcast %broadcast_in_dim3A_344 : i32 to vector<16xi32>
        %gather3A_346 = tpu.vector_load_idx %arg10[%add3A_111, %broadcast_in_dim3A_345] : memref<320x32xf32, #tpu.memory_space<vmem>>[vector<16xi32>, vector<16xi32>], vector<16xf32>,
        %get3A_347 = arith.constant 21 : i32
        %get3A_348 = arith.index_cast %get3A_347 : i32 to index
        %get3A_349 = arith.index_cast %mul3A_81 : i32 to index
        %get3A_350 = tpu.vector_load %arg9[%get3A_348, %get3A_349] {strides = array<i32>} : memref<32x512xf32, #tpu.memory_space<vmem>>, vector<16xf32>,
        %mul3A_351 = arith.mulf %gather3A_346, %get3A_350 : vector<16xf32>
        %add3A_352 = arith.addf %add3A_341, %mul3A_351 : vector<16xf32>
        %mul3A_353 = arith.mulf %gather3A_346, %gather3A_346 : vector<16xf32>
        %add3A_354 = arith.addf %add3A_343, %mul3A_353 : vector<16xf32>
        %broadcast_in_dim3A_355 = arith.constant 22 : i32
        %broadcast_in_dim3A_356 = vector.broadcast %broadcast_in_dim3A_355 : i32 to vector<16xi32>
        %gather3A_357 = tpu.vector_load_idx %arg10[%add3A_111, %broadcast_in_dim3A_356] : memref<320x32xf32, #tpu.memory_space<vmem>>[vector<16xi32>, vector<16xi32>], vector<16xf32>,
        %get3A_358 = arith.constant 22 : i32
        %get3A_359 = arith.index_cast %get3A_358 : i32 to index
        %get3A_360 = arith.index_cast %mul3A_81 : i32 to index
        %get3A_361 = tpu.vector_load %arg9[%get3A_359, %get3A_360] {strides = array<i32>} : memref<32x512xf32, #tpu.memory_space<vmem>>, vector<16xf32>,
        %mul3A_362 = arith.mulf %gather3A_357, %get3A_361 : vector<16xf32>
        %add3A_363 = arith.addf %add3A_352, %mul3A_362 : vector<16xf32>
        %mul3A_364 = arith.mulf %gather3A_357, %gather3A_357 : vector<16xf32>
        %add3A_365 = arith.addf %add3A_354, %mul3A_364 : vector<16xf32>
        %broadcast_in_dim3A_366 = arith.constant 23 : i32
        %broadcast_in_dim3A_367 = vector.broadcast %broadcast_in_dim3A_366 : i32 to vector<16xi32>
        %gather3A_368 = tpu.vector_load_idx %arg10[%add3A_111, %broadcast_in_dim3A_367] : memref<320x32xf32, #tpu.memory_space<vmem>>[vector<16xi32>, vector<16xi32>], vector<16xf32>,
        %get3A_369 = arith.constant 23 : i32
        %get3A_370 = arith.index_cast %get3A_369 : i32 to index
        %get3A_371 = arith.index_cast %mul3A_81 : i32 to index
        %get3A_372 = tpu.vector_load %arg9[%get3A_370, %get3A_371] {strides = array<i32>} : memref<32x512xf32, #tpu.memory_space<vmem>>, vector<16xf32>,
        %mul3A_373 = arith.mulf %gather3A_368, %get3A_372 : vector<16xf32>
        %add3A_374 = arith.addf %add3A_363, %mul3A_373 : vector<16xf32>
        %mul3A_375 = arith.mulf %gather3A_368, %gather3A_368 : vector<16xf32>
        %add3A_376 = arith.addf %add3A_365, %mul3A_375 : vector<16xf32>
        %broadcast_in_dim3A_377 = arith.constant 24 : i32
        %broadcast_in_dim3A_378 = vector.broadcast %broadcast_in_dim3A_377 : i32 to vector<16xi32>
        %gather3A_379 = tpu.vector_load_idx %arg10[%add3A_111, %broadcast_in_dim3A_378] : memref<320x32xf32, #tpu.memory_space<vmem>>[vector<16xi32>, vector<16xi32>], vector<16xf32>,
        %get3A_380 = arith.constant 24 : i32
        %get3A_381 = arith.index_cast %get3A_380 : i32 to index
        %get3A_382 = arith.index_cast %mul3A_81 : i32 to index
        %get3A_383 = tpu.vector_load %arg9[%get3A_381, %get3A_382] {strides = array<i32>} : memref<32x512xf32, #tpu.memory_space<vmem>>, vector<16xf32>,
        %mul3A_384 = arith.mulf %gather3A_379, %get3A_383 : vector<16xf32>
        %add3A_385 = arith.addf %add3A_374, %mul3A_384 : vector<16xf32>
        %mul3A_386 = arith.mulf %gather3A_379, %gather3A_379 : vector<16xf32>
        %add3A_387 = arith.addf %add3A_376, %mul3A_386 : vector<16xf32>
        %broadcast_in_dim3A_388 = arith.constant 25 : i32
        %broadcast_in_dim3A_389 = vector.broadcast %broadcast_in_dim3A_388 : i32 to vector<16xi32>
        %gather3A_390 = tpu.vector_load_idx %arg10[%add3A_111, %broadcast_in_dim3A_389] : memref<320x32xf32, #tpu.memory_space<vmem>>[vector<16xi32>, vector<16xi32>], vector<16xf32>,
        %get3A_391 = arith.constant 25 : i32
        %get3A_392 = arith.index_cast %get3A_391 : i32 to index
        %get3A_393 = arith.index_cast %mul3A_81 : i32 to index
        %get3A_394 = tpu.vector_load %arg9[%get3A_392, %get3A_393] {strides = array<i32>} : memref<32x512xf32, #tpu.memory_space<vmem>>, vector<16xf32>,
        %mul3A_395 = arith.mulf %gather3A_390, %get3A_394 : vector<16xf32>
        %add3A_396 = arith.addf %add3A_385, %mul3A_395 : vector<16xf32>
        %mul3A_397 = arith.mulf %gather3A_390, %gather3A_390 : vector<16xf32>
        %add3A_398 = arith.addf %add3A_387, %mul3A_397 : vector<16xf32>
        %broadcast_in_dim3A_399 = arith.constant 26 : i32
        %broadcast_in_dim3A_400 = vector.broadcast %broadcast_in_dim3A_399 : i32 to vector<16xi32>
        %gather3A_401 = tpu.vector_load_idx %arg10[%add3A_111, %broadcast_in_dim3A_400] : memref<320x32xf32, #tpu.memory_space<vmem>>[vector<16xi32>, vector<16xi32>], vector<16xf32>,
        %get3A_402 = arith.constant 26 : i32
        %get3A_403 = arith.index_cast %get3A_402 : i32 to index
        %get3A_404 = arith.index_cast %mul3A_81 : i32 to index
        %get3A_405 = tpu.vector_load %arg9[%get3A_403, %get3A_404] {strides = array<i32>} : memref<32x512xf32, #tpu.memory_space<vmem>>, vector<16xf32>,
        %mul3A_406 = arith.mulf %gather3A_401, %get3A_405 : vector<16xf32>
        %add3A_407 = arith.addf %add3A_396, %mul3A_406 : vector<16xf32>
        %mul3A_408 = arith.mulf %gather3A_401, %gather3A_401 : vector<16xf32>
        %add3A_409 = arith.addf %add3A_398, %mul3A_408 : vector<16xf32>
        %broadcast_in_dim3A_410 = arith.constant 27 : i32
        %broadcast_in_dim3A_411 = vector.broadcast %broadcast_in_dim3A_410 : i32 to vector<16xi32>
        %gather3A_412 = tpu.vector_load_idx %arg10[%add3A_111, %broadcast_in_dim3A_411] : memref<320x32xf32, #tpu.memory_space<vmem>>[vector<16xi32>, vector<16xi32>], vector<16xf32>,
        %get3A_413 = arith.constant 27 : i32
        %get3A_414 = arith.index_cast %get3A_413 : i32 to index
        %get3A_415 = arith.index_cast %mul3A_81 : i32 to index
        %get3A_416 = tpu.vector_load %arg9[%get3A_414, %get3A_415] {strides = array<i32>} : memref<32x512xf32, #tpu.memory_space<vmem>>, vector<16xf32>,
        %mul3A_417 = arith.mulf %gather3A_412, %get3A_416 : vector<16xf32>
        %add3A_418 = arith.addf %add3A_407, %mul3A_417 : vector<16xf32>
        %mul3A_419 = arith.mulf %gather3A_412, %gather3A_412 : vector<16xf32>
        %add3A_420 = arith.addf %add3A_409, %mul3A_419 : vector<16xf32>
        %broadcast_in_dim3A_421 = arith.constant 28 : i32
        %broadcast_in_dim3A_422 = vector.broadcast %broadcast_in_dim3A_421 : i32 to vector<16xi32>
        %gather3A_423 = tpu.vector_load_idx %arg10[%add3A_111, %broadcast_in_dim3A_422] : memref<320x32xf32, #tpu.memory_space<vmem>>[vector<16xi32>, vector<16xi32>], vector<16xf32>,
        %get3A_424 = arith.constant 28 : i32
        %get3A_425 = arith.index_cast %get3A_424 : i32 to index
        %get3A_426 = arith.index_cast %mul3A_81 : i32 to index
        %get3A_427 = tpu.vector_load %arg9[%get3A_425, %get3A_426] {strides = array<i32>} : memref<32x512xf32, #tpu.memory_space<vmem>>, vector<16xf32>,
        %mul3A_428 = arith.mulf %gather3A_423, %get3A_427 : vector<16xf32>
        %add3A_429 = arith.addf %add3A_418, %mul3A_428 : vector<16xf32>
        %mul3A_430 = arith.mulf %gather3A_423, %gather3A_423 : vector<16xf32>
        %add3A_431 = arith.addf %add3A_420, %mul3A_430 : vector<16xf32>
        %broadcast_in_dim3A_432 = arith.constant 29 : i32
        %broadcast_in_dim3A_433 = vector.broadcast %broadcast_in_dim3A_432 : i32 to vector<16xi32>
        %gather3A_434 = tpu.vector_load_idx %arg10[%add3A_111, %broadcast_in_dim3A_433] : memref<320x32xf32, #tpu.memory_space<vmem>>[vector<16xi32>, vector<16xi32>], vector<16xf32>,
        %get3A_435 = arith.constant 29 : i32
        %get3A_436 = arith.index_cast %get3A_435 : i32 to index
        %get3A_437 = arith.index_cast %mul3A_81 : i32 to index
        %get3A_438 = tpu.vector_load %arg9[%get3A_436, %get3A_437] {strides = array<i32>} : memref<32x512xf32, #tpu.memory_space<vmem>>, vector<16xf32>,
        %mul3A_439 = arith.mulf %gather3A_434, %get3A_438 : vector<16xf32>
        %add3A_440 = arith.addf %add3A_429, %mul3A_439 : vector<16xf32>
        %mul3A_441 = arith.mulf %gather3A_434, %gather3A_434 : vector<16xf32>
        %add3A_442 = arith.addf %add3A_431, %mul3A_441 : vector<16xf32>
        %broadcast_in_dim3A_443 = arith.constant 30 : i32
        %broadcast_in_dim3A_444 = vector.broadcast %broadcast_in_dim3A_443 : i32 to vector<16xi32>
        %gather3A_445 = tpu.vector_load_idx %arg10[%add3A_111, %broadcast_in_dim3A_444] : memref<320x32xf32, #tpu.memory_space<vmem>>[vector<16xi32>, vector<16xi32>], vector<16xf32>,
        %get3A_446 = arith.constant 30 : i32
        %get3A_447 = arith.index_cast %get3A_446 : i32 to index
        %get3A_448 = arith.index_cast %mul3A_81 : i32 to index
        %get3A_449 = tpu.vector_load %arg9[%get3A_447, %get3A_448] {strides = array<i32>} : memref<32x512xf32, #tpu.memory_space<vmem>>, vector<16xf32>,
        %mul3A_450 = arith.mulf %gather3A_445, %get3A_449 : vector<16xf32>
        %add3A_451 = arith.addf %add3A_440, %mul3A_450 : vector<16xf32>
        %mul3A_452 = arith.mulf %gather3A_445, %gather3A_445 : vector<16xf32>
        %add3A_453 = arith.addf %add3A_442, %mul3A_452 : vector<16xf32>
        %broadcast_in_dim3A_454 = arith.constant 31 : i32
        %broadcast_in_dim3A_455 = vector.broadcast %broadcast_in_dim3A_454 : i32 to vector<16xi32>
        %gather3A_456 = tpu.vector_load_idx %arg10[%add3A_111, %broadcast_in_dim3A_455] : memref<320x32xf32, #tpu.memory_space<vmem>>[vector<16xi32>, vector<16xi32>], vector<16xf32>,
        %get3A_457 = arith.constant 31 : i32
        %get3A_458 = arith.index_cast %get3A_457 : i32 to index
        %get3A_459 = arith.index_cast %mul3A_81 : i32 to index
        %get3A_460 = tpu.vector_load %arg9[%get3A_458, %get3A_459] {strides = array<i32>} : memref<32x512xf32, #tpu.memory_space<vmem>>, vector<16xf32>,
        %mul3A_461 = arith.mulf %gather3A_456, %get3A_460 : vector<16xf32>
        %add3A_462 = arith.addf %add3A_451, %mul3A_461 : vector<16xf32>
        %mul3A_463 = arith.mulf %gather3A_456, %gather3A_456 : vector<16xf32>
        %add3A_464 = arith.addf %add3A_453, %mul3A_463 : vector<16xf32>
        %max3A = arith.constant 1.000000e-24 : f32
        %max3A_465 = vector.broadcast %max3A : f32 to vector<16xf32>
        %max3A_466 = arith.maximumf %add3A_464, %max3A_465 : vector<16xf32>
        %bitcast3A = vector.bitcast %max3A_466 : vector<16xf32> to vector<16xi32>
        %shift_right_arithmetic3A = arith.constant 1 : i32
        %shift_right_arithmetic3A_467 = vector.broadcast %shift_right_arithmetic3A : i32 to vector<16xi32>
        %shift_right_arithmetic3A_468 = arith.shrsi %bitcast3A, %shift_right_arithmetic3A_467 : vector<16xi32>
        %sub3A = arith.constant 1597463007 : i32
        %sub3A_469 = vector.broadcast %sub3A : i32 to vector<16xi32>
        %sub3A_470 = arith.subi %sub3A_469, %shift_right_arithmetic3A_468 : vector<16xi32>
        %bitcast3A_471 = vector.bitcast %sub3A_470 : vector<16xi32> to vector<16xf32>
        %mul3A_472 = arith.constant 5.000000e-01 : f32
        %mul3A_473 = vector.broadcast %mul3A_472 : f32 to vector<16xf32>
        %mul3A_474 = arith.mulf %mul3A_473, %max3A_466 : vector<16xf32>
        %mul3A_475 = arith.mulf %mul3A_474, %bitcast3A_471 : vector<16xf32>
        %mul3A_476 = arith.mulf %mul3A_475, %bitcast3A_471 : vector<16xf32>
        %sub3A_477 = arith.constant 1.500000e+00 : f32
        %sub3A_478 = vector.broadcast %sub3A_477 : f32 to vector<16xf32>
        %sub3A_479 = arith.subf %sub3A_478, %mul3A_476 : vector<16xf32>
        %mul3A_480 = arith.mulf %bitcast3A_471, %sub3A_479 : vector<16xf32>
        %mul3A_481 = arith.constant 5.000000e-01 : f32
        %mul3A_482 = vector.broadcast %mul3A_481 : f32 to vector<16xf32>
        %mul3A_483 = arith.mulf %mul3A_482, %max3A_466 : vector<16xf32>
        %mul3A_484 = arith.mulf %mul3A_483, %mul3A_480 : vector<16xf32>
        %mul3A_485 = arith.mulf %mul3A_484, %mul3A_480 : vector<16xf32>
        %sub3A_486 = arith.constant 1.500000e+00 : f32
        %sub3A_487 = vector.broadcast %sub3A_486 : f32 to vector<16xf32>
        %sub3A_488 = arith.subf %sub3A_487, %mul3A_485 : vector<16xf32>
        %mul3A_489 = arith.mulf %mul3A_480, %sub3A_488 : vector<16xf32>
        %mul3A_490 = arith.constant 5.000000e-01 : f32
        %mul3A_491 = vector.broadcast %mul3A_490 : f32 to vector<16xf32>
        %mul3A_492 = arith.mulf %mul3A_491, %max3A_466 : vector<16xf32>
        %mul3A_493 = arith.mulf %mul3A_492, %mul3A_489 : vector<16xf32>
        %mul3A_494 = arith.mulf %mul3A_493, %mul3A_489 : vector<16xf32>
        %sub3A_495 = arith.constant 1.500000e+00 : f32
        %sub3A_496 = vector.broadcast %sub3A_495 : f32 to vector<16xf32>
        %sub3A_497 = arith.subf %sub3A_496, %mul3A_494 : vector<16xf32>
        %mul3A_498 = arith.mulf %mul3A_489, %sub3A_497 : vector<16xf32>
        %mul3A_499 = arith.mulf %add3A_462, %mul3A_498 : vector<16xf32>
        %neg3A = arith.constant 0.000000e+00 : f32
        %neg3A_500 = vector.broadcast %neg3A : f32 to vector<16xf32>
        %neg3A_501 = arith.subf %neg3A_500, %mul3A_499 : vector<16xf32>
        %exp3A = math.exp %neg3A_501 : vector<16xf32>
        %add3A_502 = arith.constant 1.000000e+00 : f32
        %add3A_503 = vector.broadcast %add3A_502 : f32 to vector<16xf32>
        %add3A_504 = arith.addf %add3A_503, %exp3A : vector<16xf32>
        %div3A = arith.constant 1.000000e+00 : f32
        %div3A_505 = vector.broadcast %div3A : f32 to vector<16xf32>
        %div3A_506 = arith.divf %div3A_505, %add3A_504 : vector<16xf32>
        %add3A_507 = vector.broadcast %mul3A_81 : i32 to vector<16xi32>
        %add3A_508 = arith.addi %add3A_507, %iota3A : vector<16xi32>
        %broadcast_in_dim3A_509 = arith.constant 0 : i32
        %broadcast_in_dim3A_510 = vector.broadcast %broadcast_in_dim3A_509 : i32 to vector<16xi32>
        %add3A_511 = vector.broadcast %scan3A_106 : i32 to vector<16xi32>
        %add3A_512 = arith.addi %broadcast_in_dim3A_510, %add3A_511 : vector<16xi32>
        tpu.vector_store_idx %arg12[%add3A_508, %add3A_512], %div3A_506 : memref<512x20xf32, #tpu.memory_space<vmem>>[vector<16xi32>, vector<16xi32>], vector<16xf32>,
      }
      %scan3A_87 = arith.constant 20 : i32
      %lt3A = arith.constant 15 : i32
      %lt3A_88 = arith.cmpi slt, %scan3A_43, %lt3A : i32
      %convert_element_type3A = arith.extui %lt3A_88 : i1 to i32
      %cond3A = arith.constant 0 : i32
      %cond3A_89 = arith.cmpi ne, %convert_element_type3A, %cond3A : i32
      scf.if %cond3A_89 {
        %add3A_106 = arith.constant 2 : i32
        %add3A_107 = arith.addi %mul3A_45, %add3A_106 : i32
        %mul3A_108 = arith.constant 320 : i32
        %mul3A_109 = arith.muli %add3A_107, %mul3A_108 : i32
        %dma_start3A_110 = arith.constant 0 : i32
        %dma_start3A_111 = arith.constant 0 : i32
        %dma_start3A_112 = tpu.memref_slice %arg10[%dma_start3A_110, %dma_start3A_111] : memref<320x32xf32, #tpu.memory_space<vmem>> -> memref<128x32xf32, #tpu.memory_space<vmem>>
        %dma_start3A_113 = tpu.memref_slice %arg7[%mul3A_109] : memref<10240xi32, #tpu.memory_space<vmem>> -> memref<128xi32, #tpu.memory_space<vmem>>
        %dma_start3A_114 = arith.constant 0 : i32
        %dma_start3A_115 = arith.constant 0 : i32
        %dma_start3A_116 = tpu.memref_slice %arg4[%dma_start3A_114, %dma_start3A_115] : memref<1000001x32xf32, #tpu.memory_space<hbm>> -> memref<1000001x32xf32, #tpu.memory_space<hbm>>
        tpu.enqueue_indirect_dma source(%dma_start3A_116 : memref<1000001x32xf32, #tpu.memory_space<hbm>>) target(%dma_start3A_112 : memref<128x32xf32, #tpu.memory_space<vmem>>) offsets(%dma_start3A_113 : memref<128xi32, #tpu.memory_space<vmem>>) semaphore(%arg13 : memref<!tpu.dma_semaphore, #tpu.memory_space<semaphore_mem>>)
        %add3A_117 = arith.constant 128 : i32
        %add3A_118 = arith.addi %mul3A_109, %add3A_117 : i32
        %dma_start3A_119 = arith.constant 128 : i32
        %dma_start3A_120 = arith.constant 0 : i32
        %dma_start3A_121 = tpu.memref_slice %arg10[%dma_start3A_119, %dma_start3A_120] : memref<320x32xf32, #tpu.memory_space<vmem>> -> memref<128x32xf32, #tpu.memory_space<vmem>>
        %dma_start3A_122 = tpu.memref_slice %arg7[%add3A_118] : memref<10240xi32, #tpu.memory_space<vmem>> -> memref<128xi32, #tpu.memory_space<vmem>>
        %dma_start3A_123 = arith.constant 0 : i32
        %dma_start3A_124 = arith.constant 0 : i32
        %dma_start3A_125 = tpu.memref_slice %arg4[%dma_start3A_123, %dma_start3A_124] : memref<1000001x32xf32, #tpu.memory_space<hbm>> -> memref<1000001x32xf32, #tpu.memory_space<hbm>>
        tpu.enqueue_indirect_dma source(%dma_start3A_125 : memref<1000001x32xf32, #tpu.memory_space<hbm>>) target(%dma_start3A_121 : memref<128x32xf32, #tpu.memory_space<vmem>>) offsets(%dma_start3A_122 : memref<128xi32, #tpu.memory_space<vmem>>) semaphore(%arg13 : memref<!tpu.dma_semaphore, #tpu.memory_space<semaphore_mem>>)
        %add3A_126 = arith.constant 256 : i32
        %add3A_127 = arith.addi %mul3A_109, %add3A_126 : i32
        %dma_start3A_128 = arith.constant 256 : i32
        %dma_start3A_129 = arith.constant 0 : i32
        %dma_start3A_130 = tpu.memref_slice %arg10[%dma_start3A_128, %dma_start3A_129] : memref<320x32xf32, #tpu.memory_space<vmem>> -> memref<64x32xf32, #tpu.memory_space<vmem>>
        %dma_start3A_131 = tpu.memref_slice %arg7[%add3A_127] : memref<10240xi32, #tpu.memory_space<vmem>> -> memref<64xi32, #tpu.memory_space<vmem>>
        %dma_start3A_132 = arith.constant 0 : i32
        %dma_start3A_133 = arith.constant 0 : i32
        %dma_start3A_134 = tpu.memref_slice %arg4[%dma_start3A_132, %dma_start3A_133] : memref<1000001x32xf32, #tpu.memory_space<hbm>> -> memref<1000001x32xf32, #tpu.memory_space<hbm>>
        tpu.enqueue_indirect_dma source(%dma_start3A_134 : memref<1000001x32xf32, #tpu.memory_space<hbm>>) target(%dma_start3A_130 : memref<64x32xf32, #tpu.memory_space<vmem>>) offsets(%dma_start3A_131 : memref<64xi32, #tpu.memory_space<vmem>>) semaphore(%arg13 : memref<!tpu.dma_semaphore, #tpu.memory_space<semaphore_mem>>)
      } else {
      }
      %dma_wait3A_90 = arith.constant 0 : i32
      %dma_wait3A_91 = arith.constant 0 : i32
      %dma_wait3A_92 = tpu.memref_slice %arg4[%dma_wait3A_90, %dma_wait3A_91] : memref<1000001x32xf32, #tpu.memory_space<hbm>> -> memref<320x32xf32, #tpu.memory_space<hbm>>
      %dma_wait3A_93 = arith.constant 0 : i32
      %dma_wait3A_94 = arith.constant 0 : i32
      %dma_wait3A_95 = tpu.memref_slice %arg4[%dma_wait3A_93, %dma_wait3A_94] : memref<1000001x32xf32, #tpu.memory_space<hbm>> -> memref<320x32xf32, #tpu.memory_space<hbm>>
      tpu.wait_dma2 semaphore(%arg14 : memref<!tpu.dma_semaphore, #tpu.memory_space<semaphore_mem>>) src(%dma_wait3A_95 : memref<320x32xf32, #tpu.memory_space<hbm>>) dst(%arg11 : memref<320x32xf32, #tpu.memory_space<vmem>>)
      %add3A_96 = arith.constant 1 : i32
      %add3A_97 = arith.addi %mul3A_45, %add3A_96 : i32
      %mul3A_98 = arith.constant 16 : i32
      %mul3A_99 = arith.muli %add3A_97, %mul3A_98 : i32
      %scan3A_100 = arith.constant 0 : i32
      %scan3A_101 = arith.constant 0 : i32
      %scan3A_102 = arith.constant 20 : i32
      %scan3A_103 = arith.addi %scan3A_101, %scan3A_102 : i32
      %scan3A_104 = arith.constant 1 : i32
      scf.for %scan3A_106 = %scan3A_101 to %scan3A_103 step %scan3A_104  : i32 {
        %mul3A_107 = arith.constant 20 : i32
        %mul3A_108 = vector.broadcast %mul3A_107 : i32 to vector<16xi32>
        %mul3A_109 = arith.muli %iota3A, %mul3A_108 : vector<16xi32>
        %add3A_110 = vector.broadcast %scan3A_106 : i32 to vector<16xi32>
        %add3A_111 = arith.addi %mul3A_109, %add3A_110 : vector<16xi32>
        %broadcast_in_dim3A = arith.constant 0.000000e+00 : f32
        %broadcast_in_dim3A_112 = vector.broadcast %broadcast_in_dim3A : f32 to vector<16xf32>
        %broadcast_in_dim3A_113 = arith.constant 0.000000e+00 : f32
        %broadcast_in_dim3A_114 = vector.broadcast %broadcast_in_dim3A_113 : f32 to vector<16xf32>
        %broadcast_in_dim3A_115 = arith.constant 0 : i32
        %broadcast_in_dim3A_116 = vector.broadcast %broadcast_in_dim3A_115 : i32 to vector<16xi32>
        %gather3A = tpu.vector_load_idx %arg11[%add3A_111, %broadcast_in_dim3A_116] : memref<320x32xf32, #tpu.memory_space<vmem>>[vector<16xi32>, vector<16xi32>], vector<16xf32>,
        %get3A = arith.constant 0 : i32
        %get3A_117 = arith.index_cast %get3A : i32 to index
        %get3A_118 = arith.index_cast %mul3A_99 : i32 to index
        %get3A_119 = tpu.vector_load %arg9[%get3A_117, %get3A_118] {strides = array<i32>} : memref<32x512xf32, #tpu.memory_space<vmem>>, vector<16xf32>,
        %mul3A_120 = arith.mulf %gather3A, %get3A_119 : vector<16xf32>
        %add3A_121 = arith.addf %broadcast_in_dim3A_112, %mul3A_120 : vector<16xf32>
        %mul3A_122 = arith.mulf %gather3A, %gather3A : vector<16xf32>
        %add3A_123 = arith.addf %broadcast_in_dim3A_114, %mul3A_122 : vector<16xf32>
        %broadcast_in_dim3A_124 = arith.constant 1 : i32
        %broadcast_in_dim3A_125 = vector.broadcast %broadcast_in_dim3A_124 : i32 to vector<16xi32>
        %gather3A_126 = tpu.vector_load_idx %arg11[%add3A_111, %broadcast_in_dim3A_125] : memref<320x32xf32, #tpu.memory_space<vmem>>[vector<16xi32>, vector<16xi32>], vector<16xf32>,
        %get3A_127 = arith.constant 1 : i32
        %get3A_128 = arith.index_cast %get3A_127 : i32 to index
        %get3A_129 = arith.index_cast %mul3A_99 : i32 to index
        %get3A_130 = tpu.vector_load %arg9[%get3A_128, %get3A_129] {strides = array<i32>} : memref<32x512xf32, #tpu.memory_space<vmem>>, vector<16xf32>,
        %mul3A_131 = arith.mulf %gather3A_126, %get3A_130 : vector<16xf32>
        %add3A_132 = arith.addf %add3A_121, %mul3A_131 : vector<16xf32>
        %mul3A_133 = arith.mulf %gather3A_126, %gather3A_126 : vector<16xf32>
        %add3A_134 = arith.addf %add3A_123, %mul3A_133 : vector<16xf32>
        %broadcast_in_dim3A_135 = arith.constant 2 : i32
        %broadcast_in_dim3A_136 = vector.broadcast %broadcast_in_dim3A_135 : i32 to vector<16xi32>
        %gather3A_137 = tpu.vector_load_idx %arg11[%add3A_111, %broadcast_in_dim3A_136] : memref<320x32xf32, #tpu.memory_space<vmem>>[vector<16xi32>, vector<16xi32>], vector<16xf32>,
        %get3A_138 = arith.constant 2 : i32
        %get3A_139 = arith.index_cast %get3A_138 : i32 to index
        %get3A_140 = arith.index_cast %mul3A_99 : i32 to index
        %get3A_141 = tpu.vector_load %arg9[%get3A_139, %get3A_140] {strides = array<i32>} : memref<32x512xf32, #tpu.memory_space<vmem>>, vector<16xf32>,
        %mul3A_142 = arith.mulf %gather3A_137, %get3A_141 : vector<16xf32>
        %add3A_143 = arith.addf %add3A_132, %mul3A_142 : vector<16xf32>
        %mul3A_144 = arith.mulf %gather3A_137, %gather3A_137 : vector<16xf32>
        %add3A_145 = arith.addf %add3A_134, %mul3A_144 : vector<16xf32>
        %broadcast_in_dim3A_146 = arith.constant 3 : i32
        %broadcast_in_dim3A_147 = vector.broadcast %broadcast_in_dim3A_146 : i32 to vector<16xi32>
        %gather3A_148 = tpu.vector_load_idx %arg11[%add3A_111, %broadcast_in_dim3A_147] : memref<320x32xf32, #tpu.memory_space<vmem>>[vector<16xi32>, vector<16xi32>], vector<16xf32>,
        %get3A_149 = arith.constant 3 : i32
        %get3A_150 = arith.index_cast %get3A_149 : i32 to index
        %get3A_151 = arith.index_cast %mul3A_99 : i32 to index
        %get3A_152 = tpu.vector_load %arg9[%get3A_150, %get3A_151] {strides = array<i32>} : memref<32x512xf32, #tpu.memory_space<vmem>>, vector<16xf32>,
        %mul3A_153 = arith.mulf %gather3A_148, %get3A_152 : vector<16xf32>
        %add3A_154 = arith.addf %add3A_143, %mul3A_153 : vector<16xf32>
        %mul3A_155 = arith.mulf %gather3A_148, %gather3A_148 : vector<16xf32>
        %add3A_156 = arith.addf %add3A_145, %mul3A_155 : vector<16xf32>
        %broadcast_in_dim3A_157 = arith.constant 4 : i32
        %broadcast_in_dim3A_158 = vector.broadcast %broadcast_in_dim3A_157 : i32 to vector<16xi32>
        %gather3A_159 = tpu.vector_load_idx %arg11[%add3A_111, %broadcast_in_dim3A_158] : memref<320x32xf32, #tpu.memory_space<vmem>>[vector<16xi32>, vector<16xi32>], vector<16xf32>,
        %get3A_160 = arith.constant 4 : i32
        %get3A_161 = arith.index_cast %get3A_160 : i32 to index
        %get3A_162 = arith.index_cast %mul3A_99 : i32 to index
        %get3A_163 = tpu.vector_load %arg9[%get3A_161, %get3A_162] {strides = array<i32>} : memref<32x512xf32, #tpu.memory_space<vmem>>, vector<16xf32>,
        %mul3A_164 = arith.mulf %gather3A_159, %get3A_163 : vector<16xf32>
        %add3A_165 = arith.addf %add3A_154, %mul3A_164 : vector<16xf32>
        %mul3A_166 = arith.mulf %gather3A_159, %gather3A_159 : vector<16xf32>
        %add3A_167 = arith.addf %add3A_156, %mul3A_166 : vector<16xf32>
        %broadcast_in_dim3A_168 = arith.constant 5 : i32
        %broadcast_in_dim3A_169 = vector.broadcast %broadcast_in_dim3A_168 : i32 to vector<16xi32>
        %gather3A_170 = tpu.vector_load_idx %arg11[%add3A_111, %broadcast_in_dim3A_169] : memref<320x32xf32, #tpu.memory_space<vmem>>[vector<16xi32>, vector<16xi32>], vector<16xf32>,
        %get3A_171 = arith.constant 5 : i32
        %get3A_172 = arith.index_cast %get3A_171 : i32 to index
        %get3A_173 = arith.index_cast %mul3A_99 : i32 to index
        %get3A_174 = tpu.vector_load %arg9[%get3A_172, %get3A_173] {strides = array<i32>} : memref<32x512xf32, #tpu.memory_space<vmem>>, vector<16xf32>,
        %mul3A_175 = arith.mulf %gather3A_170, %get3A_174 : vector<16xf32>
        %add3A_176 = arith.addf %add3A_165, %mul3A_175 : vector<16xf32>
        %mul3A_177 = arith.mulf %gather3A_170, %gather3A_170 : vector<16xf32>
        %add3A_178 = arith.addf %add3A_167, %mul3A_177 : vector<16xf32>
        %broadcast_in_dim3A_179 = arith.constant 6 : i32
        %broadcast_in_dim3A_180 = vector.broadcast %broadcast_in_dim3A_179 : i32 to vector<16xi32>
        %gather3A_181 = tpu.vector_load_idx %arg11[%add3A_111, %broadcast_in_dim3A_180] : memref<320x32xf32, #tpu.memory_space<vmem>>[vector<16xi32>, vector<16xi32>], vector<16xf32>,
        %get3A_182 = arith.constant 6 : i32
        %get3A_183 = arith.index_cast %get3A_182 : i32 to index
        %get3A_184 = arith.index_cast %mul3A_99 : i32 to index
        %get3A_185 = tpu.vector_load %arg9[%get3A_183, %get3A_184] {strides = array<i32>} : memref<32x512xf32, #tpu.memory_space<vmem>>, vector<16xf32>,
        %mul3A_186 = arith.mulf %gather3A_181, %get3A_185 : vector<16xf32>
        %add3A_187 = arith.addf %add3A_176, %mul3A_186 : vector<16xf32>
        %mul3A_188 = arith.mulf %gather3A_181, %gather3A_181 : vector<16xf32>
        %add3A_189 = arith.addf %add3A_178, %mul3A_188 : vector<16xf32>
        %broadcast_in_dim3A_190 = arith.constant 7 : i32
        %broadcast_in_dim3A_191 = vector.broadcast %broadcast_in_dim3A_190 : i32 to vector<16xi32>
        %gather3A_192 = tpu.vector_load_idx %arg11[%add3A_111, %broadcast_in_dim3A_191] : memref<320x32xf32, #tpu.memory_space<vmem>>[vector<16xi32>, vector<16xi32>], vector<16xf32>,
        %get3A_193 = arith.constant 7 : i32
        %get3A_194 = arith.index_cast %get3A_193 : i32 to index
        %get3A_195 = arith.index_cast %mul3A_99 : i32 to index
        %get3A_196 = tpu.vector_load %arg9[%get3A_194, %get3A_195] {strides = array<i32>} : memref<32x512xf32, #tpu.memory_space<vmem>>, vector<16xf32>,
        %mul3A_197 = arith.mulf %gather3A_192, %get3A_196 : vector<16xf32>
        %add3A_198 = arith.addf %add3A_187, %mul3A_197 : vector<16xf32>
        %mul3A_199 = arith.mulf %gather3A_192, %gather3A_192 : vector<16xf32>
        %add3A_200 = arith.addf %add3A_189, %mul3A_199 : vector<16xf32>
        %broadcast_in_dim3A_201 = arith.constant 8 : i32
        %broadcast_in_dim3A_202 = vector.broadcast %broadcast_in_dim3A_201 : i32 to vector<16xi32>
        %gather3A_203 = tpu.vector_load_idx %arg11[%add3A_111, %broadcast_in_dim3A_202] : memref<320x32xf32, #tpu.memory_space<vmem>>[vector<16xi32>, vector<16xi32>], vector<16xf32>,
        %get3A_204 = arith.constant 8 : i32
        %get3A_205 = arith.index_cast %get3A_204 : i32 to index
        %get3A_206 = arith.index_cast %mul3A_99 : i32 to index
        %get3A_207 = tpu.vector_load %arg9[%get3A_205, %get3A_206] {strides = array<i32>} : memref<32x512xf32, #tpu.memory_space<vmem>>, vector<16xf32>,
        %mul3A_208 = arith.mulf %gather3A_203, %get3A_207 : vector<16xf32>
        %add3A_209 = arith.addf %add3A_198, %mul3A_208 : vector<16xf32>
        %mul3A_210 = arith.mulf %gather3A_203, %gather3A_203 : vector<16xf32>
        %add3A_211 = arith.addf %add3A_200, %mul3A_210 : vector<16xf32>
        %broadcast_in_dim3A_212 = arith.constant 9 : i32
        %broadcast_in_dim3A_213 = vector.broadcast %broadcast_in_dim3A_212 : i32 to vector<16xi32>
        %gather3A_214 = tpu.vector_load_idx %arg11[%add3A_111, %broadcast_in_dim3A_213] : memref<320x32xf32, #tpu.memory_space<vmem>>[vector<16xi32>, vector<16xi32>], vector<16xf32>,
        %get3A_215 = arith.constant 9 : i32
        %get3A_216 = arith.index_cast %get3A_215 : i32 to index
        %get3A_217 = arith.index_cast %mul3A_99 : i32 to index
        %get3A_218 = tpu.vector_load %arg9[%get3A_216, %get3A_217] {strides = array<i32>} : memref<32x512xf32, #tpu.memory_space<vmem>>, vector<16xf32>,
        %mul3A_219 = arith.mulf %gather3A_214, %get3A_218 : vector<16xf32>
        %add3A_220 = arith.addf %add3A_209, %mul3A_219 : vector<16xf32>
        %mul3A_221 = arith.mulf %gather3A_214, %gather3A_214 : vector<16xf32>
        %add3A_222 = arith.addf %add3A_211, %mul3A_221 : vector<16xf32>
        %broadcast_in_dim3A_223 = arith.constant 10 : i32
        %broadcast_in_dim3A_224 = vector.broadcast %broadcast_in_dim3A_223 : i32 to vector<16xi32>
        %gather3A_225 = tpu.vector_load_idx %arg11[%add3A_111, %broadcast_in_dim3A_224] : memref<320x32xf32, #tpu.memory_space<vmem>>[vector<16xi32>, vector<16xi32>], vector<16xf32>,
        %get3A_226 = arith.constant 10 : i32
        %get3A_227 = arith.index_cast %get3A_226 : i32 to index
        %get3A_228 = arith.index_cast %mul3A_99 : i32 to index
        %get3A_229 = tpu.vector_load %arg9[%get3A_227, %get3A_228] {strides = array<i32>} : memref<32x512xf32, #tpu.memory_space<vmem>>, vector<16xf32>,
        %mul3A_230 = arith.mulf %gather3A_225, %get3A_229 : vector<16xf32>
        %add3A_231 = arith.addf %add3A_220, %mul3A_230 : vector<16xf32>
        %mul3A_232 = arith.mulf %gather3A_225, %gather3A_225 : vector<16xf32>
        %add3A_233 = arith.addf %add3A_222, %mul3A_232 : vector<16xf32>
        %broadcast_in_dim3A_234 = arith.constant 11 : i32
        %broadcast_in_dim3A_235 = vector.broadcast %broadcast_in_dim3A_234 : i32 to vector<16xi32>
        %gather3A_236 = tpu.vector_load_idx %arg11[%add3A_111, %broadcast_in_dim3A_235] : memref<320x32xf32, #tpu.memory_space<vmem>>[vector<16xi32>, vector<16xi32>], vector<16xf32>,
        %get3A_237 = arith.constant 11 : i32
        %get3A_238 = arith.index_cast %get3A_237 : i32 to index
        %get3A_239 = arith.index_cast %mul3A_99 : i32 to index
        %get3A_240 = tpu.vector_load %arg9[%get3A_238, %get3A_239] {strides = array<i32>} : memref<32x512xf32, #tpu.memory_space<vmem>>, vector<16xf32>,
        %mul3A_241 = arith.mulf %gather3A_236, %get3A_240 : vector<16xf32>
        %add3A_242 = arith.addf %add3A_231, %mul3A_241 : vector<16xf32>
        %mul3A_243 = arith.mulf %gather3A_236, %gather3A_236 : vector<16xf32>
        %add3A_244 = arith.addf %add3A_233, %mul3A_243 : vector<16xf32>
        %broadcast_in_dim3A_245 = arith.constant 12 : i32
        %broadcast_in_dim3A_246 = vector.broadcast %broadcast_in_dim3A_245 : i32 to vector<16xi32>
        %gather3A_247 = tpu.vector_load_idx %arg11[%add3A_111, %broadcast_in_dim3A_246] : memref<320x32xf32, #tpu.memory_space<vmem>>[vector<16xi32>, vector<16xi32>], vector<16xf32>,
        %get3A_248 = arith.constant 12 : i32
        %get3A_249 = arith.index_cast %get3A_248 : i32 to index
        %get3A_250 = arith.index_cast %mul3A_99 : i32 to index
        %get3A_251 = tpu.vector_load %arg9[%get3A_249, %get3A_250] {strides = array<i32>} : memref<32x512xf32, #tpu.memory_space<vmem>>, vector<16xf32>,
        %mul3A_252 = arith.mulf %gather3A_247, %get3A_251 : vector<16xf32>
        %add3A_253 = arith.addf %add3A_242, %mul3A_252 : vector<16xf32>
        %mul3A_254 = arith.mulf %gather3A_247, %gather3A_247 : vector<16xf32>
        %add3A_255 = arith.addf %add3A_244, %mul3A_254 : vector<16xf32>
        %broadcast_in_dim3A_256 = arith.constant 13 : i32
        %broadcast_in_dim3A_257 = vector.broadcast %broadcast_in_dim3A_256 : i32 to vector<16xi32>
        %gather3A_258 = tpu.vector_load_idx %arg11[%add3A_111, %broadcast_in_dim3A_257] : memref<320x32xf32, #tpu.memory_space<vmem>>[vector<16xi32>, vector<16xi32>], vector<16xf32>,
        %get3A_259 = arith.constant 13 : i32
        %get3A_260 = arith.index_cast %get3A_259 : i32 to index
        %get3A_261 = arith.index_cast %mul3A_99 : i32 to index
        %get3A_262 = tpu.vector_load %arg9[%get3A_260, %get3A_261] {strides = array<i32>} : memref<32x512xf32, #tpu.memory_space<vmem>>, vector<16xf32>,
        %mul3A_263 = arith.mulf %gather3A_258, %get3A_262 : vector<16xf32>
        %add3A_264 = arith.addf %add3A_253, %mul3A_263 : vector<16xf32>
        %mul3A_265 = arith.mulf %gather3A_258, %gather3A_258 : vector<16xf32>
        %add3A_266 = arith.addf %add3A_255, %mul3A_265 : vector<16xf32>
        %broadcast_in_dim3A_267 = arith.constant 14 : i32
        %broadcast_in_dim3A_268 = vector.broadcast %broadcast_in_dim3A_267 : i32 to vector<16xi32>
        %gather3A_269 = tpu.vector_load_idx %arg11[%add3A_111, %broadcast_in_dim3A_268] : memref<320x32xf32, #tpu.memory_space<vmem>>[vector<16xi32>, vector<16xi32>], vector<16xf32>,
        %get3A_270 = arith.constant 14 : i32
        %get3A_271 = arith.index_cast %get3A_270 : i32 to index
        %get3A_272 = arith.index_cast %mul3A_99 : i32 to index
        %get3A_273 = tpu.vector_load %arg9[%get3A_271, %get3A_272] {strides = array<i32>} : memref<32x512xf32, #tpu.memory_space<vmem>>, vector<16xf32>,
        %mul3A_274 = arith.mulf %gather3A_269, %get3A_273 : vector<16xf32>
        %add3A_275 = arith.addf %add3A_264, %mul3A_274 : vector<16xf32>
        %mul3A_276 = arith.mulf %gather3A_269, %gather3A_269 : vector<16xf32>
        %add3A_277 = arith.addf %add3A_266, %mul3A_276 : vector<16xf32>
        %broadcast_in_dim3A_278 = arith.constant 15 : i32
        %broadcast_in_dim3A_279 = vector.broadcast %broadcast_in_dim3A_278 : i32 to vector<16xi32>
        %gather3A_280 = tpu.vector_load_idx %arg11[%add3A_111, %broadcast_in_dim3A_279] : memref<320x32xf32, #tpu.memory_space<vmem>>[vector<16xi32>, vector<16xi32>], vector<16xf32>,
        %get3A_281 = arith.constant 15 : i32
        %get3A_282 = arith.index_cast %get3A_281 : i32 to index
        %get3A_283 = arith.index_cast %mul3A_99 : i32 to index
        %get3A_284 = tpu.vector_load %arg9[%get3A_282, %get3A_283] {strides = array<i32>} : memref<32x512xf32, #tpu.memory_space<vmem>>, vector<16xf32>,
        %mul3A_285 = arith.mulf %gather3A_280, %get3A_284 : vector<16xf32>
        %add3A_286 = arith.addf %add3A_275, %mul3A_285 : vector<16xf32>
        %mul3A_287 = arith.mulf %gather3A_280, %gather3A_280 : vector<16xf32>
        %add3A_288 = arith.addf %add3A_277, %mul3A_287 : vector<16xf32>
        %broadcast_in_dim3A_289 = arith.constant 16 : i32
        %broadcast_in_dim3A_290 = vector.broadcast %broadcast_in_dim3A_289 : i32 to vector<16xi32>
        %gather3A_291 = tpu.vector_load_idx %arg11[%add3A_111, %broadcast_in_dim3A_290] : memref<320x32xf32, #tpu.memory_space<vmem>>[vector<16xi32>, vector<16xi32>], vector<16xf32>,
        %get3A_292 = arith.constant 16 : i32
        %get3A_293 = arith.index_cast %get3A_292 : i32 to index
        %get3A_294 = arith.index_cast %mul3A_99 : i32 to index
        %get3A_295 = tpu.vector_load %arg9[%get3A_293, %get3A_294] {strides = array<i32>} : memref<32x512xf32, #tpu.memory_space<vmem>>, vector<16xf32>,
        %mul3A_296 = arith.mulf %gather3A_291, %get3A_295 : vector<16xf32>
        %add3A_297 = arith.addf %add3A_286, %mul3A_296 : vector<16xf32>
        %mul3A_298 = arith.mulf %gather3A_291, %gather3A_291 : vector<16xf32>
        %add3A_299 = arith.addf %add3A_288, %mul3A_298 : vector<16xf32>
        %broadcast_in_dim3A_300 = arith.constant 17 : i32
        %broadcast_in_dim3A_301 = vector.broadcast %broadcast_in_dim3A_300 : i32 to vector<16xi32>
        %gather3A_302 = tpu.vector_load_idx %arg11[%add3A_111, %broadcast_in_dim3A_301] : memref<320x32xf32, #tpu.memory_space<vmem>>[vector<16xi32>, vector<16xi32>], vector<16xf32>,
        %get3A_303 = arith.constant 17 : i32
        %get3A_304 = arith.index_cast %get3A_303 : i32 to index
        %get3A_305 = arith.index_cast %mul3A_99 : i32 to index
        %get3A_306 = tpu.vector_load %arg9[%get3A_304, %get3A_305] {strides = array<i32>} : memref<32x512xf32, #tpu.memory_space<vmem>>, vector<16xf32>,
        %mul3A_307 = arith.mulf %gather3A_302, %get3A_306 : vector<16xf32>
        %add3A_308 = arith.addf %add3A_297, %mul3A_307 : vector<16xf32>
        %mul3A_309 = arith.mulf %gather3A_302, %gather3A_302 : vector<16xf32>
        %add3A_310 = arith.addf %add3A_299, %mul3A_309 : vector<16xf32>
        %broadcast_in_dim3A_311 = arith.constant 18 : i32
        %broadcast_in_dim3A_312 = vector.broadcast %broadcast_in_dim3A_311 : i32 to vector<16xi32>
        %gather3A_313 = tpu.vector_load_idx %arg11[%add3A_111, %broadcast_in_dim3A_312] : memref<320x32xf32, #tpu.memory_space<vmem>>[vector<16xi32>, vector<16xi32>], vector<16xf32>,
        %get3A_314 = arith.constant 18 : i32
        %get3A_315 = arith.index_cast %get3A_314 : i32 to index
        %get3A_316 = arith.index_cast %mul3A_99 : i32 to index
        %get3A_317 = tpu.vector_load %arg9[%get3A_315, %get3A_316] {strides = array<i32>} : memref<32x512xf32, #tpu.memory_space<vmem>>, vector<16xf32>,
        %mul3A_318 = arith.mulf %gather3A_313, %get3A_317 : vector<16xf32>
        %add3A_319 = arith.addf %add3A_308, %mul3A_318 : vector<16xf32>
        %mul3A_320 = arith.mulf %gather3A_313, %gather3A_313 : vector<16xf32>
        %add3A_321 = arith.addf %add3A_310, %mul3A_320 : vector<16xf32>
        %broadcast_in_dim3A_322 = arith.constant 19 : i32
        %broadcast_in_dim3A_323 = vector.broadcast %broadcast_in_dim3A_322 : i32 to vector<16xi32>
        %gather3A_324 = tpu.vector_load_idx %arg11[%add3A_111, %broadcast_in_dim3A_323] : memref<320x32xf32, #tpu.memory_space<vmem>>[vector<16xi32>, vector<16xi32>], vector<16xf32>,
        %get3A_325 = arith.constant 19 : i32
        %get3A_326 = arith.index_cast %get3A_325 : i32 to index
        %get3A_327 = arith.index_cast %mul3A_99 : i32 to index
        %get3A_328 = tpu.vector_load %arg9[%get3A_326, %get3A_327] {strides = array<i32>} : memref<32x512xf32, #tpu.memory_space<vmem>>, vector<16xf32>,
        %mul3A_329 = arith.mulf %gather3A_324, %get3A_328 : vector<16xf32>
        %add3A_330 = arith.addf %add3A_319, %mul3A_329 : vector<16xf32>
        %mul3A_331 = arith.mulf %gather3A_324, %gather3A_324 : vector<16xf32>
        %add3A_332 = arith.addf %add3A_321, %mul3A_331 : vector<16xf32>
        %broadcast_in_dim3A_333 = arith.constant 20 : i32
        %broadcast_in_dim3A_334 = vector.broadcast %broadcast_in_dim3A_333 : i32 to vector<16xi32>
        %gather3A_335 = tpu.vector_load_idx %arg11[%add3A_111, %broadcast_in_dim3A_334] : memref<320x32xf32, #tpu.memory_space<vmem>>[vector<16xi32>, vector<16xi32>], vector<16xf32>,
        %get3A_336 = arith.constant 20 : i32
        %get3A_337 = arith.index_cast %get3A_336 : i32 to index
        %get3A_338 = arith.index_cast %mul3A_99 : i32 to index
        %get3A_339 = tpu.vector_load %arg9[%get3A_337, %get3A_338] {strides = array<i32>} : memref<32x512xf32, #tpu.memory_space<vmem>>, vector<16xf32>,
        %mul3A_340 = arith.mulf %gather3A_335, %get3A_339 : vector<16xf32>
        %add3A_341 = arith.addf %add3A_330, %mul3A_340 : vector<16xf32>
        %mul3A_342 = arith.mulf %gather3A_335, %gather3A_335 : vector<16xf32>
        %add3A_343 = arith.addf %add3A_332, %mul3A_342 : vector<16xf32>
        %broadcast_in_dim3A_344 = arith.constant 21 : i32
        %broadcast_in_dim3A_345 = vector.broadcast %broadcast_in_dim3A_344 : i32 to vector<16xi32>
        %gather3A_346 = tpu.vector_load_idx %arg11[%add3A_111, %broadcast_in_dim3A_345] : memref<320x32xf32, #tpu.memory_space<vmem>>[vector<16xi32>, vector<16xi32>], vector<16xf32>,
        %get3A_347 = arith.constant 21 : i32
        %get3A_348 = arith.index_cast %get3A_347 : i32 to index
        %get3A_349 = arith.index_cast %mul3A_99 : i32 to index
        %get3A_350 = tpu.vector_load %arg9[%get3A_348, %get3A_349] {strides = array<i32>} : memref<32x512xf32, #tpu.memory_space<vmem>>, vector<16xf32>,
        %mul3A_351 = arith.mulf %gather3A_346, %get3A_350 : vector<16xf32>
        %add3A_352 = arith.addf %add3A_341, %mul3A_351 : vector<16xf32>
        %mul3A_353 = arith.mulf %gather3A_346, %gather3A_346 : vector<16xf32>
        %add3A_354 = arith.addf %add3A_343, %mul3A_353 : vector<16xf32>
        %broadcast_in_dim3A_355 = arith.constant 22 : i32
        %broadcast_in_dim3A_356 = vector.broadcast %broadcast_in_dim3A_355 : i32 to vector<16xi32>
        %gather3A_357 = tpu.vector_load_idx %arg11[%add3A_111, %broadcast_in_dim3A_356] : memref<320x32xf32, #tpu.memory_space<vmem>>[vector<16xi32>, vector<16xi32>], vector<16xf32>,
        %get3A_358 = arith.constant 22 : i32
        %get3A_359 = arith.index_cast %get3A_358 : i32 to index
        %get3A_360 = arith.index_cast %mul3A_99 : i32 to index
        %get3A_361 = tpu.vector_load %arg9[%get3A_359, %get3A_360] {strides = array<i32>} : memref<32x512xf32, #tpu.memory_space<vmem>>, vector<16xf32>,
        %mul3A_362 = arith.mulf %gather3A_357, %get3A_361 : vector<16xf32>
        %add3A_363 = arith.addf %add3A_352, %mul3A_362 : vector<16xf32>
        %mul3A_364 = arith.mulf %gather3A_357, %gather3A_357 : vector<16xf32>
        %add3A_365 = arith.addf %add3A_354, %mul3A_364 : vector<16xf32>
        %broadcast_in_dim3A_366 = arith.constant 23 : i32
        %broadcast_in_dim3A_367 = vector.broadcast %broadcast_in_dim3A_366 : i32 to vector<16xi32>
        %gather3A_368 = tpu.vector_load_idx %arg11[%add3A_111, %broadcast_in_dim3A_367] : memref<320x32xf32, #tpu.memory_space<vmem>>[vector<16xi32>, vector<16xi32>], vector<16xf32>,
        %get3A_369 = arith.constant 23 : i32
        %get3A_370 = arith.index_cast %get3A_369 : i32 to index
        %get3A_371 = arith.index_cast %mul3A_99 : i32 to index
        %get3A_372 = tpu.vector_load %arg9[%get3A_370, %get3A_371] {strides = array<i32>} : memref<32x512xf32, #tpu.memory_space<vmem>>, vector<16xf32>,
        %mul3A_373 = arith.mulf %gather3A_368, %get3A_372 : vector<16xf32>
        %add3A_374 = arith.addf %add3A_363, %mul3A_373 : vector<16xf32>
        %mul3A_375 = arith.mulf %gather3A_368, %gather3A_368 : vector<16xf32>
        %add3A_376 = arith.addf %add3A_365, %mul3A_375 : vector<16xf32>
        %broadcast_in_dim3A_377 = arith.constant 24 : i32
        %broadcast_in_dim3A_378 = vector.broadcast %broadcast_in_dim3A_377 : i32 to vector<16xi32>
        %gather3A_379 = tpu.vector_load_idx %arg11[%add3A_111, %broadcast_in_dim3A_378] : memref<320x32xf32, #tpu.memory_space<vmem>>[vector<16xi32>, vector<16xi32>], vector<16xf32>,
        %get3A_380 = arith.constant 24 : i32
        %get3A_381 = arith.index_cast %get3A_380 : i32 to index
        %get3A_382 = arith.index_cast %mul3A_99 : i32 to index
        %get3A_383 = tpu.vector_load %arg9[%get3A_381, %get3A_382] {strides = array<i32>} : memref<32x512xf32, #tpu.memory_space<vmem>>, vector<16xf32>,
        %mul3A_384 = arith.mulf %gather3A_379, %get3A_383 : vector<16xf32>
        %add3A_385 = arith.addf %add3A_374, %mul3A_384 : vector<16xf32>
        %mul3A_386 = arith.mulf %gather3A_379, %gather3A_379 : vector<16xf32>
        %add3A_387 = arith.addf %add3A_376, %mul3A_386 : vector<16xf32>
        %broadcast_in_dim3A_388 = arith.constant 25 : i32
        %broadcast_in_dim3A_389 = vector.broadcast %broadcast_in_dim3A_388 : i32 to vector<16xi32>
        %gather3A_390 = tpu.vector_load_idx %arg11[%add3A_111, %broadcast_in_dim3A_389] : memref<320x32xf32, #tpu.memory_space<vmem>>[vector<16xi32>, vector<16xi32>], vector<16xf32>,
        %get3A_391 = arith.constant 25 : i32
        %get3A_392 = arith.index_cast %get3A_391 : i32 to index
        %get3A_393 = arith.index_cast %mul3A_99 : i32 to index
        %get3A_394 = tpu.vector_load %arg9[%get3A_392, %get3A_393] {strides = array<i32>} : memref<32x512xf32, #tpu.memory_space<vmem>>, vector<16xf32>,
        %mul3A_395 = arith.mulf %gather3A_390, %get3A_394 : vector<16xf32>
        %add3A_396 = arith.addf %add3A_385, %mul3A_395 : vector<16xf32>
        %mul3A_397 = arith.mulf %gather3A_390, %gather3A_390 : vector<16xf32>
        %add3A_398 = arith.addf %add3A_387, %mul3A_397 : vector<16xf32>
        %broadcast_in_dim3A_399 = arith.constant 26 : i32
        %broadcast_in_dim3A_400 = vector.broadcast %broadcast_in_dim3A_399 : i32 to vector<16xi32>
        %gather3A_401 = tpu.vector_load_idx %arg11[%add3A_111, %broadcast_in_dim3A_400] : memref<320x32xf32, #tpu.memory_space<vmem>>[vector<16xi32>, vector<16xi32>], vector<16xf32>,
        %get3A_402 = arith.constant 26 : i32
        %get3A_403 = arith.index_cast %get3A_402 : i32 to index
        %get3A_404 = arith.index_cast %mul3A_99 : i32 to index
        %get3A_405 = tpu.vector_load %arg9[%get3A_403, %get3A_404] {strides = array<i32>} : memref<32x512xf32, #tpu.memory_space<vmem>>, vector<16xf32>,
        %mul3A_406 = arith.mulf %gather3A_401, %get3A_405 : vector<16xf32>
        %add3A_407 = arith.addf %add3A_396, %mul3A_406 : vector<16xf32>
        %mul3A_408 = arith.mulf %gather3A_401, %gather3A_401 : vector<16xf32>
        %add3A_409 = arith.addf %add3A_398, %mul3A_408 : vector<16xf32>
        %broadcast_in_dim3A_410 = arith.constant 27 : i32
        %broadcast_in_dim3A_411 = vector.broadcast %broadcast_in_dim3A_410 : i32 to vector<16xi32>
        %gather3A_412 = tpu.vector_load_idx %arg11[%add3A_111, %broadcast_in_dim3A_411] : memref<320x32xf32, #tpu.memory_space<vmem>>[vector<16xi32>, vector<16xi32>], vector<16xf32>,
        %get3A_413 = arith.constant 27 : i32
        %get3A_414 = arith.index_cast %get3A_413 : i32 to index
        %get3A_415 = arith.index_cast %mul3A_99 : i32 to index
        %get3A_416 = tpu.vector_load %arg9[%get3A_414, %get3A_415] {strides = array<i32>} : memref<32x512xf32, #tpu.memory_space<vmem>>, vector<16xf32>,
        %mul3A_417 = arith.mulf %gather3A_412, %get3A_416 : vector<16xf32>
        %add3A_418 = arith.addf %add3A_407, %mul3A_417 : vector<16xf32>
        %mul3A_419 = arith.mulf %gather3A_412, %gather3A_412 : vector<16xf32>
        %add3A_420 = arith.addf %add3A_409, %mul3A_419 : vector<16xf32>
        %broadcast_in_dim3A_421 = arith.constant 28 : i32
        %broadcast_in_dim3A_422 = vector.broadcast %broadcast_in_dim3A_421 : i32 to vector<16xi32>
        %gather3A_423 = tpu.vector_load_idx %arg11[%add3A_111, %broadcast_in_dim3A_422] : memref<320x32xf32, #tpu.memory_space<vmem>>[vector<16xi32>, vector<16xi32>], vector<16xf32>,
        %get3A_424 = arith.constant 28 : i32
        %get3A_425 = arith.index_cast %get3A_424 : i32 to index
        %get3A_426 = arith.index_cast %mul3A_99 : i32 to index
        %get3A_427 = tpu.vector_load %arg9[%get3A_425, %get3A_426] {strides = array<i32>} : memref<32x512xf32, #tpu.memory_space<vmem>>, vector<16xf32>,
        %mul3A_428 = arith.mulf %gather3A_423, %get3A_427 : vector<16xf32>
        %add3A_429 = arith.addf %add3A_418, %mul3A_428 : vector<16xf32>
        %mul3A_430 = arith.mulf %gather3A_423, %gather3A_423 : vector<16xf32>
        %add3A_431 = arith.addf %add3A_420, %mul3A_430 : vector<16xf32>
        %broadcast_in_dim3A_432 = arith.constant 29 : i32
        %broadcast_in_dim3A_433 = vector.broadcast %broadcast_in_dim3A_432 : i32 to vector<16xi32>
        %gather3A_434 = tpu.vector_load_idx %arg11[%add3A_111, %broadcast_in_dim3A_433] : memref<320x32xf32, #tpu.memory_space<vmem>>[vector<16xi32>, vector<16xi32>], vector<16xf32>,
        %get3A_435 = arith.constant 29 : i32
        %get3A_436 = arith.index_cast %get3A_435 : i32 to index
        %get3A_437 = arith.index_cast %mul3A_99 : i32 to index
        %get3A_438 = tpu.vector_load %arg9[%get3A_436, %get3A_437] {strides = array<i32>} : memref<32x512xf32, #tpu.memory_space<vmem>>, vector<16xf32>,
        %mul3A_439 = arith.mulf %gather3A_434, %get3A_438 : vector<16xf32>
        %add3A_440 = arith.addf %add3A_429, %mul3A_439 : vector<16xf32>
        %mul3A_441 = arith.mulf %gather3A_434, %gather3A_434 : vector<16xf32>
        %add3A_442 = arith.addf %add3A_431, %mul3A_441 : vector<16xf32>
        %broadcast_in_dim3A_443 = arith.constant 30 : i32
        %broadcast_in_dim3A_444 = vector.broadcast %broadcast_in_dim3A_443 : i32 to vector<16xi32>
        %gather3A_445 = tpu.vector_load_idx %arg11[%add3A_111, %broadcast_in_dim3A_444] : memref<320x32xf32, #tpu.memory_space<vmem>>[vector<16xi32>, vector<16xi32>], vector<16xf32>,
        %get3A_446 = arith.constant 30 : i32
        %get3A_447 = arith.index_cast %get3A_446 : i32 to index
        %get3A_448 = arith.index_cast %mul3A_99 : i32 to index
        %get3A_449 = tpu.vector_load %arg9[%get3A_447, %get3A_448] {strides = array<i32>} : memref<32x512xf32, #tpu.memory_space<vmem>>, vector<16xf32>,
        %mul3A_450 = arith.mulf %gather3A_445, %get3A_449 : vector<16xf32>
        %add3A_451 = arith.addf %add3A_440, %mul3A_450 : vector<16xf32>
        %mul3A_452 = arith.mulf %gather3A_445, %gather3A_445 : vector<16xf32>
        %add3A_453 = arith.addf %add3A_442, %mul3A_452 : vector<16xf32>
        %broadcast_in_dim3A_454 = arith.constant 31 : i32
        %broadcast_in_dim3A_455 = vector.broadcast %broadcast_in_dim3A_454 : i32 to vector<16xi32>
        %gather3A_456 = tpu.vector_load_idx %arg11[%add3A_111, %broadcast_in_dim3A_455] : memref<320x32xf32, #tpu.memory_space<vmem>>[vector<16xi32>, vector<16xi32>], vector<16xf32>,
        %get3A_457 = arith.constant 31 : i32
        %get3A_458 = arith.index_cast %get3A_457 : i32 to index
        %get3A_459 = arith.index_cast %mul3A_99 : i32 to index
        %get3A_460 = tpu.vector_load %arg9[%get3A_458, %get3A_459] {strides = array<i32>} : memref<32x512xf32, #tpu.memory_space<vmem>>, vector<16xf32>,
        %mul3A_461 = arith.mulf %gather3A_456, %get3A_460 : vector<16xf32>
        %add3A_462 = arith.addf %add3A_451, %mul3A_461 : vector<16xf32>
        %mul3A_463 = arith.mulf %gather3A_456, %gather3A_456 : vector<16xf32>
        %add3A_464 = arith.addf %add3A_453, %mul3A_463 : vector<16xf32>
        %max3A = arith.constant 1.000000e-24 : f32
        %max3A_465 = vector.broadcast %max3A : f32 to vector<16xf32>
        %max3A_466 = arith.maximumf %add3A_464, %max3A_465 : vector<16xf32>
        %bitcast3A = vector.bitcast %max3A_466 : vector<16xf32> to vector<16xi32>
        %shift_right_arithmetic3A = arith.constant 1 : i32
        %shift_right_arithmetic3A_467 = vector.broadcast %shift_right_arithmetic3A : i32 to vector<16xi32>
        %shift_right_arithmetic3A_468 = arith.shrsi %bitcast3A, %shift_right_arithmetic3A_467 : vector<16xi32>
        %sub3A = arith.constant 1597463007 : i32
        %sub3A_469 = vector.broadcast %sub3A : i32 to vector<16xi32>
        %sub3A_470 = arith.subi %sub3A_469, %shift_right_arithmetic3A_468 : vector<16xi32>
        %bitcast3A_471 = vector.bitcast %sub3A_470 : vector<16xi32> to vector<16xf32>
        %mul3A_472 = arith.constant 5.000000e-01 : f32
        %mul3A_473 = vector.broadcast %mul3A_472 : f32 to vector<16xf32>
        %mul3A_474 = arith.mulf %mul3A_473, %max3A_466 : vector<16xf32>
        %mul3A_475 = arith.mulf %mul3A_474, %bitcast3A_471 : vector<16xf32>
        %mul3A_476 = arith.mulf %mul3A_475, %bitcast3A_471 : vector<16xf32>
        %sub3A_477 = arith.constant 1.500000e+00 : f32
        %sub3A_478 = vector.broadcast %sub3A_477 : f32 to vector<16xf32>
        %sub3A_479 = arith.subf %sub3A_478, %mul3A_476 : vector<16xf32>
        %mul3A_480 = arith.mulf %bitcast3A_471, %sub3A_479 : vector<16xf32>
        %mul3A_481 = arith.constant 5.000000e-01 : f32
        %mul3A_482 = vector.broadcast %mul3A_481 : f32 to vector<16xf32>
        %mul3A_483 = arith.mulf %mul3A_482, %max3A_466 : vector<16xf32>
        %mul3A_484 = arith.mulf %mul3A_483, %mul3A_480 : vector<16xf32>
        %mul3A_485 = arith.mulf %mul3A_484, %mul3A_480 : vector<16xf32>
        %sub3A_486 = arith.constant 1.500000e+00 : f32
        %sub3A_487 = vector.broadcast %sub3A_486 : f32 to vector<16xf32>
        %sub3A_488 = arith.subf %sub3A_487, %mul3A_485 : vector<16xf32>
        %mul3A_489 = arith.mulf %mul3A_480, %sub3A_488 : vector<16xf32>
        %mul3A_490 = arith.constant 5.000000e-01 : f32
        %mul3A_491 = vector.broadcast %mul3A_490 : f32 to vector<16xf32>
        %mul3A_492 = arith.mulf %mul3A_491, %max3A_466 : vector<16xf32>
        %mul3A_493 = arith.mulf %mul3A_492, %mul3A_489 : vector<16xf32>
        %mul3A_494 = arith.mulf %mul3A_493, %mul3A_489 : vector<16xf32>
        %sub3A_495 = arith.constant 1.500000e+00 : f32
        %sub3A_496 = vector.broadcast %sub3A_495 : f32 to vector<16xf32>
        %sub3A_497 = arith.subf %sub3A_496, %mul3A_494 : vector<16xf32>
        %mul3A_498 = arith.mulf %mul3A_489, %sub3A_497 : vector<16xf32>
        %mul3A_499 = arith.mulf %add3A_462, %mul3A_498 : vector<16xf32>
        %neg3A = arith.constant 0.000000e+00 : f32
        %neg3A_500 = vector.broadcast %neg3A : f32 to vector<16xf32>
        %neg3A_501 = arith.subf %neg3A_500, %mul3A_499 : vector<16xf32>
        %exp3A = math.exp %neg3A_501 : vector<16xf32>
        %add3A_502 = arith.constant 1.000000e+00 : f32
        %add3A_503 = vector.broadcast %add3A_502 : f32 to vector<16xf32>
        %add3A_504 = arith.addf %add3A_503, %exp3A : vector<16xf32>
        %div3A = arith.constant 1.000000e+00 : f32
        %div3A_505 = vector.broadcast %div3A : f32 to vector<16xf32>
        %div3A_506 = arith.divf %div3A_505, %add3A_504 : vector<16xf32>
        %add3A_507 = vector.broadcast %mul3A_99 : i32 to vector<16xi32>
        %add3A_508 = arith.addi %add3A_507, %iota3A : vector<16xi32>
        %broadcast_in_dim3A_509 = arith.constant 0 : i32
        %broadcast_in_dim3A_510 = vector.broadcast %broadcast_in_dim3A_509 : i32 to vector<16xi32>
        %add3A_511 = vector.broadcast %scan3A_106 : i32 to vector<16xi32>
        %add3A_512 = arith.addi %broadcast_in_dim3A_510, %add3A_511 : vector<16xi32>
        tpu.vector_store_idx %arg12[%add3A_508, %add3A_512], %div3A_506 : memref<512x20xf32, #tpu.memory_space<vmem>>[vector<16xi32>, vector<16xi32>], vector<16xf32>,
      }
      %scan3A_105 = arith.constant 20 : i32
    }
    %scan3A_42 = arith.constant 16 : i32
    "tpu.region"() ({
      %run_scoped3A = tpu.sem_alloc : memref<!tpu.dma_semaphore, #tpu.memory_space<semaphore_mem>>
      %dma_start3A_43 = arith.constant 0 : i32
      %dma_start3A_44 = tpu.memref_slice %arg5[%mul3A_2, %dma_start3A_43] : memref<16384x20xf32, #tpu.memory_space<hbm>> -> memref<512x20xf32, #tpu.memory_space<hbm>>
      %dma_start3A_45 = arith.constant 0 : i32
      %dma_start3A_46 = tpu.memref_slice %arg5[%mul3A_2, %dma_start3A_45] : memref<16384x20xf32, #tpu.memory_space<hbm>> -> memref<512x20xf32, #tpu.memory_space<hbm>>
      tpu.enqueue_dma source(%arg12 : memref<512x20xf32, #tpu.memory_space<vmem>>) target(%dma_start3A_46 : memref<512x20xf32, #tpu.memory_space<hbm>>) target_semaphore(%run_scoped3A : memref<!tpu.dma_semaphore, #tpu.memory_space<semaphore_mem>>)
      %dma_wait3A = arith.constant 0 : i32
      %dma_wait3A_47 = tpu.memref_slice %arg5[%mul3A_2, %dma_wait3A] : memref<16384x20xf32, #tpu.memory_space<hbm>> -> memref<512x20xf32, #tpu.memory_space<hbm>>
      %dma_wait3A_48 = arith.constant 0 : i32
      %dma_wait3A_49 = tpu.memref_slice %arg5[%mul3A_2, %dma_wait3A_48] : memref<16384x20xf32, #tpu.memory_space<hbm>> -> memref<512x20xf32, #tpu.memory_space<hbm>>
      tpu.wait_dma2 semaphore(%run_scoped3A : memref<!tpu.dma_semaphore, #tpu.memory_space<semaphore_mem>>) src(%arg12 : memref<512x20xf32, #tpu.memory_space<vmem>>) dst(%dma_wait3A_49 : memref<512x20xf32, #tpu.memory_space<hbm>>)
      tpu.yield
    }) : () -> ()
    return
  }
}

</mosaic_0001>

<sc_bundles>
// kernel: _run.4.cloned.1.call-start
scs
__scs_entry_jumppad:
0x0: {  	(pc) =	sbr.rel $0x88, $3  }
0x1: {  	(tag) =	ssettag $0x0;
	lr =	simm.s32 $0x1  }
0x2: {  	[smem:$0x3F9D] =	sst lr;
	_ =	strace $0xD0000000  }
0x3: {  	_ = 	snop  }
0x4: {  	_ = 	snop  }
0x5: {  	_ = 	snop  }
0x6: {  	_ = 	snop  }
0x7: {  	_ = 	snop  }
__scs_overlays_trampoline_lowered:
0x8: {  	[smem:$0x3FAC] =	sst s0  }
0x9: {  	[smem:$0x3FAD] =	sst s1  }
0xa: {  	[smem:$0x3FAE] =	sst s2  }
0xb: {  	[smem:$0x3FAF] =	sst s3  }
0xc: {  	[smem:$0x3FB0] =	sst s4  }
0xd: {  	[smem:$0x3FB1] =	sst s5  }
0xe: {  	[smem:$0x3FB2] =	sst s6  }
0xf: {  	[smem:$0x3FB3] =	sst s7  }
0x10: {  	[smem:$0x3FB4] =	sst s8  }
0x11: {  	[smem:$0x3FB5] =	sst s9;
	s0 =	simm.s32 @!p0 $0x0  }
0x12: {  	s1 =	sld [smem:$0x3F9B];
	s0 =	simm.s32 @p0 $0x1  }
0x13: {  	[smem:$0x3FB6] =	sst s0;
	s0 =	simm.s32 @!p1 $0x0  }
0x14: {  	s2 =	sld [smem:$0x3F9A];
	s0 =	simm.s32 @p1 $0x1  }
0x15: {  	[smem:$0x3FB7] =	sst s0;
	s0 =	simm.s32 @!p2 $0x0  }
0x16: {  	s3 =	sld [smem:$0x3FDB];
	s0 =	simm.s32 @p2 $0x1  }
0x17: {  	s4 =	simm.s32 $0x1BF5;
	[smem:$0x3FB9] =	sst s0  }
0x18: {  	s0 =	sld [smem:$0x3F9C];
	_ =	swait.ge [sflag:s4], $0x0  }
0x19: {  	s7 =	sld [smem:$0x3F9D]  }
0x1a: {  	s8 =	sadd.s32 $0xFFFFE003, lr  }
0x1b: {  	s9 =	sadd.s32 $0xFFFFFEF7, lr;
	s5 =	simm.s32 $0xFFFFFFFF;
	p2 =	slt.u32 s8, $0xFFFFF086  }
0x1c: {  	p1 =	slt.u32 s9, $0xF7A;
	s5 =	simm.s32 @!p2 $0x0  }
0x1d: {  	s5 =	simm.s32 @p1 $0x1;
	p0 =	seq.s32 s7, s2  }
0x1e: {  	s7 =	smul.u32 @!p0 $0xF7A, s2;
	p2 =	seq.s32 @!p0 s5, $0x0  }
0x1f: {  	s9 =	smul.u32 $0xF7A, s1;
	s8 =	simm.s32 @!p0 $0x1BF5;
	p2 =	por !p2, p0  }
0x20: {  	[sflag:s8] =	ssyncset.s32 @!p0 $0xFFFFF086;
	s6 =	sadd.s32 @!p0 s3, s7;
	s7 =	simm.s32 @!p0 $0x108  }
0x21: {  	s3 =	sadd.s32 s3, s9;
	s6 =	sadd.s32 @!p0 $0x88, s6;
	s7 =	simm.s32 @p2 $0x1082  }
0x22: {  	[simem:s7], [sflag:s8] =	dma.local @!p0 [hbm:s6], $0xF7A  }
0x23: {  	s9 =	sor.u32 $0xD0000000, s2;
	s6 =	simm.s32 $0x108;
	_ =	swait.ge @!p0 [sflag:s8], $0x0  }
0x24: {  	s3 =	sadd.s32 $0x88, s3;
	s6 =	simm.s32 @!p1 $0x1082;
	[sflag:s4] =	ssyncset.s32 $0xFFFFF086  }
0x25: {  	[simem:s6], [sflag:s4] =	dma.local [hbm:s3], $0xF7A  }
0x26: {  	[smem:$0x3F9D] =	sst s1;
	(tag) =	ssettag s2;
	_ =	strace s9  }
0x27: {  	s1 =	sld [smem:$0x3FAD]  }
0x28: {  	s2 =	sld [smem:$0x3FAE]  }
0x29: {  	s4 =	sld [smem:$0x3FB0]  }
0x2a: {  	p0 =	seq.s32 s5, $0x0;
	s5 =	sld [smem:$0x3FB1]  }
0x2b: {  	s6 =	sld [smem:$0x3FB2]  }
0x2c: {  	s7 =	sld [smem:$0x3FB3]  }
0x2d: {  	s3 =	simm.s32 $0x108;
	s8 =	sld [smem:$0x3FB4]  }
0x2e: {  	s3 =	simm.s32 @!p0 $0x1082;
	s9 =	sld [smem:$0x3FB5]  }
0x2f: {  	lr =	sadd.s32 s0, s3;
	s0 =	sld [smem:$0x3FAC]  }
0x30: {  	s3 =	sld [smem:$0x3FAF]  }
0x31: {  	[smem:$0x3FB8] =	sst s10  }
0x32: {  	s10 =	sld [smem:$0x3FB6];
	_ =	sdelay $0x3  }
0x33: {  	p0 =	seq.s32 s10, $0x1;
	s10 =	sld [smem:$0x3FB8];
	_ =	sdelay $0x3  }
0x34: {  	[smem:$0x3FB8] =	sst s10  }
0x35: {  	s10 =	sld [smem:$0x3FB7];
	_ =	sdelay $0x3  }
0x36: {  	p1 =	seq.s32 s10, $0x1;
	s10 =	sld [smem:$0x3FB8];
	_ =	sdelay $0x3  }
0x37: {  	[smem:$0x3FB8] =	sst s10  }
0x38: {  	s10 =	sld [smem:$0x3FB9]  }
0x39: {  	_ = 	snop;
	(pc) =	sbr.ind lr, $3  }
0x3a: {  	_ = 	snop  }
0x3b: {  	_ = 	snop  }
0x3c: {  	p2 =	seq.s32 s10, $0x1;
	s10 =	sld [smem:$0x3FB8]  }
0x3d: {  	_ =	shalt  }
0x3e: {  	_ =	shalt  }
0x3f: {  	_ =	shalt  }
0x40: {  	_ =	shalt  }
0x41: {  	_ =	shalt  }
0x42: {  	_ =	shalt  }
0x43: {  	_ =	shalt  }
0x44: {  	_ =	shalt  }
0x45: {  	_ =	shalt  }
0x46: {  	_ =	shalt  }
0x47: {  	_ =	shalt  }
0x48: {  	_ =	shalt  }
0x49: {  	_ =	shalt  }
0x4a: {  	_ =	shalt  }
0x4b: {  	_ =	shalt  }
0x4c: {  	_ =	shalt  }
0x4d: {  	_ =	shalt  }
0x4e: {  	_ =	shalt  }
0x4f: {  	_ =	shalt  }
0x50: {  	_ =	shalt  }
0x51: {  	_ =	shalt  }
0x52: {  	_ =	shalt  }
0x53: {  	_ =	shalt  }
0x54: {  	_ =	shalt  }
0x55: {  	_ =	shalt  }
0x56: {  	_ =	shalt  }
0x57: {  	_ =	shalt  }
0x58: {  	_ =	shalt  }
0x59: {  	_ =	shalt  }
0x5a: {  	_ =	shalt  }
0x5b: {  	_ =	shalt  }
0x5c: {  	_ =	shalt  }
0x5d: {  	_ =	shalt  }
0x5e: {  	_ =	shalt  }
0x5f: {  	_ =	shalt  }
0x60: {  	_ =	shalt  }
0x61: {  	_ =	shalt  }
0x62: {  	_ =	shalt  }
0x63: {  	_ =	shalt  }
0x64: {  	_ =	shalt  }
0x65: {  	_ =	shalt  }
0x66: {  	_ =	shalt  }
0x67: {  	_ =	shalt  }
0x68: {  	_ =	shalt  }
0x69: {  	_ =	shalt  }
0x6a: {  	_ =	shalt  }
0x6b: {  	_ =	shalt  }
0x6c: {  	_ =	shalt  }
0x6d: {  	_ =	shalt  }
0x6e: {  	_ =	shalt  }
0x6f: {  	_ =	shalt  }
0x70: {  	_ =	shalt  }
0x71: {  	_ =	shalt  }
0x72: {  	_ =	shalt  }
0x73: {  	_ =	shalt  }
0x74: {  	_ =	shalt  }
0x75: {  	_ =	shalt  }
0x76: {  	_ =	shalt  }
0x77: {  	_ =	shalt  }
0x78: {  	_ =	shalt  }
0x79: {  	_ =	shalt  }
0x7a: {  	_ =	shalt  }
0x7b: {  	_ =	shalt  }
0x7c: {  	_ =	shalt  }
0x7d: {  	_ =	shalt  }
0x7e: {  	_ =	shalt  }
0x7f: {  	_ =	shalt  }
0x80: {  	_ =	shalt  }
0x81: {  	_ =	shalt  }
0x82: {  	_ =	shalt  }
0x83: {  	_ =	shalt  }
0x84: {  	_ =	shalt  }
0x85: {  	_ =	shalt  }
0x86: {  	_ =	shalt  }
0x87: {  	_ =	shalt  }
.Lfunc_end0:
.L_simem_size_0:
called_computation_lowered:
.L_overlay_start_0:
0x88: {  	s2 =	sld [smem:$0x3FD9]  }
0x89: {  	s3 =	sld [smem:$0x3FFE];
	_ =	sdelay $0x1  }
0x8a: {  	s1 =	srdreg.scid  }
0x8b: {  	s0 =	sand.u32 $0x1, s1  }
0x8c: {  	s17 =	sshll.u32 s0, $0xA;
	s2 =	sadd.s32 s3, s2  }
0x8d: {  	s2 =	sadd.s32 s2, s17  }
0x8e: {  	[smem:$0x3FC4] =	sst s2  }
0x8f: {  	_ = 	snop  }
0x90: {  	s2 =	sld [smem:$0x3FC8];
	(tm) =	ssettm $0x1  }
0x91: {  	s18 =	sld [smem:$0x3FFB];
	_ =	sdelay $0x3  }
0x92: {  	_ =	strace s18  }
0x93: {  	s3 =	sld [smem:$0x3FFC];
	_ =	sdelay $0x3  }
0x94: {  	_ =	strace s3  }
0x95: {  	s3 =	sld [smem:$0x3FFD];
	_ =	sdelay $0x3  }
0x96: {  	_ =	strace s3  }
0x97: {  	_ =	strace $0x8FFFFFFF  }
0x98: {  	s19 =	sld [smem:$0x3FDB];
	_ =	sdelay $0x1  }
0x99: {  	s4 =	simm.s32 $_scs_section_size  }
0x9a: {  	s5 =	simm.s32 $_size__tile_overlayer_lowered;
	s6 =	simm.s32 $_tile_overlayer_lowered  }
0x9b: {  	s22 =	simm.s32 $0x1BFF;
	s21 =	sshll.u32 s6, $0x1;
	s3 =	sadd.s32 s4, s19  }
0x9c: {  	s7 =	simm.s32 $0x0;
	s20 =	sshll.u32 s5, $0x1;
	s5 =	sadd.s32 s21, s3  }
0x9d: {  	[timem:s7], [sflag:s22] =	dma.local [hbm:s5], s20  }
0x9e: {  	_ =	swait.ge [sflag:s22], s20  }
0x9f: {  	s4 =	ssub.s32 $0x0, s20;
	[sflag:s22] =	ssyncset.done $0x0  }
0xa0: {  	[sflag:s22] =	ssyncadd.s32 s4;
	_ =	sdelay $0x1  }
0xa1: {  	s23 =	simm.s32 $0x1B8B  }
0xa2: {  	_ =	swait.ge [sflag:s23], $0x1  }
0xa3: {  	[sflag:s23] =	ssyncset.done $0x0  }
0xa4: {  	s25 =	simm.s32 $0x1B8E;
	s24 =	sld [smem:$0x3FFE];
	[sflag:s23] =	ssyncadd.s32 $0xFFFFFFFF  }
0xa5: {  	s26 =	simm.s32 $execute0_lowered;
	[smem:$0x3FD2] =	sst s25  }
0xa6: {  	s5 =	sshll.u32 s26, $0x1;
	_ =	strace $0x80000046;
	[dreg:$0x1] =	wrdreg $0xFFFFFFFF  }
0xa7: {  	s28 =	simm.s32 $_size_execute0_lowered;
	s3 =	sadd.s32 s3, s5;
	[dreg:$0x0] =	wrdreg $0x0  }
0xa8: {  	s5 =	sshll.u32 s28, $0x1;
	[dreg:$0x2] =	wrdreg s3  }
0xa9: {  	[dreg:$0x3] =	wrdreg s5  }
0xaa: {  	[dreg:$0x4] =	wrdreg $0xC0  }
0xab: {  	_ =	task [dreg:s7], $0x5FFFF  }
0xac: {  	[dreg:$0x1] =	wrdreg $0xFFFFFFFF  }
0xad: {  	[dreg:$0x0] =	wrdreg $0x60  }
0xae: {  	[dreg:$0x2] =	wrdreg s24  }
0xaf: {  	[dreg:$0x3] =	wrdreg s2  }
0xb0: {  	[dreg:$0x4] =	wrdreg $0x9  }
0xb1: {  	_ =	task.clear_ibuf [dreg:s7], $0x5FFFF;
	_ =	strace $0x90000046  }
0xb2: {  	s29 =	simm.s32 $0x9;
	_ =	strace $0x80000048  }
0xb3: {  	_ =	swait.ge [sflag:s29], $0x1  }
0xb4: {  	[sflag:s29] =	ssyncadd.s32 $0xFFFFFFFF  }
0xb5: {  	_ =	strace $0x90000048  }
0xb6: {  	_ =	sfence  }
0xb7: {  	s30 =	sld [smem:$0x0];
	_ =	sdelay $0x2  }
0xb8: {  	s31 =	sshll.u32 s1, $0xD;
	s1 =	sshrl.u32 s1, $0x2  }
0xb9: {  	s3 =	sand.u32 $0x4000, s31;
	s1 =	sadd.s32 s1, s30  }
0xba: {  	s0 =	sor.u32 s3, s0;
	s1 =	sshll.u32 s1, $0x11  }
0xbb: {  	s0 =	sor.u32 s1, s0  }
0xbc: {  	s0 =	sadd.s32 $0x8F2B, s0  }
0xbd: {  	[sflag:s0] =	ssyncadd.remote.s32 $0x1  }
0xbe: {  	_ =	sfence.sel $0xFFFF  }
0xbf: {  	[dreg:$0x0] =	wrdreg $0xFFFFFFFF;
	(pc) =	sbr.abs _section_cstart, $3  }
0xc0: {  	[dreg:$0x1] =	wrdreg $0xFFFFFFFF  }
0xc1: {  	_ =	task.clear_ibuf [dreg:s7], $0x2FFFF;
	_ =	strace $0x9FFFFFFF  }
0xc2: {  	(tm) =	ssettm $0x7FFFFFFF  }
0xc3: {  	_ =	shalt  }
tec
execute0_lowered:
.L_overlay_start_1:
0x0: {  	(tag) =	ssettag $0x1  }
0x1: {  	s4 =	rddreg [dreg:$0x0]  }
0x2: {  	s5 =	rddreg [dreg:$0x1]  }
0x3: {  	s0 =	rddreg [dreg:$0x2];
	s2 =	simm.s32 $0x0;
	s3 =	srdreg.scid  }
0x4: {  	s1 =	stileid.u32;
	s10 =	simm.s32 $0x0;
	s6 =	sand.u32 $0x1, s3  }
0x5: {  	[smem:$0x7FF] =	sst s2;
	s7 =	sshll.u32 s1, $0xA;
	s8 =	sshll.u32 s6, $0x9  }
0x6: {  	s3 =	sadd.s32 $0xA00, s4;
	s6 =	ssub.s32 $0x2, s6;
	s7 =	sor.u32 s8, s7  }
0x7: {  	_ =	strace $0x80000047;
	s9 =	sshrl.u32 s6, $0x1;
	s8 =	sshll.u32 s7, $0x4  }
0x8: {  	s7 =	sshrl.u32 s7, $0x3;
	s6 =	ssub.s32 s6, s9;
	s9 =	simm.s32 $0x200  }
0x9: {  	s8 =	sadd.s32 s8, s4;
	s4 =	sadd.s32 s5, s7;
	s6 =	smax.u32 s6, $0x1  }
0xa: {  	s7 =	simm.s32 $0x2;
	s5 =	sadd.s32 $0xF43000, s8;
	s8 =	simm.s32 $0x1  }
.LBB2_1:
0xb: {  	[tilespmem:s2], [sflag:$0x2] =	stream.linear.gather [hbm4b:s4+s2], $0x200, $0x38;
	[tilespmem:$0x10200] =	vst v63  }
0xc: {  	_ =	swait.ge [sflag:s7], $0x200  }
0xd: {  	[sflag:s7] =	ssyncset.done $0x0  }
0xe: {  	[sflag:s7] =	ssyncadd.s32 $0xFFFFFE00  }
0xf: {  	v0 =	vld [tilespmem:s2+$0x0];
	_ =	sdelay $0x4  }
0x10: {  	v0 =	vshll.u32 v0, $0x4  }
0x11: {  	(v2sf) =	vpush v0, $0x0  }
0x12: {  	(v2sf) =	vpush v0, $0x1  }
0x13: {  	(v2sf) =	vpush v0, $0x2;
	_ =	sdelay $0x1  }
0x14: {  	(v2sf) =	vpush v0, $0x4;
	_ =	sdelay $0x1  }
0x15: {  	(v2sf) =	vpush v0, $0x3  }
0x16: {  	(v2sf) =	vpush v0, $0x5  }
0x17: {  	s12 =	simm.s32 $0x2000;
	s11 =	simm.s32 $0x0;
	s13 =	simm.s32 $0x0;
	(v2sf) =	vpush v0, $0x6  }
.LBB2_2:
0x18: {  	p0 =	sne.s32 s12, $0x3E000  }
0x19: {  	s23 =	sadd.s32 $0x280, s11;
	s17 =	sadd.s32 $0x780, s11;
	s14 =	smov.u32 s12  }
0x1a: {  	s12 =	sadd.s32 $0x2000, s12;
	s20 =	sadd.s32 $0x580, s11;
	s15 =	sadd.s32 $0x800, s11;
	(v2sf) =	vpush v0, $0x7  }
0x1b: {  	s22 =	sadd.s32 $0x480, s11;
	s19 =	sadd.s32 $0x600, s11;
	s16 =	sadd.s32 $0x880, s11  }
0x1c: {  	s24 =	sadd.s32 $0x200, s11;
	s25 =	sadd.s32 $0x400, s11;
	(v2sf) =	vpush v0, $0x8  }
0x1d: {  	s26 =	sadd.s32 $0x500, s11;
	s13 =	sadd.s32 $0x10, s13  }
0x1e: {  	s28 =	sadd.s32 $0x300, s11;
	s18 =	sadd.s32 $0x700, s11;
	s21 =	spop (v2sf);
	(v2sf) =	vpush v0, $0x9  }
0x1f: {  	s29 =	sand.u32 $0x1FFFFFF0, s21;
	s21 =	sadd.s32 $0x680, s11;
	s30 =	spop (v2sf)  }
0x20: {  	s29 =	sadd.s32 s3, s29;
	s30 =	sand.u32 $0x1FFFFFF0, s30;
	s31 =	spop (v2sf);
	(v2sf) =	vpush v0, $0xA  }
0x21: {  	[tilespmem:s24], [sflag:$0x1] =	stream.linear.gather [hbm4b:s29+s2], $0x80, $0x38;
	[tilespmem:$0x10200] =	vst v63  }
0x22: {  	s24 =	sadd.s32 s3, s30;
	s29 =	sadd.s32 $0x380, s11;
	s30 =	spop (v2sf);
	(v2sf) =	vpush v0, $0xB  }
0x23: {  	[tilespmem:s23], [sflag:$0x1] =	stream.linear.gather [hbm4b:s24+s2], $0x80, $0x38;
	[tilespmem:$0x10200] =	vst v63  }
0x24: {  	s23 =	sand.u32 $0x1FFFFFF0, s31;
	s24 =	sand.u32 $0x1FFFFFF0, s30;
	s30 =	spop (v2sf);
	(v2sf) =	vpush v0, $0xC  }
0x25: {  	s23 =	sadd.s32 s3, s23;
	s30 =	sand.u32 $0x1FFFFFF0, s30;
	s31 =	spop (v2sf)  }
0x26: {  	[tilespmem:s28], [sflag:$0x1] =	stream.linear.gather [hbm4b:s23+s2], $0x80, $0x38;
	(v2sf) =	vpush v0, $0xD;
	[tilespmem:$0x10200] =	vst v63  }
0x27: {  	s23 =	sadd.s32 s3, s30;
	s28 =	sand.u32 $0x1FFFFFF0, s31;
	s30 =	spop (v2sf)  }
0x28: {  	[tilespmem:s29], [sflag:$0x1] =	stream.linear.gather [hbm4b:s23+s2], $0x80, $0x38;
	(v2sf) =	vpush v0, $0xE;
	[tilespmem:$0x10200] =	vst v63  }
0x29: {  	s23 =	sadd.s32 s3, s24;
	s24 =	sand.u32 $0x1FFFFFF0, s30;
	s29 =	spop (v2sf)  }
0x2a: {  	[tilespmem:s25], [sflag:$0x1] =	stream.linear.gather [hbm4b:s23+s2], $0x80, $0x38;
	(v2sf) =	vpush v0, $0xF;
	[tilespmem:$0x10200] =	vst v63  }
0x2b: {  	s23 =	sadd.s32 s3, s28;
	s25 =	sand.u32 $0x1FFFFFF0, s29;
	s28 =	spop (v2sf)  }
0x2c: {  	[tilespmem:s22], [sflag:$0x1] =	stream.linear.gather [hbm4b:s23+s2], $0x80, $0x38;
	[tilespmem:$0x10200] =	vst v63  }
0x2d: {  	s22 =	sadd.s32 s3, s24;
	s23 =	sand.u32 $0x1FFFFFF0, s28;
	s24 =	spop (v2sf)  }
0x2e: {  	[tilespmem:s26], [sflag:$0x1] =	stream.linear.gather [hbm4b:s22+s2], $0x80, $0x38;
	[tilespmem:$0x10200] =	vst v63  }
0x2f: {  	s22 =	sadd.s32 s3, s25;
	s24 =	sand.u32 $0x1FFFFFF0, s24;
	s25 =	spop (v2sf)  }
0x30: {  	[tilespmem:s20], [sflag:$0x1] =	stream.linear.gather [hbm4b:s22+s2], $0x80, $0x38;
	[tilespmem:$0x10200] =	vst v63  }
0x31: {  	s20 =	sadd.s32 s3, s23;
	s22 =	sand.u32 $0x1FFFFFF0, s25;
	s23 =	spop (v2sf)  }
0x32: {  	[tilespmem:s19], [sflag:$0x1] =	stream.linear.gather [hbm4b:s20+s2], $0x80, $0x38;
	[tilespmem:$0x10200] =	vst v63  }
0x33: {  	s19 =	sadd.s32 s3, s24;
	s20 =	sand.u32 $0x1FFFFFF0, s23;
	s23 =	spop (v2sf)  }
0x34: {  	[tilespmem:s21], [sflag:$0x1] =	stream.linear.gather [hbm4b:s19+s2], $0x80, $0x38;
	[tilespmem:$0x10200] =	vst v63  }
0x35: {  	s19 =	sadd.s32 s3, s22;
	s21 =	sand.u32 $0x1FFFFFF0, s23;
	s22 =	spop (v2sf)  }
0x36: {  	[tilespmem:s18], [sflag:$0x1] =	stream.linear.gather [hbm4b:s19+s2], $0x80, $0x38;
	[tilespmem:$0x10200] =	vst v63  }
0x37: {  	s18 =	sadd.s32 s3, s20;
	s19 =	sand.u32 $0x1FFFFFF0, s22;
	s20 =	spop (v2sf)  }
0x38: {  	[tilespmem:s17], [sflag:$0x1] =	stream.linear.gather [hbm4b:s18+s2], $0x80, $0x38;
	[tilespmem:$0x10200] =	vst v63  }
0x39: {  	s17 =	sadd.s32 s3, s21;
	s18 =	sand.u32 $0x1FFFFFF0, s20;
	s20 =	spop (v2sf)  }
0x3a: {  	[tilespmem:s15], [sflag:$0x1] =	stream.linear.gather [hbm4b:s17+s2], $0x80, $0x38;
	[tilespmem:$0x10200] =	vst v63  }
0x3b: {  	s15 =	sadd.s32 s3, s19;
	s17 =	sand.u32 $0x1FFFFFF0, s20  }
0x3c: {  	[tilespmem:s16], [sflag:$0x1] =	stream.linear.gather [hbm4b:s15+s2], $0x80, $0x38;
	[tilespmem:$0x10200] =	vst v63  }
0x3d: {  	s15 =	sadd.s32 $0x900, s11;
	s16 =	sadd.s32 s3, s18  }
0x3e: {  	[tilespmem:s15], [sflag:$0x1] =	stream.linear.gather [hbm4b:s16+s2], $0x80, $0x38;
	[tilespmem:$0x10200] =	vst v63  }
0x3f: {  	s11 =	sadd.s32 $0x980, s11;
	s15 =	sadd.s32 s3, s17  }
0x40: {  	[tilespmem:s11], [sflag:$0x1] =	stream.linear.gather [hbm4b:s15+s2], $0x80, $0x38;
	[tilespmem:$0x10200] =	vst v63  }
0x41: {  	v0 =	vld [tilespmem:s13+$0x0];
	_ =	sdelay $0x4  }
0x42: {  	v0 =	vshll.u32 v0, $0x4  }
0x43: {  	(v2sf) =	vpush v0, $0x0  }
0x44: {  	(v2sf) =	vpush v0, $0x1  }
0x45: {  	(v2sf) =	vpush v0, $0x2;
	_ =	sdelay $0x1  }
0x46: {  	(v2sf) =	vpush v0, $0x4  }
.Ltmp0:
0x47: {  	(pc) =	sbr.rel @p0 .LBB2_2-.Ltmp0, $3  }
0x48: {  	(v2sf) =	vpush v0, $0x3  }
0x49: {  	(v2sf) =	vpush v0, $0x5;
	_ =	sdelay $0x1  }
0x4a: {  	s11 =	sshra.s32 s14, $0x2;
	(v2sf) =	vpush v0, $0x6  }
0x4b: {  	_ =	sdelay $0x1  }
0x4c: {  	s15 =	sadd.s32 $0x280, s11;
	s14 =	sadd.s32 $0x780, s11  }
0x4d: {  	s16 =	sadd.s32 $0x580, s11;
	s12 =	sadd.s32 $0x800, s11;
	(v2sf) =	vpush v0, $0x7;
	s17 =	sadd.s32 $0x480, s11  }
0x4e: {  	s18 =	sadd.s32 $0x600, s11;
	s13 =	sadd.s32 $0x880, s11;
	s19 =	sadd.s32 $0x200, s11  }
0x4f: {  	s20 =	sadd.s32 $0x400, s11;
	s21 =	sadd.s32 $0x500, s11;
	(v2sf) =	vpush v0, $0x8;
	s22 =	spop (v2sf)  }
0x50: {  	s23 =	sadd.s32 $0x300, s11;
	s22 =	sand.u32 $0x1FFFFFF0, s22;
	s24 =	spop (v2sf)  }
0x51: {  	(v2sf) =	vpush v0, $0x9;
	s22 =	sadd.s32 s3, s22;
	s24 =	sand.u32 $0x1FFFFFF0, s24;
	s25 =	spop (v2sf)  }
0x52: {  	[tilespmem:s19], [sflag:$0x1] =	stream.linear.gather [hbm4b:s22+s2], $0x80, $0x38;
	[tilespmem:$0x10200] =	vst v63  }
0x53: {  	s26 =	sadd.s32 $0x380, s11;
	(v2sf) =	vpush v0, $0xA;
	s30 =	sadd.s32 s3, s24;
	s31 =	spop (v2sf)  }
0x54: {  	[tilespmem:s15], [sflag:$0x1] =	stream.linear.gather [hbm4b:s30+s2], $0x80, $0x38;
	[tilespmem:$0x10200] =	vst v63  }
0x55: {  	s19 =	sadd.s32 $0x700, s11;
	s28 =	sand.u32 $0x1FFFFFF0, s25;
	(v2sf) =	vpush v0, $0xB;
	s29 =	spop (v2sf)  }
0x56: {  	s22 =	sadd.s32 s3, s28;
	s15 =	sadd.s32 $0x680, s11;
	s25 =	sand.u32 $0x1FFFFFF0, s29  }
0x57: {  	(v2sf) =	vpush v0, $0xC;
	[tilespmem:s23], [sflag:$0x1] =	stream.linear.gather [hbm4b:s22+s2], $0x80, $0x38;
	[tilespmem:$0x10200] =	vst v63  }
0x58: {  	s30 =	sand.u32 $0x1FFFFFF0, s31;
	s31 =	spop (v2sf);
	s28 =	sadd.s32 s3, s25  }
0x59: {  	(v2sf) =	vpush v0, $0xD;
	[tilespmem:s26], [sflag:$0x1] =	stream.linear.gather [hbm4b:s28+s2], $0x80, $0x38;
	[tilespmem:$0x10200] =	vst v63  }
0x5a: {  	s22 =	sadd.s32 s3, s30;
	s23 =	sand.u32 $0x1FFFFFF0, s31;
	s29 =	spop (v2sf)  }
0x5b: {  	(v2sf) =	vpush v0, $0xE;
	[tilespmem:s20], [sflag:$0x1] =	stream.linear.gather [hbm4b:s22+s2], $0x80, $0x38;
	[tilespmem:$0x10200] =	vst v63  }
0x5c: {  	s23 =	sadd.s32 s3, s23;
	s30 =	sand.u32 $0x1FFFFFF0, s29;
	s31 =	spop (v2sf)  }
0x5d: {  	(v2sf) =	vpush v0, $0xF;
	[tilespmem:s17], [sflag:$0x1] =	stream.linear.gather [hbm4b:s23+s2], $0x80, $0x38;
	[tilespmem:$0x10200] =	vst v63  }
0x5e: {  	s24 =	sand.u32 $0x1FFFFFF0, s31;
	s25 =	spop (v2sf);
	s20 =	sadd.s32 s3, s30  }
0x5f: {  	[tilespmem:s21], [sflag:$0x1] =	stream.linear.gather [hbm4b:s20+s2], $0x80, $0x38;
	[tilespmem:$0x10200] =	vst v63  }
0x60: {  	s26 =	sand.u32 $0x1FFFFFF0, s25;
	s17 =	sadd.s32 s3, s24;
	s28 =	spop (v2sf)  }
0x61: {  	[tilespmem:s16], [sflag:$0x1] =	stream.linear.gather [hbm4b:s17+s2], $0x80, $0x38;
	[tilespmem:$0x10200] =	vst v63  }
0x62: {  	s20 =	sadd.s32 s3, s26;
	s29 =	sand.u32 $0x1FFFFFF0, s28;
	s30 =	spop (v2sf)  }
0x63: {  	[tilespmem:s18], [sflag:$0x1] =	stream.linear.gather [hbm4b:s20+s2], $0x80, $0x38;
	[tilespmem:$0x10200] =	vst v63  }
0x64: {  	s17 =	sand.u32 $0x1FFFFFF0, s30;
	s16 =	sadd.s32 s3, s29;
	s31 =	spop (v2sf)  }
0x65: {  	[tilespmem:s15], [sflag:$0x1] =	stream.linear.gather [hbm4b:s16+s2], $0x80, $0x38;
	[tilespmem:$0x10200] =	vst v63  }
0x66: {  	s17 =	sadd.s32 s3, s17;
	s20 =	sand.u32 $0x1FFFFFF0, s31;
	s21 =	spop (v2sf)  }
0x67: {  	[tilespmem:s19], [sflag:$0x1] =	stream.linear.gather [hbm4b:s17+s2], $0x80, $0x38;
	[tilespmem:$0x10200] =	vst v63  }
0x68: {  	s15 =	sadd.s32 s3, s20;
	s16 =	sand.u32 $0x1FFFFFF0, s21;
	s22 =	spop (v2sf)  }
0x69: {  	[tilespmem:s14], [sflag:$0x1] =	stream.linear.gather [hbm4b:s15+s2], $0x80, $0x38;
	[tilespmem:$0x10200] =	vst v63  }
0x6a: {  	s23 =	sand.u32 $0x1FFFFFF0, s22;
	s16 =	sadd.s32 s3, s16;
	s24 =	spop (v2sf)  }
0x6b: {  	[tilespmem:s12], [sflag:$0x1] =	stream.linear.gather [hbm4b:s16+s2], $0x80, $0x38;
	[tilespmem:$0x10200] =	vst v63  }
0x6c: {  	s25 =	sand.u32 $0x1FFFFFF0, s24;
	s26 =	spop (v2sf);
	s14 =	sadd.s32 s3, s23  }
0x6d: {  	[tilespmem:s13], [sflag:$0x1] =	stream.linear.gather [hbm4b:s14+s2], $0x80, $0x38;
	[tilespmem:$0x10200] =	vst v63  }
0x6e: {  	s29 =	sadd.s32 $0x900, s11;
	s28 =	sand.u32 $0x1FFFFFF0, s26;
	s12 =	sadd.s32 s3, s25  }
0x6f: {  	[tilespmem:s29], [sflag:$0x1] =	stream.linear.gather [hbm4b:s12+s2], $0x80, $0x38;
	[tilespmem:$0x10200] =	vst v63  }
0x70: {  	s30 =	sadd.s32 $0x980, s11;
	s31 =	sadd.s32 s3, s28  }
0x71: {  	[tilespmem:s30], [sflag:$0x1] =	stream.linear.gather [hbm4b:s31+s2], $0x80, $0x38;
	[tilespmem:$0x10200] =	vst v63  }
0x72: {  	s10 =	sadd.s32 $0x1, s10;
	_ =	swait.ge [sflag:s8], $0x10000  }
0x73: {  	p0 =	sne.s32 s10, s6;
	[sflag:s8] =	ssyncset.done $0x0  }
.Ltmp1:
0x74: {  	[sflag:s8] =	ssyncadd.s32 $0xFFFF0000;
	(pc) =	sbr.rel @p0 .LBB2_1-.Ltmp1, $4  }
0x75: {  	[hbm4b:s5+s2] =	stream.linear.scatter [tilespmem:s9], [sflag:$0x2], $0x10000, $0x38;
	[tilespmem:$0x10200] =	vst v63  }
0x76: {  	_ =	swait.ge [sflag:s7], $0x10000  }
0x77: {  	[sflag:s7] =	ssyncset.done $0x0  }
0x78: {  	[sflag:s7] =	ssyncadd.s32 $0xFFFF0000  }
0x79: {  	_ =	sfence.sel $0x180000  }
0x7a: {  	[bflag:$0x0] =	sbarrier.arrive $0xFFFF  }
0x7b: {  	p0 =	sne.s32 s1, $0x0;
	_ =	strace $0x90000047  }
0x7c: {  	s0 =	sadd.s32 @!p0 $0x100000, s0;
	[bflag:$0x2] =	sbarrier.arrive $0xFFFF  }
0x7d: {  	[sflag:s0] =	ssyncadd.tile.s32 @!p0 $0x1;
	_ =	shalt  }
.Lfunc_end2:
_tile_overlayer_lowered:
.L_overlay_start_2:
0x7e: {  	(tag) =	ssettag $0x2  }
0x7f: {  	s0 =	rddreg [dreg:$0x0];
	s2 =	stileid.u32  }
0x80: {  	s1 =	rddreg [dreg:$0x1];
	p0 =	sne.s32 s2, $0x0  }
0x81: {  	s3 =	rddreg [dreg:$0x2];
	[bflag:$0x3] =	sbarrier.arrive $0xFFFF;
	s2 =	simm.s32 @!p0 $0x1C02  }
0x82: {  	[timem:s3], [sflag:s2] =	dma.local @!p0 [hbm:s0], s1  }
0x83: {  	s0 =	simm.s32 @!p0 $0x2  }
0x84: {  	_ =	swait.ge @!p0 [sflag:s0], s1  }
0x85: {  	s1 =	ssub.s32 @!p0 $0x0, s1;
	[sflag:s0] =	ssyncset.done @!p0 $0x0  }
0x86: {  	[sflag:s0] =	ssyncadd.s32 @!p0 s1  }
0x87: {  	[bflag:$0x3] =	sbarrier.arrive $0xFFFF  }
0x88: {  	_ =	shalt  }

// kernel: _run.7.cloned.1.call-start
scs
__scs_entry_jumppad:
0x0: {  	(pc) =	sbr.rel $0x88, $3  }
0x1: {  	(tag) =	ssettag $0x0;
	lr =	simm.s32 $0x1  }
0x2: {  	[smem:$0x3F9D] =	sst lr;
	_ =	strace $0xD0000000  }
0x3: {  	_ = 	snop  }
0x4: {  	_ = 	snop  }
0x5: {  	_ = 	snop  }
0x6: {  	_ = 	snop  }
0x7: {  	_ = 	snop  }
__scs_overlays_trampoline_lowered:
0x8: {  	[smem:$0x3FAC] =	sst s0  }
0x9: {  	[smem:$0x3FAD] =	sst s1  }
0xa: {  	[smem:$0x3FAE] =	sst s2  }
0xb: {  	[smem:$0x3FAF] =	sst s3  }
0xc: {  	[smem:$0x3FB0] =	sst s4  }
0xd: {  	[smem:$0x3FB1] =	sst s5  }
0xe: {  	[smem:$0x3FB2] =	sst s6  }
0xf: {  	[smem:$0x3FB3] =	sst s7  }
0x10: {  	[smem:$0x3FB4] =	sst s8  }
0x11: {  	[smem:$0x3FB5] =	sst s9;
	s0 =	simm.s32 @!p0 $0x0  }
0x12: {  	s1 =	sld [smem:$0x3F9B];
	s0 =	simm.s32 @p0 $0x1  }
0x13: {  	[smem:$0x3FB6] =	sst s0;
	s0 =	simm.s32 @!p1 $0x0  }
0x14: {  	s2 =	sld [smem:$0x3F9A];
	s0 =	simm.s32 @p1 $0x1  }
0x15: {  	[smem:$0x3FB7] =	sst s0;
	s0 =	simm.s32 @!p2 $0x0  }
0x16: {  	s3 =	sld [smem:$0x3FDB];
	s0 =	simm.s32 @p2 $0x1  }
0x17: {  	s4 =	simm.s32 $0x1BF5;
	[smem:$0x3FB9] =	sst s0  }
0x18: {  	s0 =	sld [smem:$0x3F9C];
	_ =	swait.ge [sflag:s4], $0x0  }
0x19: {  	s7 =	sld [smem:$0x3F9D]  }
0x1a: {  	s8 =	sadd.s32 $0xFFFFE003, lr  }
0x1b: {  	s9 =	sadd.s32 $0xFFFFFEF7, lr;
	s5 =	simm.s32 $0xFFFFFFFF;
	p2 =	slt.u32 s8, $0xFFFFF086  }
0x1c: {  	p1 =	slt.u32 s9, $0xF7A;
	s5 =	simm.s32 @!p2 $0x0  }
0x1d: {  	s5 =	simm.s32 @p1 $0x1;
	p0 =	seq.s32 s7, s2  }
0x1e: {  	s7 =	smul.u32 @!p0 $0xF7A, s2;
	p2 =	seq.s32 @!p0 s5, $0x0  }
0x1f: {  	s9 =	smul.u32 $0xF7A, s1;
	s8 =	simm.s32 @!p0 $0x1BF5;
	p2 =	por !p2, p0  }
0x20: {  	[sflag:s8] =	ssyncset.s32 @!p0 $0xFFFFF086;
	s6 =	sadd.s32 @!p0 s3, s7;
	s7 =	simm.s32 @!p0 $0x108  }
0x21: {  	s3 =	sadd.s32 s3, s9;
	s6 =	sadd.s32 @!p0 $0x88, s6;
	s7 =	simm.s32 @p2 $0x1082  }
0x22: {  	[simem:s7], [sflag:s8] =	dma.local @!p0 [hbm:s6], $0xF7A  }
0x23: {  	s9 =	sor.u32 $0xD0000000, s2;
	s6 =	simm.s32 $0x108;
	_ =	swait.ge @!p0 [sflag:s8], $0x0  }
0x24: {  	s3 =	sadd.s32 $0x88, s3;
	s6 =	simm.s32 @!p1 $0x1082;
	[sflag:s4] =	ssyncset.s32 $0xFFFFF086  }
0x25: {  	[simem:s6], [sflag:s4] =	dma.local [hbm:s3], $0xF7A  }
0x26: {  	[smem:$0x3F9D] =	sst s1;
	(tag) =	ssettag s2;
	_ =	strace s9  }
0x27: {  	s1 =	sld [smem:$0x3FAD]  }
0x28: {  	s2 =	sld [smem:$0x3FAE]  }
0x29: {  	s4 =	sld [smem:$0x3FB0]  }
0x2a: {  	p0 =	seq.s32 s5, $0x0;
	s5 =	sld [smem:$0x3FB1]  }
0x2b: {  	s6 =	sld [smem:$0x3FB2]  }
0x2c: {  	s7 =	sld [smem:$0x3FB3]  }
0x2d: {  	s3 =	simm.s32 $0x108;
	s8 =	sld [smem:$0x3FB4]  }
0x2e: {  	s3 =	simm.s32 @!p0 $0x1082;
	s9 =	sld [smem:$0x3FB5]  }
0x2f: {  	lr =	sadd.s32 s0, s3;
	s0 =	sld [smem:$0x3FAC]  }
0x30: {  	s3 =	sld [smem:$0x3FAF]  }
0x31: {  	[smem:$0x3FB8] =	sst s10  }
0x32: {  	s10 =	sld [smem:$0x3FB6];
	_ =	sdelay $0x3  }
0x33: {  	p0 =	seq.s32 s10, $0x1;
	s10 =	sld [smem:$0x3FB8];
	_ =	sdelay $0x3  }
0x34: {  	[smem:$0x3FB8] =	sst s10  }
0x35: {  	s10 =	sld [smem:$0x3FB7];
	_ =	sdelay $0x3  }
0x36: {  	p1 =	seq.s32 s10, $0x1;
	s10 =	sld [smem:$0x3FB8];
	_ =	sdelay $0x3  }
0x37: {  	[smem:$0x3FB8] =	sst s10  }
0x38: {  	s10 =	sld [smem:$0x3FB9]  }
0x39: {  	_ = 	snop;
	(pc) =	sbr.ind lr, $3  }
0x3a: {  	_ = 	snop  }
0x3b: {  	_ = 	snop  }
0x3c: {  	p2 =	seq.s32 s10, $0x1;
	s10 =	sld [smem:$0x3FB8]  }
0x3d: {  	_ =	shalt  }
0x3e: {  	_ =	shalt  }
0x3f: {  	_ =	shalt  }
0x40: {  	_ =	shalt  }
0x41: {  	_ =	shalt  }
0x42: {  	_ =	shalt  }
0x43: {  	_ =	shalt  }
0x44: {  	_ =	shalt  }
0x45: {  	_ =	shalt  }
0x46: {  	_ =	shalt  }
0x47: {  	_ =	shalt  }
0x48: {  	_ =	shalt  }
0x49: {  	_ =	shalt  }
0x4a: {  	_ =	shalt  }
0x4b: {  	_ =	shalt  }
0x4c: {  	_ =	shalt  }
0x4d: {  	_ =	shalt  }
0x4e: {  	_ =	shalt  }
0x4f: {  	_ =	shalt  }
0x50: {  	_ =	shalt  }
0x51: {  	_ =	shalt  }
0x52: {  	_ =	shalt  }
0x53: {  	_ =	shalt  }
0x54: {  	_ =	shalt  }
0x55: {  	_ =	shalt  }
0x56: {  	_ =	shalt  }
0x57: {  	_ =	shalt  }
0x58: {  	_ =	shalt  }
0x59: {  	_ =	shalt  }
0x5a: {  	_ =	shalt  }
0x5b: {  	_ =	shalt  }
0x5c: {  	_ =	shalt  }
0x5d: {  	_ =	shalt  }
0x5e: {  	_ =	shalt  }
0x5f: {  	_ =	shalt  }
0x60: {  	_ =	shalt  }
0x61: {  	_ =	shalt  }
0x62: {  	_ =	shalt  }
0x63: {  	_ =	shalt  }
0x64: {  	_ =	shalt  }
0x65: {  	_ =	shalt  }
0x66: {  	_ =	shalt  }
0x67: {  	_ =	shalt  }
0x68: {  	_ =	shalt  }
0x69: {  	_ =	shalt  }
0x6a: {  	_ =	shalt  }
0x6b: {  	_ =	shalt  }
0x6c: {  	_ =	shalt  }
0x6d: {  	_ =	shalt  }
0x6e: {  	_ =	shalt  }
0x6f: {  	_ =	shalt  }
0x70: {  	_ =	shalt  }
0x71: {  	_ =	shalt  }
0x72: {  	_ =	shalt  }
0x73: {  	_ =	shalt  }
0x74: {  	_ =	shalt  }
0x75: {  	_ =	shalt  }
0x76: {  	_ =	shalt  }
0x77: {  	_ =	shalt  }
0x78: {  	_ =	shalt  }
0x79: {  	_ =	shalt  }
0x7a: {  	_ =	shalt  }
0x7b: {  	_ =	shalt  }
0x7c: {  	_ =	shalt  }
0x7d: {  	_ =	shalt  }
0x7e: {  	_ =	shalt  }
0x7f: {  	_ =	shalt  }
0x80: {  	_ =	shalt  }
0x81: {  	_ =	shalt  }
0x82: {  	_ =	shalt  }
0x83: {  	_ =	shalt  }
0x84: {  	_ =	shalt  }
0x85: {  	_ =	shalt  }
0x86: {  	_ =	shalt  }
0x87: {  	_ =	shalt  }
.Lfunc_end0:
.L_simem_size_0:
called_computation.1_lowered:
.L_overlay_start_0:
0x88: {  	s2 =	sld [smem:$0x3FD9]  }
0x89: {  	s3 =	sld [smem:$0x3FFE];
	_ =	sdelay $0x1  }
0x8a: {  	s1 =	srdreg.scid  }
0x8b: {  	s0 =	sand.u32 $0x1, s1  }
0x8c: {  	s17 =	sshll.u32 s0, $0xA;
	s2 =	sadd.s32 s3, s2  }
0x8d: {  	s2 =	sadd.s32 s2, s17  }
0x8e: {  	[smem:$0x3FC4] =	sst s2  }
0x8f: {  	_ = 	snop  }
0x90: {  	s2 =	sld [smem:$0x3FD0];
	(tm) =	ssettm $0x1  }
0x91: {  	s18 =	sld [smem:$0x3FFB];
	_ =	sdelay $0x3  }
0x92: {  	_ =	strace s18  }
0x93: {  	s3 =	sld [smem:$0x3FFC];
	_ =	sdelay $0x3  }
0x94: {  	_ =	strace s3  }
0x95: {  	s3 =	sld [smem:$0x3FFD];
	_ =	sdelay $0x3  }
0x96: {  	_ =	strace s3  }
0x97: {  	_ =	strace $0x8FFFFFFF  }
0x98: {  	s19 =	sld [smem:$0x3FDB];
	_ =	sdelay $0x1  }
0x99: {  	s4 =	simm.s32 $_scs_section_size  }
0x9a: {  	s5 =	simm.s32 $_size__tile_overlayer_lowered;
	s6 =	simm.s32 $_tile_overlayer_lowered  }
0x9b: {  	s22 =	simm.s32 $0x1BFF;
	s21 =	sshll.u32 s6, $0x1;
	s3 =	sadd.s32 s4, s19  }
0x9c: {  	s7 =	simm.s32 $0x0;
	s20 =	sshll.u32 s5, $0x1;
	s5 =	sadd.s32 s21, s3  }
0x9d: {  	[timem:s7], [sflag:s22] =	dma.local [hbm:s5], s20  }
0x9e: {  	_ =	swait.ge [sflag:s22], s20  }
0x9f: {  	s4 =	ssub.s32 $0x0, s20;
	[sflag:s22] =	ssyncset.done $0x0  }
0xa0: {  	[sflag:s22] =	ssyncadd.s32 s4;
	_ =	sdelay $0x1  }
0xa1: {  	s23 =	simm.s32 $0x1B8B  }
0xa2: {  	_ =	swait.ge [sflag:s23], $0x1  }
0xa3: {  	[sflag:s23] =	ssyncset.done $0x0  }
0xa4: {  	s25 =	simm.s32 $0x1B8E;
	s24 =	sld [smem:$0x3FFE];
	[sflag:s23] =	ssyncadd.s32 $0xFFFFFFFF  }
0xa5: {  	s26 =	simm.s32 $execute0_lowered;
	[smem:$0x3FD2] =	sst s25  }
0xa6: {  	s5 =	sshll.u32 s26, $0x1;
	_ =	strace $0x80000049;
	[dreg:$0x1] =	wrdreg $0xFFFFFFFF  }
0xa7: {  	s28 =	simm.s32 $_size_execute0_lowered;
	s3 =	sadd.s32 s3, s5;
	[dreg:$0x0] =	wrdreg $0x0  }
0xa8: {  	s5 =	sshll.u32 s28, $0x1;
	[dreg:$0x2] =	wrdreg s3  }
0xa9: {  	[dreg:$0x3] =	wrdreg s5  }
0xaa: {  	[dreg:$0x4] =	wrdreg $0xC0  }
0xab: {  	_ =	task [dreg:s7], $0x5FFFF  }
0xac: {  	[dreg:$0x1] =	wrdreg $0xFFFFFFFF  }
0xad: {  	[dreg:$0x0] =	wrdreg $0x60  }
0xae: {  	[dreg:$0x2] =	wrdreg s2  }
0xaf: {  	[dreg:$0x3] =	wrdreg s24  }
0xb0: {  	[dreg:$0x4] =	wrdreg $0x9  }
0xb1: {  	_ =	task.clear_ibuf [dreg:s7], $0x5FFFF;
	_ =	strace $0x90000049  }
0xb2: {  	s29 =	simm.s32 $0x9;
	_ =	strace $0x8000004B  }
0xb3: {  	_ =	swait.ge [sflag:s29], $0x1  }
0xb4: {  	[sflag:s29] =	ssyncadd.s32 $0xFFFFFFFF  }
0xb5: {  	_ =	strace $0x9000004B  }
0xb6: {  	_ =	sfence  }
0xb7: {  	s30 =	sld [smem:$0x0];
	_ =	sdelay $0x2  }
0xb8: {  	s31 =	sshll.u32 s1, $0xD;
	s1 =	sshrl.u32 s1, $0x2  }
0xb9: {  	s3 =	sand.u32 $0x4000, s31;
	s1 =	sadd.s32 s1, s30  }
0xba: {  	s0 =	sor.u32 s3, s0;
	s1 =	sshll.u32 s1, $0x11  }
0xbb: {  	s0 =	sor.u32 s1, s0  }
0xbc: {  	s0 =	sadd.s32 $0x8F2B, s0  }
0xbd: {  	[sflag:s0] =	ssyncadd.remote.s32 $0x1  }
0xbe: {  	_ =	sfence.sel $0xFFFF  }
0xbf: {  	[dreg:$0x0] =	wrdreg $0xFFFFFFFF;
	(pc) =	sbr.abs _section_cstart, $3  }
0xc0: {  	[dreg:$0x1] =	wrdreg $0xFFFFFFFF  }
0xc1: {  	_ =	task.clear_ibuf [dreg:s7], $0x2FFFF;
	_ =	strace $0x9FFFFFFF  }
0xc2: {  	(tm) =	ssettm $0x7FFFFFFF  }
0xc3: {  	_ =	shalt  }
tec
execute0_lowered:
.L_overlay_start_1:
0x0: {  	(tag) =	ssettag $0x1  }
0x1: {  	s4 =	rddreg [dreg:$0x0]  }
0x2: {  	s5 =	rddreg [dreg:$0x1]  }
0x3: {  	s2 =	srdreg.scid;
	s0 =	stileid.u32  }
0x4: {  	s11 =	simm.s32 $0x80;
	s12 =	simm.s32 $0xD800;
	s13 =	simm.s32 $0x3080  }
0x5: {  	s14 =	simm.s32 $0xE800;
	s15 =	simm.s32 $0x40;
	s16 =	simm.s32 $0x3100  }
0x6: {  	s17 =	simm.s32 $0xF800;
	s18 =	simm.s32 $0x10000;
	s19 =	simm.s32 $0x11000  }
0x7: {  	s20 =	simm.s32 $0x12000;
	s21 =	simm.s32 $0x1;
	s22 =	simm.s32 $0x12800  }
0x8: {  	s23 =	simm.s32 $0x2;
	s24 =	simm.s32 $0x0;
	s3 =	sand.u32 $0x1, s2  }
0x9: {  	s2 =	simm.s32 $0x0;
	s6 =	sshll.u32 s0, $0xA;
	s7 =	sshll.u32 s3, $0x9  }
0xa: {  	[smem:$0x7FF] =	sst s2;
	s8 =	ssub.s32 $0x2, s3;
	s6 =	sor.u32 s7, s6  }
0xb: {  	s9 =	sshrl.u32 s8, $0x1;
	s7 =	sshll.u32 s6, $0x2;
	s6 =	smul.u32 $0x3, s6  }
0xc: {  	s3 =	sadd.s32 $0x1EC5600, s5;
	_ =	strace $0x8000004A;
	s8 =	ssub.s32 s8, s9  }
0xd: {  	v0 =	vlaneseq.u32;
	s9 =	simm.s32 $0x5800;
	s7 =	sadd.s32 s7, s5;
	s10 =	sadd.s32 s6, s5  }
0xe: {  	v4 =	vmul.u32 $0x280, v0;
	s4 =	sadd.s32 s4, s6;
	s5 =	sadd.s32 $0xA00, s7;
	s7 =	smax.u32 s8, $0x1  }
0xf: {  	v1 =	vadd.s32 $0x4, v0;
	v2 =	vmul.u32 $0x20, v0;
	v3 =	vmul.u32 $0x18, v0;
	s8 =	simm.s32 $0x3;
	s6 =	sadd.s32 $0x10A00, s10;
	s10 =	simm.s32 $0x3000  }
.LBB2_1:
0x10: {  	v5 =	vmov s2  }
0x11: {  	v5 =	vmul.u32 $0x18, v5  }
0x12: {  	[tilespmem:s2], [sflag:$0x3] =	stream.linear.gather [hbm4b:s4+s2], $0x3000, $0x38;
	[tilespmem:$0x15800] =	vst v63  }
0x13: {  	_ =	swait.ge [sflag:s8], $0x3000;
	v5 =	vbroadcast v5, $0x0  }
0x14: {  	[sflag:s8] =	ssyncset.done $0x0  }
0x15: {  	[sflag:s8] =	ssyncadd.s32 $0xFFFFD000;
	v5 =	vadd.s32 v1, v5  }
0x16: {  	[tilespmem:s9], [sflag:$0x3] =	stream.linear.gather [hbm4b:s5+s2], $0x4000, $0x38;
	[tilespmem:$0x15800] =	vst v63  }
0x17: {  	_ =	swait.ge [sflag:s8], $0x4000  }
0x18: {  	s25 =	simm.s32 $0x1;
	[sflag:s8] =	ssyncset.done $0x0  }
0x19: {  	v8 =	vmov s25;
	[sflag:s8] =	ssyncadd.s32 $0xFFFFC000  }
0x1a: {  	v9 =	vld.idx.msk [tilespmem:v5+s2+$0x0], $0xffff;
	v5 =	vmul.u32 $0x18, v8;
	_ =	sdelay $0x1  }
0x1b: {  	v7 =	vadd.s32 s2, v0;
	s26 =	simm.s32 $0x4;
	v6 =	vld [tilespmem:s2+$0x0];
	v5 =	vbroadcast v5, $0x0  }
0x1c: {  	v10 =	vadd.s32 s26, v0  }
0x1d: {  	v5 =	vadd.s32 v1, v5;
	_ =	sdelay $0x1  }
0x1e: {  	s31 =	simm.s32 $0x2  }
0x1f: {  	s29 =	simm.s32 $0x0;
	v8 =	vmov s31;
	[tilespmem:v7+s10+$0x0] =	vst.idx.msk $0xffff, v6  }
0x20: {  	s28 =	simm.s32 $0x0;
	s25 =	simm.s32 $0x3;
	s26 =	simm.s32 $0x0;
	v6 =	vmul.u32 $0x18, v8;
	[tilespmem:v10+s10+$0x0] =	vst.idx.msk $0xffff, v9  }
.LBB2_2:
0x21: {  	p0 =	sne.s32 s25, $0x1FF;
	v7 =	vld.idx.msk [tilespmem:v5+s29+$0x0], $0xffff;
	s26 =	sadd.s32 $0x14, s26;
	s28 =	sadd.s32 $0x18, s28  }
0x22: {  	v5 =	vbroadcast v6, $0x0;
	v6 =	vld [tilespmem:s28+$0x0];
	v8 =	vadd.s32 s26, v0;
	s29 =	sadd.s32 $0x4, s26  }
0x23: {  	v9 =	vadd.s32 s29, v0  }
.Ltmp0:
0x24: {  	v5 =	vadd.s32 v1, v5;
	(pc) =	sbr.rel @p0 .LBB2_2-.Ltmp0, $3  }
0x25: {  	_ =	sdelay $0x1  }
0x26: {  	v10 =	vmov s25;
	[tilespmem:v8+s10+$0x0] =	vst.idx.msk $0xffff, v6  }
0x27: {  	s25 =	sadd.s32 $0x1, s25;
	s29 =	simm.s32 $0x0;
	v6 =	vmul.u32 $0x18, v10;
	[tilespmem:v9+s10+$0x0] =	vst.idx.msk $0xffff, v7  }
0x28: {  	_ =	sdelay $0x1  }
0x29: {  	s25 =	sadd.s32 $0x14, s26;
	s30 =	sadd.s32 $0x18, s28  }
0x2a: {  	v7 =	vld [tilespmem:s30+$0x0];
	v8 =	vadd.s32 s25, v0;
	s28 =	sadd.s32 $0x4, s25  }
0x2b: {  	v5 =	vld.idx.msk [tilespmem:v5+s29+$0x0], $0xffff;
	v6 =	vbroadcast v6, $0x0;
	v9 =	vadd.s32 s28, v0;
	_ =	sdelay $0x1  }
0x2c: {  	v6 =	vadd.s32 v1, v6;
	_ =	sdelay $0x1  }
0x2d: {  	[tilespmem:v8+s10+$0x0] =	vst.idx.msk $0xffff, v7  }
0x2e: {  	s26 =	sadd.s32 $0x18, s30;
	s28 =	sadd.s32 $0x14, s25;
	[tilespmem:v9+s10+$0x0] =	vst.idx.msk $0xffff, v5  }
0x2f: {  	s25 =	simm.s32 $0x0;
	s31 =	sadd.s32 $0x4, s28;
	v7 =	vadd.s32 s28, v0;
	v5 =	vld [tilespmem:s26+$0x0]  }
0x30: {  	p1 =	por $0x1, $0x1;
	v63 =	vadd.s32 s31, v0;
	v6 =	vld.idx.msk [tilespmem:v6+s25+$0x0], $0xffff  }
.Ltmp1:
0x31: {  	_ = 	snop;
	(pc) =	sbr.rel @!p1 .LBB2_4-.Ltmp1, $3  }
0x32: {  	_ =	sdelay $0x1  }
0x33: {  	[tilespmem:v7+s10+$0x0] =	vst.idx.msk $0xffff, v5  }
0x34: {  	p0 =	por $0x0, $0x0;
	s28 =	simm.s32 $0x10;
	s26 =	simm.s32 $0xB800;
	v5 =	vmov s25;
	[tilespmem:v63+s10+$0x0] =	vst.idx.msk $0xffff, v6  }
0x35: {  	v5 =	vshll.u32 v5, $0x5  }
0x36: {  	v5 =	vor.u32 v2, v5;
	_ =	sdelay $0x4  }
0x37: {  	v6 =	vld.idx.msk [tilespmem:v5+s9+$0x0], $0xffff  }
0x38: {  	v7 =	vor.u32 $0x1, v5;
	_ =	sdelay $0x3  }
0x39: {  	[tilespmem:s26+$0xFFFFE000] =	vst v6  }
0x3a: {  	v6 =	vld.idx.msk [tilespmem:v7+s9+$0x0], $0xffff  }
0x3b: {  	v7 =	vor.u32 $0x2, v5;
	_ =	sdelay $0x3  }
0x3c: {  	[tilespmem:s26+$0xFFFFE200] =	vst v6  }
0x3d: {  	v6 =	vld.idx.msk [tilespmem:v7+s9+$0x0], $0xffff  }
0x3e: {  	v7 =	vor.u32 $0x3, v5;
	_ =	sdelay $0x3  }
0x3f: {  	[tilespmem:s26+$0xFFFFE400] =	vst v6  }
0x40: {  	v6 =	vld.idx.msk [tilespmem:v7+s9+$0x0], $0xffff  }
0x41: {  	v7 =	vor.u32 $0x4, v5;
	_ =	sdelay $0x3  }
0x42: {  	[tilespmem:s26+$0xFFFFE600] =	vst v6  }
0x43: {  	v6 =	vld.idx.msk [tilespmem:v7+s9+$0x0], $0xffff  }
0x44: {  	v7 =	vor.u32 $0x5, v5;
	_ =	sdelay $0x3  }
0x45: {  	[tilespmem:s26+$0xFFFFE800] =	vst v6  }
0x46: {  	v6 =	vld.idx.msk [tilespmem:v7+s9+$0x0], $0xffff  }
0x47: {  	v7 =	vor.u32 $0x6, v5;
	_ =	sdelay $0x3  }
0x48: {  	[tilespmem:s26+$0xFFFFEA00] =	vst v6  }
0x49: {  	v6 =	vld.idx.msk [tilespmem:v7+s9+$0x0], $0xffff  }
0x4a: {  	v7 =	vor.u32 $0x7, v5;
	_ =	sdelay $0x3  }
0x4b: {  	[tilespmem:s26+$0xFFFFEC00] =	vst v6  }
0x4c: {  	v6 =	vld.idx.msk [tilespmem:v7+s9+$0x0], $0xffff  }
0x4d: {  	v7 =	vor.u32 $0x8, v5;
	_ =	sdelay $0x3  }
0x4e: {  	[tilespmem:s26+$0xFFFFEE00] =	vst v6  }
0x4f: {  	v6 =	vld.idx.msk [tilespmem:v7+s9+$0x0], $0xffff  }
0x50: {  	v7 =	vor.u32 $0x9, v5;
	_ =	sdelay $0x3  }
0x51: {  	[tilespmem:s26+$0xFFFFF000] =	vst v6  }
0x52: {  	v6 =	vld.idx.msk [tilespmem:v7+s9+$0x0], $0xffff  }
0x53: {  	v7 =	vor.u32 $0xA, v5;
	_ =	sdelay $0x3  }
0x54: {  	[tilespmem:s26+$0xFFFFF200] =	vst v6  }
0x55: {  	v6 =	vld.idx.msk [tilespmem:v7+s9+$0x0], $0xffff  }
0x56: {  	v7 =	vor.u32 $0xB, v5;
	_ =	sdelay $0x3  }
0x57: {  	[tilespmem:s26+$0xFFFFF400] =	vst v6  }
0x58: {  	v6 =	vld.idx.msk [tilespmem:v7+s9+$0x0], $0xffff  }
0x59: {  	v7 =	vor.u32 $0xC, v5;
	_ =	sdelay $0x3  }
0x5a: {  	[tilespmem:s26+$0xFFFFF600] =	vst v6  }
0x5b: {  	v6 =	vld.idx.msk [tilespmem:v7+s9+$0x0], $0xffff  }
0x5c: {  	v7 =	vor.u32 $0xD, v5;
	_ =	sdelay $0x3  }
0x5d: {  	[tilespmem:s26+$0xFFFFF800] =	vst v6  }
0x5e: {  	v6 =	vld.idx.msk [tilespmem:v7+s9+$0x0], $0xffff  }
0x5f: {  	v7 =	vor.u32 $0xE, v5;
	_ =	sdelay $0x3  }
0x60: {  	[tilespmem:s26+$0xFFFFFA00] =	vst v6  }
0x61: {  	v6 =	vld.idx.msk [tilespmem:v7+s9+$0x0], $0xffff  }
0x62: {  	v7 =	vor.u32 $0xF, v5;
	_ =	sdelay $0x3  }
0x63: {  	[tilespmem:s26+$0xFFFFFC00] =	vst v6  }
0x64: {  	v6 =	vld.idx.msk [tilespmem:v7+s9+$0x0], $0xffff  }
0x65: {  	v7 =	vor.u32 $0x10, v5;
	_ =	sdelay $0x3  }
0x66: {  	[tilespmem:s26+$0xFFFFFE00] =	vst v6  }
0x67: {  	v6 =	vld.idx.msk [tilespmem:v7+s9+$0x0], $0xffff  }
0x68: {  	v7 =	vor.u32 $0x11, v5;
	_ =	sdelay $0x3  }
0x69: {  	[tilespmem:s26+$0x0] =	vst v6  }
0x6a: {  	v6 =	vld.idx.msk [tilespmem:v7+s9+$0x0], $0xffff  }
0x6b: {  	v7 =	vor.u32 $0x12, v5;
	_ =	sdelay $0x3  }
0x6c: {  	[tilespmem:s26+$0x200] =	vst v6  }
0x6d: {  	v6 =	vld.idx.msk [tilespmem:v7+s9+$0x0], $0xffff  }
0x6e: {  	v7 =	vor.u32 $0x13, v5;
	_ =	sdelay $0x3  }
0x6f: {  	[tilespmem:s26+$0x400] =	vst v6  }
0x70: {  	v6 =	vld.idx.msk [tilespmem:v7+s9+$0x0], $0xffff  }
0x71: {  	v7 =	vor.u32 $0x14, v5;
	_ =	sdelay $0x3  }
0x72: {  	[tilespmem:s26+$0x600] =	vst v6  }
0x73: {  	v6 =	vld.idx.msk [tilespmem:v7+s9+$0x0], $0xffff  }
0x74: {  	v7 =	vor.u32 $0x15, v5;
	_ =	sdelay $0x3  }
0x75: {  	[tilespmem:s26+$0x800] =	vst v6  }
0x76: {  	v6 =	vld.idx.msk [tilespmem:v7+s9+$0x0], $0xffff  }
0x77: {  	v7 =	vor.u32 $0x16, v5;
	_ =	sdelay $0x3  }
0x78: {  	[tilespmem:s26+$0xA00] =	vst v6  }
0x79: {  	v6 =	vld.idx.msk [tilespmem:v7+s9+$0x0], $0xffff  }
0x7a: {  	v7 =	vor.u32 $0x17, v5;
	_ =	sdelay $0x3  }
0x7b: {  	[tilespmem:s26+$0xC00] =	vst v6  }
0x7c: {  	v6 =	vld.idx.msk [tilespmem:v7+s9+$0x0], $0xffff  }
0x7d: {  	v7 =	vor.u32 $0x18, v5;
	_ =	sdelay $0x3  }
0x7e: {  	[tilespmem:s26+$0xE00] =	vst v6  }
0x7f: {  	v6 =	vld.idx.msk [tilespmem:v7+s9+$0x0], $0xffff  }
0x80: {  	v7 =	vor.u32 $0x19, v5;
	_ =	sdelay $0x3  }
0x81: {  	[tilespmem:s26+$0x1000] =	vst v6  }
0x82: {  	v6 =	vld.idx.msk [tilespmem:v7+s9+$0x0], $0xffff  }
0x83: {  	v7 =	vor.u32 $0x1A, v5;
	_ =	sdelay $0x3  }
0x84: {  	[tilespmem:s26+$0x1200] =	vst v6  }
0x85: {  	v6 =	vld.idx.msk [tilespmem:v7+s9+$0x0], $0xffff  }
0x86: {  	v7 =	vor.u32 $0x1B, v5;
	_ =	sdelay $0x3  }
0x87: {  	[tilespmem:s26+$0x1400] =	vst v6  }
0x88: {  	v6 =	vld.idx.msk [tilespmem:v7+s9+$0x0], $0xffff  }
0x89: {  	v7 =	vor.u32 $0x1C, v5;
	_ =	sdelay $0x3  }
0x8a: {  	[tilespmem:s26+$0x1600] =	vst v6  }
0x8b: {  	v6 =	vld.idx.msk [tilespmem:v7+s9+$0x0], $0xffff  }
0x8c: {  	v7 =	vor.u32 $0x1D, v5;
	_ =	sdelay $0x3  }
0x8d: {  	[tilespmem:s26+$0x1800] =	vst v6  }
0x8e: {  	v6 =	vld.idx.msk [tilespmem:v7+s9+$0x0], $0xffff  }
0x8f: {  	v7 =	vor.u32 $0x1E, v5;
	_ =	sdelay $0x3  }
0x90: {  	[tilespmem:s26+$0x1A00] =	vst v6  }
0x91: {  	v6 =	vld.idx.msk [tilespmem:v7+s9+$0x0], $0xffff  }
0x92: {  	p1 =	por $0x1, $0x1;
	v7 =	vor.u32 $0x1F, v5  }
.Ltmp2:
0x93: {  	_ = 	snop;
	(pc) =	sbr.rel @!p1 .LBB2_6-.Ltmp2, $3  }
0x94: {  	_ =	sdelay $0x1  }
0x95: {  	[tilespmem:s26+$0x1C00] =	vst v6  }
0x96: {  	s29 =	simm.s32 $0x20;
	p0 =	por $0x1, $0x1;
	v5 =	vmov s28;
	s28 =	simm.s32 $0xB800;
	v6 =	vld.idx.msk [tilespmem:v7+s9+$0x0], $0xffff  }
.LBB2_7:
0x97: {  	p1 =	sne.s32 s29, $0x1F0;
	v5 =	vshll.u32 v5, $0x5  }
0x98: {  	v5 =	vor.u32 v2, v5;
	_ =	sdelay $0x3  }
0x99: {  	[tilespmem:s28+$0x1E00] =	vst v6  }
0x9a: {  	v6 =	vld.idx.msk [tilespmem:v5+s9+$0x0], $0xffff;
	_ =	sdelay $0x1  }
0x9b: {  	v7 =	vor.u32 $0x1, v5;
	_ =	sdelay $0x2  }
0x9c: {  	s28 =	sadd.s32 $0x10, s28  }
0x9d: {  	[tilespmem:s28+$0xFFFFE000] =	vst v6  }
0x9e: {  	v6 =	vld.idx.msk [tilespmem:v7+s9+$0x0], $0xffff;
	_ =	sdelay $0x1  }
0x9f: {  	v7 =	vor.u32 $0x2, v5;
	_ =	sdelay $0x3  }
0xa0: {  	[tilespmem:s28+$0xFFFFE200] =	vst v6  }
0xa1: {  	v6 =	vld.idx.msk [tilespmem:v7+s9+$0x0], $0xffff;
	_ =	sdelay $0x1  }
0xa2: {  	v7 =	vor.u32 $0x3, v5;
	_ =	sdelay $0x3  }
0xa3: {  	[tilespmem:s28+$0xFFFFE400] =	vst v6  }
0xa4: {  	v6 =	vld.idx.msk [tilespmem:v7+s9+$0x0], $0xffff;
	_ =	sdelay $0x1  }
0xa5: {  	v7 =	vor.u32 $0x4, v5;
	_ =	sdelay $0x3  }
0xa6: {  	[tilespmem:s28+$0xFFFFE600] =	vst v6  }
0xa7: {  	v6 =	vld.idx.msk [tilespmem:v7+s9+$0x0], $0xffff;
	_ =	sdelay $0x1  }
0xa8: {  	v7 =	vor.u32 $0x5, v5;
	_ =	sdelay $0x3  }
0xa9: {  	[tilespmem:s28+$0xFFFFE800] =	vst v6  }
0xaa: {  	v6 =	vld.idx.msk [tilespmem:v7+s9+$0x0], $0xffff;
	_ =	sdelay $0x1  }
0xab: {  	v7 =	vor.u32 $0x6, v5;
	_ =	sdelay $0x3  }
0xac: {  	[tilespmem:s28+$0xFFFFEA00] =	vst v6  }
0xad: {  	v6 =	vld.idx.msk [tilespmem:v7+s9+$0x0], $0xffff;
	_ =	sdelay $0x1  }
0xae: {  	v7 =	vor.u32 $0x7, v5;
	_ =	sdelay $0x3  }
0xaf: {  	[tilespmem:s28+$0xFFFFEC00] =	vst v6  }
0xb0: {  	v6 =	vld.idx.msk [tilespmem:v7+s9+$0x0], $0xffff;
	_ =	sdelay $0x1  }
0xb1: {  	v7 =	vor.u32 $0x8, v5;
	_ =	sdelay $0x3  }
0xb2: {  	[tilespmem:s28+$0xFFFFEE00] =	vst v6  }
0xb3: {  	v6 =	vld.idx.msk [tilespmem:v7+s9+$0x0], $0xffff;
	_ =	sdelay $0x1  }
0xb4: {  	v7 =	vor.u32 $0x9, v5;
	_ =	sdelay $0x3  }
0xb5: {  	[tilespmem:s28+$0xFFFFF000] =	vst v6  }
0xb6: {  	v6 =	vld.idx.msk [tilespmem:v7+s9+$0x0], $0xffff;
	_ =	sdelay $0x1  }
0xb7: {  	v7 =	vor.u32 $0xA, v5;
	_ =	sdelay $0x3  }
0xb8: {  	[tilespmem:s28+$0xFFFFF200] =	vst v6  }
0xb9: {  	v6 =	vld.idx.msk [tilespmem:v7+s9+$0x0], $0xffff;
	_ =	sdelay $0x1  }
0xba: {  	v7 =	vor.u32 $0xB, v5;
	_ =	sdelay $0x3  }
0xbb: {  	[tilespmem:s28+$0xFFFFF400] =	vst v6  }
0xbc: {  	v6 =	vld.idx.msk [tilespmem:v7+s9+$0x0], $0xffff;
	_ =	sdelay $0x1  }
0xbd: {  	v7 =	vor.u32 $0xC, v5;
	_ =	sdelay $0x3  }
0xbe: {  	[tilespmem:s28+$0xFFFFF600] =	vst v6  }
0xbf: {  	v6 =	vld.idx.msk [tilespmem:v7+s9+$0x0], $0xffff;
	_ =	sdelay $0x1  }
0xc0: {  	v7 =	vor.u32 $0xD, v5;
	_ =	sdelay $0x3  }
0xc1: {  	[tilespmem:s28+$0xFFFFF800] =	vst v6  }
0xc2: {  	v6 =	vld.idx.msk [tilespmem:v7+s9+$0x0], $0xffff;
	_ =	sdelay $0x1  }
0xc3: {  	v7 =	vor.u32 $0xE, v5;
	_ =	sdelay $0x3  }
0xc4: {  	[tilespmem:s28+$0xFFFFFA00] =	vst v6  }
0xc5: {  	v6 =	vld.idx.msk [tilespmem:v7+s9+$0x0], $0xffff;
	_ =	sdelay $0x1  }
0xc6: {  	v7 =	vor.u32 $0xF, v5;
	_ =	sdelay $0x3  }
0xc7: {  	[tilespmem:s28+$0xFFFFFC00] =	vst v6  }
0xc8: {  	v6 =	vld.idx.msk [tilespmem:v7+s9+$0x0], $0xffff;
	_ =	sdelay $0x1  }
0xc9: {  	v7 =	vor.u32 $0x10, v5;
	_ =	sdelay $0x3  }
0xca: {  	[tilespmem:s28+$0xFFFFFE00] =	vst v6  }
0xcb: {  	v6 =	vld.idx.msk [tilespmem:v7+s9+$0x0], $0xffff;
	_ =	sdelay $0x1  }
0xcc: {  	v7 =	vor.u32 $0x11, v5;
	_ =	sdelay $0x3  }
0xcd: {  	[tilespmem:s28+$0x0] =	vst v6  }
0xce: {  	v6 =	vld.idx.msk [tilespmem:v7+s9+$0x0], $0xffff;
	_ =	sdelay $0x1  }
0xcf: {  	v7 =	vor.u32 $0x12, v5;
	_ =	sdelay $0x3  }
0xd0: {  	[tilespmem:s28+$0x200] =	vst v6  }
0xd1: {  	v6 =	vld.idx.msk [tilespmem:v7+s9+$0x0], $0xffff;
	_ =	sdelay $0x1  }
0xd2: {  	v7 =	vor.u32 $0x13, v5;
	_ =	sdelay $0x3  }
0xd3: {  	[tilespmem:s28+$0x400] =	vst v6  }
0xd4: {  	v6 =	vld.idx.msk [tilespmem:v7+s9+$0x0], $0xffff;
	_ =	sdelay $0x1  }
0xd5: {  	v7 =	vor.u32 $0x14, v5;
	_ =	sdelay $0x3  }
0xd6: {  	[tilespmem:s28+$0x600] =	vst v6  }
0xd7: {  	v6 =	vld.idx.msk [tilespmem:v7+s9+$0x0], $0xffff;
	_ =	sdelay $0x1  }
0xd8: {  	v7 =	vor.u32 $0x15, v5;
	_ =	sdelay $0x3  }
0xd9: {  	[tilespmem:s28+$0x800] =	vst v6  }
0xda: {  	v6 =	vld.idx.msk [tilespmem:v7+s9+$0x0], $0xffff;
	_ =	sdelay $0x1  }
0xdb: {  	v7 =	vor.u32 $0x16, v5;
	_ =	sdelay $0x3  }
0xdc: {  	[tilespmem:s28+$0xA00] =	vst v6  }
0xdd: {  	v6 =	vld.idx.msk [tilespmem:v7+s9+$0x0], $0xffff;
	_ =	sdelay $0x1  }
0xde: {  	v7 =	vor.u32 $0x17, v5;
	_ =	sdelay $0x3  }
0xdf: {  	[tilespmem:s28+$0xC00] =	vst v6  }
0xe0: {  	v6 =	vld.idx.msk [tilespmem:v7+s9+$0x0], $0xffff;
	_ =	sdelay $0x1  }
0xe1: {  	v7 =	vor.u32 $0x18, v5;
	_ =	sdelay $0x3  }
0xe2: {  	[tilespmem:s28+$0xE00] =	vst v6  }
0xe3: {  	v6 =	vld.idx.msk [tilespmem:v7+s9+$0x0], $0xffff;
	_ =	sdelay $0x1  }
0xe4: {  	v7 =	vor.u32 $0x19, v5;
	_ =	sdelay $0x3  }
0xe5: {  	[tilespmem:s28+$0x1000] =	vst v6  }
0xe6: {  	v6 =	vld.idx.msk [tilespmem:v7+s9+$0x0], $0xffff;
	_ =	sdelay $0x1  }
0xe7: {  	v7 =	vor.u32 $0x1A, v5;
	_ =	sdelay $0x3  }
0xe8: {  	[tilespmem:s28+$0x1200] =	vst v6  }
0xe9: {  	v6 =	vld.idx.msk [tilespmem:v7+s9+$0x0], $0xffff;
	_ =	sdelay $0x1  }
0xea: {  	v7 =	vor.u32 $0x1B, v5;
	_ =	sdelay $0x3  }
0xeb: {  	[tilespmem:s28+$0x1400] =	vst v6  }
0xec: {  	v6 =	vld.idx.msk [tilespmem:v7+s9+$0x0], $0xffff;
	_ =	sdelay $0x1  }
0xed: {  	v7 =	vor.u32 $0x1C, v5;
	_ =	sdelay $0x3  }
0xee: {  	[tilespmem:s28+$0x1600] =	vst v6  }
0xef: {  	v6 =	vld.idx.msk [tilespmem:v7+s9+$0x0], $0xffff;
	_ =	sdelay $0x1  }
0xf0: {  	v7 =	vor.u32 $0x1D, v5;
	_ =	sdelay $0x3  }
0xf1: {  	[tilespmem:s28+$0x1800] =	vst v6  }
0xf2: {  	v6 =	vld.idx.msk [tilespmem:v7+s9+$0x0], $0xffff;
	_ =	sdelay $0x1  }
0xf3: {  	v7 =	vor.u32 $0x1E, v5;
	_ =	sdelay $0x3  }
0xf4: {  	[tilespmem:s28+$0x1A00] =	vst v6  }
0xf5: {  	v6 =	vld.idx.msk [tilespmem:v7+s9+$0x0], $0xffff;
	_ =	sdelay $0x1  }
0xf6: {  	v7 =	vor.u32 $0x1F, v5  }
.Ltmp3:
0xf7: {  	(pc) =	sbr.rel @p1 .LBB2_7-.Ltmp3, $3  }
0xf8: {  	_ =	sdelay $0x1  }
0xf9: {  	[tilespmem:s28+$0x1C00] =	vst v6  }
0xfa: {  	v5 =	vmov s29;
	s29 =	sadd.s32 $0x10, s29;
	v6 =	vld.idx.msk [tilespmem:v7+s9+$0x0], $0xffff  }
.LBB2_8:
0xfb: {  	v5 =	vshll.u32 v5, $0x5  }
0xfc: {  	v5 =	vor.u32 v2, v5;
	_ =	sdelay $0x3  }
0xfd: {  	[tilespmem:s28+$0x1E00] =	vst @p0 v6  }
0xfe: {  	v6 =	vld.idx.msk [tilespmem:v5+s9+$0x0], $0xffff  }
0xff: {  	v7 =	vor.u32 $0x1, v5;
	_ =	sdelay $0x1  }
0x100: {  	s28 =	sadd.s32 @p0 $0x10, s28  }
0x101: {  	s26 =	smov.u32 @p0 s28  }
0x102: {  	[tilespmem:s26+$0xFFFFE000] =	vst v6  }
0x103: {  	v6 =	vld.idx.msk [tilespmem:v7+s9+$0x0], $0xffff  }
0x104: {  	v7 =	vor.u32 $0x2, v5;
	_ =	sdelay $0x3  }
0x105: {  	[tilespmem:s26+$0xFFFFE200] =	vst v6  }
0x106: {  	v6 =	vld.idx.msk [tilespmem:v7+s9+$0x0], $0xffff  }
0x107: {  	v7 =	vor.u32 $0x3, v5;
	_ =	sdelay $0x3  }
0x108: {  	[tilespmem:s26+$0xFFFFE400] =	vst v6  }
0x109: {  	v6 =	vld.idx.msk [tilespmem:v7+s9+$0x0], $0xffff  }
0x10a: {  	v7 =	vor.u32 $0x4, v5;
	_ =	sdelay $0x3  }
0x10b: {  	[tilespmem:s26+$0xFFFFE600] =	vst v6  }
0x10c: {  	v6 =	vld.idx.msk [tilespmem:v7+s9+$0x0], $0xffff  }
0x10d: {  	v7 =	vor.u32 $0x5, v5;
	_ =	sdelay $0x3  }
0x10e: {  	[tilespmem:s26+$0xFFFFE800] =	vst v6  }
0x10f: {  	v6 =	vld.idx.msk [tilespmem:v7+s9+$0x0], $0xffff  }
0x110: {  	v7 =	vor.u32 $0x6, v5;
	_ =	sdelay $0x3  }
0x111: {  	[tilespmem:s26+$0xFFFFEA00] =	vst v6  }
0x112: {  	v6 =	vld.idx.msk [tilespmem:v7+s9+$0x0], $0xffff  }
0x113: {  	v7 =	vor.u32 $0x7, v5;
	_ =	sdelay $0x3  }
0x114: {  	[tilespmem:s26+$0xFFFFEC00] =	vst v6  }
0x115: {  	v6 =	vld.idx.msk [tilespmem:v7+s9+$0x0], $0xffff  }
0x116: {  	v7 =	vor.u32 $0x8, v5;
	_ =	sdelay $0x3  }
0x117: {  	[tilespmem:s26+$0xFFFFEE00] =	vst v6  }
0x118: {  	v6 =	vld.idx.msk [tilespmem:v7+s9+$0x0], $0xffff  }
0x119: {  	v7 =	vor.u32 $0x9, v5;
	_ =	sdelay $0x3  }
0x11a: {  	[tilespmem:s26+$0xFFFFF000] =	vst v6  }
0x11b: {  	v6 =	vld.idx.msk [tilespmem:v7+s9+$0x0], $0xffff  }
0x11c: {  	v7 =	vor.u32 $0xA, v5;
	_ =	sdelay $0x3  }
0x11d: {  	[tilespmem:s26+$0xFFFFF200] =	vst v6  }
0x11e: {  	v6 =	vld.idx.msk [tilespmem:v7+s9+$0x0], $0xffff  }
0x11f: {  	v7 =	vor.u32 $0xB, v5;
	_ =	sdelay $0x3  }
0x120: {  	[tilespmem:s26+$0xFFFFF400] =	vst v6  }
0x121: {  	v6 =	vld.idx.msk [tilespmem:v7+s9+$0x0], $0xffff  }
0x122: {  	v7 =	vor.u32 $0xC, v5;
	_ =	sdelay $0x3  }
0x123: {  	[tilespmem:s26+$0xFFFFF600] =	vst v6  }
0x124: {  	v6 =	vld.idx.msk [tilespmem:v7+s9+$0x0], $0xffff  }
0x125: {  	v7 =	vor.u32 $0xD, v5;
	_ =	sdelay $0x3  }
0x126: {  	[tilespmem:s26+$0xFFFFF800] =	vst v6  }
0x127: {  	v6 =	vld.idx.msk [tilespmem:v7+s9+$0x0], $0xffff  }
0x128: {  	v7 =	vor.u32 $0xE, v5;
	_ =	sdelay $0x3  }
0x129: {  	[tilespmem:s26+$0xFFFFFA00] =	vst v6  }
0x12a: {  	v6 =	vld.idx.msk [tilespmem:v7+s9+$0x0], $0xffff  }
0x12b: {  	v7 =	vor.u32 $0xF, v5;
	_ =	sdelay $0x3  }
0x12c: {  	[tilespmem:s26+$0xFFFFFC00] =	vst v6  }
0x12d: {  	v6 =	vld.idx.msk [tilespmem:v7+s9+$0x0], $0xffff  }
0x12e: {  	v7 =	vor.u32 $0x10, v5;
	_ =	sdelay $0x3  }
0x12f: {  	[tilespmem:s26+$0xFFFFFE00] =	vst v6  }
0x130: {  	v6 =	vld.idx.msk [tilespmem:v7+s9+$0x0], $0xffff  }
0x131: {  	v7 =	vor.u32 $0x11, v5;
	_ =	sdelay $0x3  }
0x132: {  	[tilespmem:s26+$0x0] =	vst v6  }
0x133: {  	v6 =	vld.idx.msk [tilespmem:v7+s9+$0x0], $0xffff  }
0x134: {  	v7 =	vor.u32 $0x12, v5;
	_ =	sdelay $0x3  }
0x135: {  	[tilespmem:s26+$0x200] =	vst v6  }
0x136: {  	v6 =	vld.idx.msk [tilespmem:v7+s9+$0x0], $0xffff  }
0x137: {  	v7 =	vor.u32 $0x13, v5;
	_ =	sdelay $0x3  }
0x138: {  	[tilespmem:s26+$0x400] =	vst v6  }
0x139: {  	v6 =	vld.idx.msk [tilespmem:v7+s9+$0x0], $0xffff  }
0x13a: {  	v7 =	vor.u32 $0x14, v5;
	_ =	sdelay $0x3  }
0x13b: {  	[tilespmem:s26+$0x600] =	vst v6  }
0x13c: {  	v6 =	vld.idx.msk [tilespmem:v7+s9+$0x0], $0xffff  }
0x13d: {  	v7 =	vor.u32 $0x15, v5;
	_ =	sdelay $0x3  }
0x13e: {  	[tilespmem:s26+$0x800] =	vst v6  }
0x13f: {  	v6 =	vld.idx.msk [tilespmem:v7+s9+$0x0], $0xffff  }
0x140: {  	v7 =	vor.u32 $0x16, v5;
	_ =	sdelay $0x3  }
0x141: {  	[tilespmem:s26+$0xA00] =	vst v6  }
0x142: {  	v6 =	vld.idx.msk [tilespmem:v7+s9+$0x0], $0xffff  }
0x143: {  	v7 =	vor.u32 $0x17, v5;
	_ =	sdelay $0x3  }
0x144: {  	[tilespmem:s26+$0xC00] =	vst v6  }
0x145: {  	v6 =	vld.idx.msk [tilespmem:v7+s9+$0x0], $0xffff  }
0x146: {  	v7 =	vor.u32 $0x18, v5;
	_ =	sdelay $0x3  }
0x147: {  	[tilespmem:s26+$0xE00] =	vst v6  }
0x148: {  	v6 =	vld.idx.msk [tilespmem:v7+s9+$0x0], $0xffff  }
0x149: {  	v7 =	vor.u32 $0x19, v5;
	_ =	sdelay $0x3  }
0x14a: {  	[tilespmem:s26+$0x1000] =	vst v6  }
0x14b: {  	v6 =	vld.idx.msk [tilespmem:v7+s9+$0x0], $0xffff  }
0x14c: {  	v7 =	vor.u32 $0x1A, v5;
	_ =	sdelay $0x3  }
0x14d: {  	[tilespmem:s26+$0x1200] =	vst v6  }
0x14e: {  	v6 =	vld.idx.msk [tilespmem:v7+s9+$0x0], $0xffff  }
0x14f: {  	v7 =	vor.u32 $0x1B, v5;
	_ =	sdelay $0x3  }
0x150: {  	[tilespmem:s26+$0x1400] =	vst v6  }
0x151: {  	v6 =	vld.idx.msk [tilespmem:v7+s9+$0x0], $0xffff  }
0x152: {  	v7 =	vor.u32 $0x1C, v5;
	_ =	sdelay $0x3  }
0x153: {  	[tilespmem:s26+$0x1600] =	vst v6  }
0x154: {  	v6 =	vld.idx.msk [tilespmem:v7+s9+$0x0], $0xffff  }
0x155: {  	v7 =	vor.u32 $0x1D, v5;
	_ =	sdelay $0x3  }
0x156: {  	[tilespmem:s26+$0x1800] =	vst v6  }
0x157: {  	v6 =	vld.idx.msk [tilespmem:v7+s9+$0x0], $0xffff  }
0x158: {  	v7 =	vor.u32 $0x1E, v5;
	_ =	sdelay $0x3  }
0x159: {  	[tilespmem:s26+$0x1A00] =	vst v6  }
0x15a: {  	v6 =	vld.idx.msk [tilespmem:v7+s9+$0x0], $0xffff  }
0x15b: {  	v5 =	vor.u32 $0x1F, v5;
	_ =	sdelay $0x3  }
0x15c: {  	[tilespmem:s26+$0x1C00] =	vst v6  }
0x15d: {  	v5 =	vld.idx.msk [tilespmem:v5+s9+$0x0], $0xffff;
	_ =	sdelay $0x4  }
0x15e: {  	[tilespmem:s26+$0x1E00] =	vst v5  }
0x15f: {  	[tilespmem:s12], [sflag:$0x1] =	stream.indirect.gather [hbm4b:s3+s11], $0x20, s10, s11, $0xb8;
	[tilespmem:$0x15800] =	vst v63  }
0x160: {  	_ = 	snop  }
0x161: {  	[tilespmem:s14], [sflag:$0x1] =	stream.indirect.gather [hbm4b:s3+s11], $0x20, s13, s11, $0xb8;
	[tilespmem:$0x15800] =	vst v63  }
0x162: {  	s26 =	simm.s32 $0x0  }
0x163: {  	[tilespmem:s17], [sflag:$0x1] =	stream.indirect.gather [hbm4b:s3+s15], $0x20, s16, s15, $0xb8;
	[tilespmem:$0x15800] =	vst v63  }
.LBB2_9:
0x164: {  	s28 =	sshllo.u32 s26, $0x1  }
0x165: {  	s29 =	smul.u32 $0x500, s28;
	_ =	sdelay $0x1  }
0x166: {  	s29 =	sshra.s32 s29, $0x2  }
0x167: {  	s30 =	sadd.s32 $0x3000, s29  }
0x168: {  	v7 =	vmov s25;
	[tilespmem:s18], [sflag:$0x2] =	stream.indirect.gather [hbm4b:s3+s11], $0x20, s30, s11, $0xb8;
	[tilespmem:$0x15800] =	vst v63  }
0x169: {  	v5 =	vshll.u32 v7, $0x5;
	s30 =	sadd.s32 $0x3080, s29  }
0x16a: {  	v5 =	vadd.s32 v4, v5;
	[tilespmem:s19], [sflag:$0x2] =	stream.indirect.gather [hbm4b:s3+s11], $0x20, s30, s11, $0xb8;
	[tilespmem:$0x15800] =	vst v63  }
0x16b: {  	v6 =	vor.u32 $0x1, v5;
	s29 =	sadd.s32 $0x3100, s29  }
0x16c: {  	[tilespmem:s20], [sflag:$0x2] =	stream.indirect.gather [hbm4b:s3+s15], $0x20, s29, s15, $0xb8;
	[tilespmem:$0x15800] =	vst v63  }
0x16d: {  	_ =	swait.ge [sflag:s21], $0x2800  }
0x16e: {  	v8 =	vor.u32 $0x2, v5;
	[sflag:s21] =	ssyncset.done $0x0  }
0x16f: {  	[sflag:s21] =	ssyncadd.s32 $0xFFFFD800  }
0x170: {  	v9 =	vor.u32 $0x3, v5;
	v6 =	vld.idx.msk [tilespmem:v6+s12+$0x0], $0xffff  }
0x171: {  	v10 =	vld.idx.msk [tilespmem:v5+s12+$0x0], $0xffff  }
0x172: {  	v11 =	vor.u32 $0x4, v5  }
0x173: {  	v8 =	vld.idx.msk [tilespmem:v8+s12+$0x0], $0xffff  }
0x174: {  	v12 =	vor.u32 $0x5, v5  }
0x175: {  	v9 =	vld.idx.msk [tilespmem:v9+s12+$0x0], $0xffff  }
0x176: {  	v13 =	vor.u32 $0x6, v5;
	v14 =	vmul.f32 v10, v10;
	v15 =	vmul.f32 v6, v6  }
0x177: {  	v11 =	vld.idx.msk [tilespmem:v11+s12+$0x0], $0xffff  }
0x178: {  	v16 =	vor.u32 $0x7, v5;
	v44 =	vmul.f32 v8, v8;
	v14 =	vadd.f32 v15, v14  }
0x179: {  	v12 =	vld.idx.msk [tilespmem:v12+s12+$0x0], $0xffff  }
0x17a: {  	v17 =	vor.u32 $0x8, v5;
	v45 =	vmul.f32 v9, v9;
	v14 =	vadd.f32 v44, v14  }
0x17b: {  	v13 =	vld.idx.msk [tilespmem:v13+s12+$0x0], $0xffff  }
0x17c: {  	v18 =	vor.u32 $0x9, v5;
	v46 =	vmul.f32 v11, v11;
	v14 =	vadd.f32 v45, v14  }
0x17d: {  	v16 =	vld.idx.msk [tilespmem:v16+s12+$0x0], $0xffff  }
0x17e: {  	v19 =	vor.u32 $0xA, v5;
	v47 =	vmul.f32 v12, v12;
	v14 =	vadd.f32 v46, v14  }
0x17f: {  	v17 =	vld.idx.msk [tilespmem:v17+s12+$0x0], $0xffff  }
0x180: {  	v20 =	vor.u32 $0xB, v5;
	v48 =	vmul.f32 v13, v13;
	v14 =	vadd.f32 v47, v14  }
0x181: {  	v18 =	vld.idx.msk [tilespmem:v18+s12+$0x0], $0xffff  }
0x182: {  	v21 =	vor.u32 $0xC, v5;
	v49 =	vmul.f32 v16, v16;
	v14 =	vadd.f32 v48, v14  }
0x183: {  	v19 =	vld.idx.msk [tilespmem:v19+s12+$0x0], $0xffff  }
0x184: {  	v22 =	vor.u32 $0xD, v5;
	v50 =	vmul.f32 v17, v17;
	v14 =	vadd.f32 v49, v14  }
0x185: {  	v20 =	vld.idx.msk [tilespmem:v20+s12+$0x0], $0xffff  }
0x186: {  	v23 =	vor.u32 $0xE, v5;
	v51 =	vmul.f32 v18, v18;
	v14 =	vadd.f32 v50, v14  }
0x187: {  	v21 =	vld.idx.msk [tilespmem:v21+s12+$0x0], $0xffff  }
0x188: {  	v24 =	vor.u32 $0xF, v5;
	v52 =	vmul.f32 v19, v19;
	v14 =	vadd.f32 v51, v14  }
0x189: {  	s29 =	sshll.u32 s26, $0x5;
	v22 =	vld.idx.msk [tilespmem:v22+s12+$0x0], $0xffff  }
0x18a: {  	v26 =	vor.u32 $0x10, v5;
	v25 =	vld [tilespmem:s29+$0x9800];
	v53 =	vmul.f32 v20, v20;
	v14 =	vadd.f32 v52, v14  }
0x18b: {  	v23 =	vld.idx.msk [tilespmem:v23+s12+$0x0], $0xffff  }
0x18c: {  	v28 =	vor.u32 $0x11, v5;
	v27 =	vld [tilespmem:s29+$0x9A00];
	v54 =	vmul.f32 v21, v21;
	v14 =	vadd.f32 v53, v14  }
0x18d: {  	v24 =	vld.idx.msk [tilespmem:v24+s12+$0x0], $0xffff  }
0x18e: {  	v30 =	vor.u32 $0x12, v5;
	v29 =	vld [tilespmem:s29+$0x9C00];
	v55 =	vmul.f32 v22, v22;
	v14 =	vadd.f32 v54, v14  }
0x18f: {  	v26 =	vld.idx.msk [tilespmem:v26+s12+$0x0], $0xffff;
	v10 =	vmul.f32 v25, v10  }
0x190: {  	v31 =	vor.u32 $0x13, v5;
	v56 =	vld [tilespmem:s29+$0x9E00];
	v57 =	vmul.f32 v23, v23;
	v14 =	vadd.f32 v55, v14  }
0x191: {  	v28 =	vld.idx.msk [tilespmem:v28+s12+$0x0], $0xffff;
	v6 =	vmul.f32 v27, v6;
	v10 =	vadd.f32 $0.0e+00, v10  }
0x192: {  	v32 =	vor.u32 $0x14, v5;
	v58 =	vld [tilespmem:s29+$0xA000];
	v59 =	vmul.f32 v24, v24;
	v14 =	vadd.f32 v57, v14  }
0x193: {  	v30 =	vld.idx.msk [tilespmem:v30+s12+$0x0], $0xffff;
	v8 =	vmul.f32 v29, v8;
	v6 =	vadd.f32 v6, v10  }
0x194: {  	v60 =	vor.u32 $0x15, v5;
	v61 =	vmul.f32 v26, v26;
	v10 =	vld [tilespmem:s29+$0xA200];
	v14 =	vadd.f32 v59, v14  }
0x195: {  	v31 =	vld.idx.msk [tilespmem:v31+s12+$0x0], $0xffff;
	v6 =	vadd.f32 v8, v6;
	v8 =	vmul.f32 v56, v9  }
0x196: {  	v62 =	vor.u32 $0x16, v5;
	v63 =	vmul.f32 v28, v28;
	v9 =	vld [tilespmem:s29+$0xA400];
	v14 =	vadd.f32 v61, v14  }
0x197: {  	v32 =	vld.idx.msk [tilespmem:v32+s12+$0x0], $0xffff;
	v6 =	vadd.f32 v8, v6;
	v8 =	vmul.f32 v58, v11  }
0x198: {  	v36 =	vor.u32 $0x17, v5;
	v37 =	vmul.f32 v30, v30;
	v11 =	vld [tilespmem:s29+$0xA600];
	v14 =	vadd.f32 v63, v14  }
0x199: {  	v29 =	vld.idx.msk [tilespmem:v60+s12+$0x0], $0xffff;
	v6 =	vadd.f32 v8, v6;
	v8 =	vmul.f32 v10, v12  }
0x19a: {  	v38 =	vor.u32 $0x18, v5;
	v39 =	vmul.f32 v31, v31;
	v10 =	vld [tilespmem:s29+$0xA800];
	v14 =	vadd.f32 v37, v14  }
0x19b: {  	v25 =	vld.idx.msk [tilespmem:v62+s12+$0x0], $0xffff;
	v6 =	vadd.f32 v8, v6;
	v8 =	vmul.f32 v9, v13  }
0x19c: {  	v40 =	vor.u32 $0x19, v5;
	v41 =	vmul.f32 v32, v32;
	v9 =	vld [tilespmem:s29+$0xAA00];
	v14 =	vadd.f32 v39, v14  }
0x19d: {  	v27 =	vld.idx.msk [tilespmem:v36+s12+$0x0], $0xffff;
	v6 =	vadd.f32 v8, v6;
	v8 =	vmul.f32 v11, v16  }
0x19e: {  	v42 =	vor.u32 $0x1A, v5;
	v43 =	vmul.f32 v29, v29;
	v11 =	vld [tilespmem:s29+$0xAC00];
	v14 =	vadd.f32 v41, v14  }
0x19f: {  	v12 =	vld.idx.msk [tilespmem:v38+s12+$0x0], $0xffff;
	v6 =	vadd.f32 v8, v6;
	v8 =	vmul.f32 v10, v17  }
0x1a0: {  	v44 =	vor.u32 $0x1B, v5;
	v45 =	vmul.f32 v25, v25;
	v10 =	vld [tilespmem:s29+$0xAE00];
	v14 =	vadd.f32 v43, v14  }
0x1a1: {  	v13 =	vld.idx.msk [tilespmem:v40+s12+$0x0], $0xffff;
	v6 =	vadd.f32 v8, v6;
	v8 =	vmul.f32 v9, v18  }
0x1a2: {  	v46 =	vor.u32 $0x1C, v5;
	v47 =	vmul.f32 v27, v27;
	v9 =	vld [tilespmem:s29+$0xB000];
	v14 =	vadd.f32 v45, v14  }
0x1a3: {  	v16 =	vld.idx.msk [tilespmem:v42+s12+$0x0], $0xffff;
	v6 =	vadd.f32 v8, v6;
	v8 =	vmul.f32 v11, v19  }
0x1a4: {  	v48 =	vor.u32 $0x1D, v5;
	v49 =	vmul.f32 v12, v12;
	v11 =	vld [tilespmem:s29+$0xB200];
	v14 =	vadd.f32 v47, v14  }
0x1a5: {  	v17 =	vld.idx.msk [tilespmem:v44+s12+$0x0], $0xffff;
	v6 =	vadd.f32 v8, v6;
	v8 =	vmul.f32 v10, v20  }
0x1a6: {  	v50 =	vor.u32 $0x1E, v5;
	v51 =	vmul.f32 v13, v13;
	v10 =	vld [tilespmem:s29+$0xB400];
	v14 =	vadd.f32 v49, v14  }
0x1a7: {  	v18 =	vld.idx.msk [tilespmem:v46+s12+$0x0], $0xffff;
	v6 =	vadd.f32 v8, v6;
	v8 =	vmul.f32 v9, v21  }
0x1a8: {  	v5 =	vor.u32 $0x1F, v5;
	v52 =	vmul.f32 v16, v16;
	v9 =	vld [tilespmem:s29+$0xB600];
	v14 =	vadd.f32 v51, v14  }
0x1a9: {  	v19 =	vld.idx.msk [tilespmem:v48+s12+$0x0], $0xffff;
	v6 =	vadd.f32 v8, v6;
	v8 =	vmul.f32 v11, v22  }
0x1aa: {  	v53 =	vmul.f32 v17, v17;
	v11 =	vld [tilespmem:s29+$0xB800];
	v14 =	vadd.f32 v52, v14  }
0x1ab: {  	v20 =	vld.idx.msk [tilespmem:v50+s12+$0x0], $0xffff;
	v6 =	vadd.f32 v8, v6;
	v8 =	vmul.f32 v10, v23  }
0x1ac: {  	v54 =	vmul.f32 v18, v18;
	v10 =	vld [tilespmem:s29+$0xBA00];
	v14 =	vadd.f32 v53, v14  }
0x1ad: {  	v5 =	vld.idx.msk [tilespmem:v5+s12+$0x0], $0xffff;
	v6 =	vadd.f32 v8, v6;
	v8 =	vmul.f32 v9, v24  }
0x1ae: {  	v55 =	vmul.f32 v19, v19;
	v9 =	vld [tilespmem:s29+$0xBC00];
	v14 =	vadd.f32 v54, v14  }
0x1af: {  	v6 =	vadd.f32 v8, v6;
	v8 =	vmul.f32 v11, v26  }
0x1b0: {  	v56 =	vmul.f32 v20, v20;
	v11 =	vld [tilespmem:s29+$0xBE00];
	v14 =	vadd.f32 v55, v14  }
0x1b1: {  	v6 =	vadd.f32 v8, v6;
	v8 =	vmul.f32 v10, v28;
	v10 =	vld [tilespmem:s29+$0xC000]  }
0x1b2: {  	v57 =	vmul.f32 v5, v5;
	v14 =	vadd.f32 v56, v14  }
0x1b3: {  	v6 =	vadd.f32 v8, v6;
	v8 =	vmul.f32 v9, v30  }
0x1b4: {  	v9 =	vld [tilespmem:s29+$0xC200];
	v14 =	vadd.f32 v57, v14  }
0x1b5: {  	v6 =	vadd.f32 v8, v6;
	v8 =	vmul.f32 v11, v31  }
0x1b6: {  	v11 =	vld [tilespmem:s29+$0xC400];
	v10 =	vmul.f32 v10, v32;
	v14 =	vmax.f32 v14, $1.000000020e-24  }
0x1b7: {  	v6 =	vadd.f32 v8, v6;
	v8 =	vshra.s32 v14, $0x1;
	v14 =	vmul.f32 $5.000000000e-01, v14  }
0x1b8: {  	v58 =	vld [tilespmem:s29+$0xC600];
	v8 =	vsub.s32 $0x5F3759DF, v8  }
0x1b9: {  	v9 =	vmul.f32 v9, v29;
	v6 =	vadd.f32 v10, v6;
	v10 =	vmul.f32 v8, v14  }
0x1ba: {  	v59 =	vld [tilespmem:s29+$0xC800]  }
0x1bb: {  	v6 =	vadd.f32 v9, v6;
	v9 =	vmul.f32 v11, v25;
	v10 =	vmul.f32 v8, v10  }
0x1bc: {  	v11 =	vld [tilespmem:s29+$0xCA00]  }
0x1bd: {  	v6 =	vadd.f32 v9, v6;
	v9 =	vmul.f32 v58, v27;
	v10 =	vsub.f32 $1.500000000e+00, v10  }
0x1be: {  	v60 =	vld [tilespmem:s29+$0xCC00]  }
0x1bf: {  	v6 =	vadd.f32 v9, v6;
	v9 =	vmul.f32 v59, v12;
	v8 =	vmul.f32 v8, v10  }
0x1c0: {  	v10 =	vld [tilespmem:s29+$0xCE00]  }
0x1c1: {  	v6 =	vadd.f32 v9, v6;
	v9 =	vmul.f32 v11, v13;
	v11 =	vmul.f32 v8, v14  }
0x1c2: {  	v61 =	vld [tilespmem:s29+$0xD000]  }
0x1c3: {  	v6 =	vadd.f32 v9, v6;
	v9 =	vmul.f32 v60, v16;
	v11 =	vmul.f32 v11, v8  }
0x1c4: {  	v62 =	vld [tilespmem:s29+$0xD200]  }
0x1c5: {  	v6 =	vadd.f32 v9, v6;
	v9 =	vmul.f32 v10, v17;
	v10 =	vsub.f32 $1.500000000e+00, v11  }
0x1c6: {  	v11 =	vld [tilespmem:s29+$0xD400]  }
0x1c7: {  	v6 =	vadd.f32 v9, v6;
	v9 =	vmul.f32 v61, v18;
	v8 =	vmul.f32 v10, v8  }
0x1c8: {  	v10 =	vld [tilespmem:s29+$0xD600]  }
0x1c9: {  	v6 =	vadd.f32 v9, v6;
	v9 =	vmul.f32 v62, v19;
	v63 =	vmul.f32 v8, v14;
	_ =	sdelay $0x1  }
0x1ca: {  	v6 =	vadd.f32 v9, v6;
	v9 =	vmul.f32 v11, v20;
	v11 =	vmul.f32 v63, v8;
	_ =	sdelay $0x1  }
0x1cb: {  	v6 =	vadd.f32 v9, v6;
	v5 =	vmul.f32 v10, v5;
	v9 =	vsub.f32 $1.500000000e+00, v11;
	_ =	sdelay $0x1  }
0x1cc: {  	v5 =	vadd.f32 v5, v6;
	v6 =	vmul.f32 v9, v8;
	_ =	sdelay $0x1  }
0x1cd: {  	v5 =	vmul.f32 v6, v5;
	_ =	sdelay $0x1  }
0x1ce: {  	v5 =	vsub.f32 $0.0e+00, v5;
	_ =	sdelay $0x1  }
0x1cf: {  	v5 =	vmul.f32 $1.442695020e+00, v5;
	_ =	sdelay $0x1  }
0x1d0: {  	(erf) = vpow2.f32 v5;
	_ =	sdelay $0x8  }
0x1d1: {  	v6 =	vpop (erf)  }
0x1d2: {  	v5 =	vmov s29;
	v6 =	vadd.f32 $1.000000000e+00, v6  }
0x1d3: {  	v5 =	vmul.u32 $0x18, v5  }
0x1d4: {  	(erf) = vrcp.f32 v6  }
0x1d5: {  	v5 =	vbroadcast v5, $0x0  }
0x1d6: {  	s30 =	simm.s32 $0x1  }
0x1d7: {  	v10 =	vand.u32 $0x18, v7;
	v5 =	vadd.s32 v3, v5;
	v6 =	vmov s30  }
0x1d8: {  	v9 =	vand.u32 $0x7, v7;
	v10 =	vadd.s32 v10, v5;
	s30 =	simm.s32 $0x2;
	v8 =	vshll.u32 v6, $0x5  }
.LBB2_10:
0x1d9: {  	p0 =	sne.s32 s30, $0x13;
	v7 =	vadd.s32 v4, v8;
	v8 =	vor.u32 v9, v10  }
0x1da: {  	v9 =	vor.u32 $0x1, v7;
	_ =	sdelay $0x2  }
0x1db: {  	v10 =	vor.u32 $0x2, v7;
	v11 =	vpop (erf)  }
0x1dc: {  	[tilespmem:v8+s22+$0x0] =	vst.idx.msk $0xffff, v11  }
0x1dd: {  	v8 =	vor.u32 $0x3, v7;
	v13 =	vld.idx.msk [tilespmem:v9+s12+$0x0], $0xffff  }
0x1de: {  	v11 =	vld.idx.msk [tilespmem:v7+s12+$0x0], $0xffff  }
0x1df: {  	v9 =	vor.u32 $0x4, v7  }
0x1e0: {  	v15 =	vld.idx.msk [tilespmem:v10+s12+$0x0], $0xffff  }
0x1e1: {  	v10 =	vor.u32 $0x5, v7  }
0x1e2: {  	v17 =	vld.idx.msk [tilespmem:v8+s12+$0x0], $0xffff  }
0x1e3: {  	v8 =	vor.u32 $0x6, v7  }
0x1e4: {  	v14 =	vmul.f32 v13, v13;
	v12 =	vmul.f32 v11, v11;
	v20 =	vld.idx.msk [tilespmem:v9+s12+$0x0], $0xffff  }
0x1e5: {  	v9 =	vor.u32 $0x7, v7  }
0x1e6: {  	v12 =	vadd.f32 v14, v12;
	v14 =	vmul.f32 v15, v15;
	v21 =	vld.idx.msk [tilespmem:v10+s12+$0x0], $0xffff  }
0x1e7: {  	v10 =	vor.u32 $0x8, v7  }
0x1e8: {  	v12 =	vadd.f32 v14, v12;
	v14 =	vmul.f32 v17, v17;
	v22 =	vld.idx.msk [tilespmem:v8+s12+$0x0], $0xffff  }
0x1e9: {  	v8 =	vor.u32 $0x9, v7  }
0x1ea: {  	v12 =	vadd.f32 v14, v12;
	v14 =	vmul.f32 v20, v20;
	v23 =	vld.idx.msk [tilespmem:v9+s12+$0x0], $0xffff  }
0x1eb: {  	v9 =	vor.u32 $0xA, v7  }
0x1ec: {  	v12 =	vadd.f32 v14, v12;
	v14 =	vmul.f32 v21, v21;
	v24 =	vld.idx.msk [tilespmem:v10+s12+$0x0], $0xffff  }
0x1ed: {  	v10 =	vor.u32 $0xB, v7  }
0x1ee: {  	v12 =	vadd.f32 v14, v12;
	v14 =	vmul.f32 v22, v22;
	v25 =	vld.idx.msk [tilespmem:v8+s12+$0x0], $0xffff  }
0x1ef: {  	v8 =	vor.u32 $0xC, v7  }
0x1f0: {  	v12 =	vadd.f32 v14, v12;
	v14 =	vmul.f32 v23, v23;
	v18 =	vld.idx.msk [tilespmem:v9+s12+$0x0], $0xffff  }
0x1f1: {  	v9 =	vor.u32 $0xD, v7  }
0x1f2: {  	v12 =	vadd.f32 v14, v12;
	v14 =	vmul.f32 v24, v24;
	v16 =	vld.idx.msk [tilespmem:v10+s12+$0x0], $0xffff  }
0x1f3: {  	v10 =	vor.u32 $0xE, v7  }
0x1f4: {  	v12 =	vadd.f32 v14, v12;
	v19 =	vmul.f32 v25, v25;
	v14 =	vld.idx.msk [tilespmem:v8+s12+$0x0], $0xffff  }
0x1f5: {  	v8 =	vor.u32 $0xF, v7  }
0x1f6: {  	v19 =	vadd.f32 v19, v12;
	v26 =	vmul.f32 v18, v18;
	v12 =	vld.idx.msk [tilespmem:v9+s12+$0x0], $0xffff  }
0x1f7: {  	v9 =	vor.u32 $0x10, v7;
	v27 =	vld [tilespmem:s29+$0x9800]  }
0x1f8: {  	v19 =	vadd.f32 v26, v19;
	v26 =	vmul.f32 v16, v16;
	v10 =	vld.idx.msk [tilespmem:v10+s12+$0x0], $0xffff  }
0x1f9: {  	v29 =	vor.u32 $0x11, v7;
	v28 =	vld [tilespmem:s29+$0x9A00]  }
0x1fa: {  	v19 =	vadd.f32 v26, v19;
	v26 =	vmul.f32 v14, v14;
	v8 =	vld.idx.msk [tilespmem:v8+s12+$0x0], $0xffff  }
0x1fb: {  	v31 =	vor.u32 $0x12, v7;
	v30 =	vld [tilespmem:s29+$0x9C00]  }
0x1fc: {  	v19 =	vadd.f32 v26, v19;
	v26 =	vmul.f32 v12, v12;
	v9 =	vld.idx.msk [tilespmem:v9+s12+$0x0], $0xffff  }
0x1fd: {  	v33 =	vor.u32 $0x13, v7;
	v27 =	vmul.f32 v27, v11;
	v32 =	vld [tilespmem:s29+$0x9E00]  }
0x1fe: {  	v19 =	vadd.f32 v26, v19;
	v26 =	vmul.f32 v10, v10;
	v11 =	vld.idx.msk [tilespmem:v29+s12+$0x0], $0xffff  }
0x1ff: {  	v34 =	vor.u32 $0x14, v7;
	v27 =	vadd.f32 $0.0e+00, v27;
	v28 =	vmul.f32 v28, v13;
	v29 =	vld [tilespmem:s29+$0xA000]  }
0x200: {  	v19 =	vadd.f32 v26, v19;
	v26 =	vmul.f32 v8, v8;
	v13 =	vld.idx.msk [tilespmem:v31+s12+$0x0], $0xffff  }
0x201: {  	v27 =	vadd.f32 v28, v27;
	v28 =	vmul.f32 v30, v15;
	v31 =	vor.u32 $0x15, v7;
	v30 =	vld [tilespmem:s29+$0xA200]  }
0x202: {  	v19 =	vadd.f32 v26, v19;
	v26 =	vmul.f32 v9, v9;
	v15 =	vld.idx.msk [tilespmem:v33+s12+$0x0], $0xffff  }
0x203: {  	v27 =	vadd.f32 v28, v27;
	v17 =	vmul.f32 v32, v17;
	v32 =	vor.u32 $0x16, v7;
	v28 =	vld [tilespmem:s29+$0xA400]  }
0x204: {  	v26 =	vadd.f32 v26, v19;
	v33 =	vmul.f32 v11, v11;
	v19 =	vld.idx.msk [tilespmem:v34+s12+$0x0], $0xffff  }
0x205: {  	v27 =	vadd.f32 v17, v27;
	v20 =	vmul.f32 v29, v20;
	v34 =	vor.u32 $0x17, v7;
	v29 =	vld [tilespmem:s29+$0xA600]  }
0x206: {  	v26 =	vadd.f32 v33, v26;
	v33 =	vmul.f32 v13, v13;
	v17 =	vld.idx.msk [tilespmem:v31+s12+$0x0], $0xffff  }
0x207: {  	v27 =	vadd.f32 v20, v27;
	v21 =	vmul.f32 v30, v21;
	v31 =	vor.u32 $0x18, v7;
	v30 =	vld [tilespmem:s29+$0xA800]  }
0x208: {  	v26 =	vadd.f32 v33, v26;
	v33 =	vmul.f32 v15, v15;
	v20 =	vld.idx.msk [tilespmem:v32+s12+$0x0], $0xffff  }
0x209: {  	v21 =	vadd.f32 v21, v27;
	v22 =	vmul.f32 v28, v22;
	v28 =	vor.u32 $0x19, v7;
	v27 =	vld [tilespmem:s29+$0xAA00]  }
0x20a: {  	v26 =	vadd.f32 v33, v26;
	v32 =	vmul.f32 v19, v19;
	v33 =	vld.idx.msk [tilespmem:v34+s12+$0x0], $0xffff  }
0x20b: {  	v21 =	vadd.f32 v22, v21;
	v22 =	vmul.f32 v29, v23;
	v29 =	vor.u32 $0x1A, v7;
	v23 =	vld [tilespmem:s29+$0xAC00]  }
0x20c: {  	v26 =	vadd.f32 v32, v26;
	v32 =	vmul.f32 v17, v17;
	v31 =	vld.idx.msk [tilespmem:v31+s12+$0x0], $0xffff  }
0x20d: {  	v21 =	vadd.f32 v22, v21;
	v22 =	vmul.f32 v30, v24;
	v30 =	vor.u32 $0x1B, v7;
	v24 =	vld [tilespmem:s29+$0xAE00]  }
0x20e: {  	v26 =	vadd.f32 v32, v26;
	v32 =	vmul.f32 v20, v20;
	v28 =	vld.idx.msk [tilespmem:v28+s12+$0x0], $0xffff  }
0x20f: {  	v21 =	vadd.f32 v22, v21;
	v22 =	vmul.f32 v27, v25;
	v27 =	vor.u32 $0x1C, v7;
	v25 =	vld [tilespmem:s29+$0xB000]  }
0x210: {  	v26 =	vadd.f32 v32, v26;
	v32 =	vmul.f32 v33, v33;
	v29 =	vld.idx.msk [tilespmem:v29+s12+$0x0], $0xffff  }
0x211: {  	v21 =	vadd.f32 v22, v21;
	v18 =	vmul.f32 v23, v18;
	v23 =	vor.u32 $0x1D, v7;
	v22 =	vld [tilespmem:s29+$0xB200]  }
0x212: {  	v26 =	vadd.f32 v32, v26;
	v32 =	vmul.f32 v31, v31;
	v30 =	vld.idx.msk [tilespmem:v30+s12+$0x0], $0xffff  }
0x213: {  	v18 =	vadd.f32 v18, v21;
	v16 =	vmul.f32 v24, v16;
	v24 =	vor.u32 $0x1E, v7;
	v21 =	vld [tilespmem:s29+$0xB400]  }
0x214: {  	v26 =	vadd.f32 v32, v26;
	v32 =	vmul.f32 v28, v28;
	v27 =	vld.idx.msk [tilespmem:v27+s12+$0x0], $0xffff  }
0x215: {  	v7 =	vor.u32 $0x1F, v7;
	v16 =	vadd.f32 v16, v18;
	v14 =	vmul.f32 v25, v14;
	v18 =	vld [tilespmem:s29+$0xB600]  }
0x216: {  	v25 =	vadd.f32 v32, v26;
	v26 =	vmul.f32 v29, v29;
	v23 =	vld.idx.msk [tilespmem:v23+s12+$0x0], $0xffff  }
0x217: {  	v14 =	vadd.f32 v14, v16;
	v12 =	vmul.f32 v22, v12;
	v16 =	vld [tilespmem:s29+$0xB800]  }
0x218: {  	v22 =	vadd.f32 v26, v25;
	v25 =	vmul.f32 v30, v30;
	v24 =	vld.idx.msk [tilespmem:v24+s12+$0x0], $0xffff  }
0x219: {  	v12 =	vadd.f32 v12, v14;
	v10 =	vmul.f32 v21, v10;
	v14 =	vld [tilespmem:s29+$0xBA00]  }
0x21a: {  	v21 =	vadd.f32 v25, v22;
	v22 =	vmul.f32 v27, v27;
	v7 =	vld.idx.msk [tilespmem:v7+s12+$0x0], $0xffff  }
0x21b: {  	v10 =	vadd.f32 v10, v12;
	v8 =	vmul.f32 v18, v8  }
0x21c: {  	v18 =	vadd.f32 v22, v21;
	v21 =	vmul.f32 v23, v23;
	v12 =	vld [tilespmem:s29+$0xBC00]  }
0x21d: {  	v8 =	vadd.f32 v8, v10;
	v9 =	vmul.f32 v16, v9  }
0x21e: {  	v16 =	vadd.f32 v21, v18;
	v18 =	vmul.f32 v24, v24;
	v10 =	vld [tilespmem:s29+$0xBE00]  }
0x21f: {  	v8 =	vadd.f32 v9, v8;
	v9 =	vmul.f32 v14, v11;
	v11 =	vld [tilespmem:s29+$0xC000]  }
0x220: {  	v14 =	vadd.f32 v18, v16;
	v16 =	vmul.f32 v7, v7  }
0x221: {  	v8 =	vadd.f32 v9, v8;
	v9 =	vmul.f32 v12, v13  }
0x222: {  	v13 =	vadd.f32 v16, v14;
	v12 =	vld [tilespmem:s29+$0xC200]  }
0x223: {  	v8 =	vadd.f32 v9, v8;
	v9 =	vmul.f32 v10, v15  }
0x224: {  	v13 =	vmax.f32 v13, $1.000000020e-24;
	v10 =	vmul.f32 v11, v19;
	v11 =	vld [tilespmem:s29+$0xC400]  }
0x225: {  	v8 =	vadd.f32 v9, v8;
	v9 =	vshra.s32 v13, $0x1;
	v13 =	vmul.f32 $5.000000000e-01, v13  }
0x226: {  	v14 =	vld [tilespmem:s29+$0xC600];
	v9 =	vsub.s32 $0x5F3759DF, v9  }
0x227: {  	v8 =	vadd.f32 v10, v8;
	v10 =	vmul.f32 v12, v17;
	v12 =	vmul.f32 v9, v13  }
0x228: {  	v15 =	vld [tilespmem:s29+$0xC800]  }
0x229: {  	v8 =	vadd.f32 v10, v8;
	v10 =	vmul.f32 v11, v20;
	v11 =	vmul.f32 v9, v12  }
0x22a: {  	v12 =	vld [tilespmem:s29+$0xCA00]  }
0x22b: {  	v8 =	vadd.f32 v10, v8;
	v10 =	vmul.f32 v14, v33;
	v11 =	vsub.f32 $1.500000000e+00, v11  }
0x22c: {  	v14 =	vld [tilespmem:s29+$0xCC00]  }
0x22d: {  	v8 =	vadd.f32 v10, v8;
	v10 =	vmul.f32 v15, v31;
	v9 =	vmul.f32 v9, v11  }
0x22e: {  	v11 =	vld [tilespmem:s29+$0xCE00]  }
0x22f: {  	v8 =	vadd.f32 v10, v8;
	v10 =	vmul.f32 v12, v28;
	v12 =	vmul.f32 v9, v13  }
0x230: {  	v15 =	vld [tilespmem:s29+$0xD000]  }
0x231: {  	v8 =	vadd.f32 v10, v8;
	v10 =	vmul.f32 v14, v29;
	v12 =	vmul.f32 v12, v9  }
0x232: {  	v14 =	vld [tilespmem:s29+$0xD200]  }
0x233: {  	v8 =	vadd.f32 v10, v8;
	v10 =	vmul.f32 v11, v30;
	v11 =	vsub.f32 $1.500000000e+00, v12  }
0x234: {  	v12 =	vld [tilespmem:s29+$0xD400]  }
0x235: {  	v8 =	vadd.f32 v10, v8;
	v10 =	vmul.f32 v15, v27;
	v9 =	vmul.f32 v11, v9  }
0x236: {  	v11 =	vld [tilespmem:s29+$0xD600]  }
0x237: {  	v8 =	vadd.f32 v10, v8;
	v10 =	vmul.f32 v14, v23;
	v13 =	vmul.f32 v9, v13;
	_ =	sdelay $0x1  }
0x238: {  	v8 =	vadd.f32 v10, v8;
	v10 =	vmul.f32 v12, v24;
	v12 =	vmul.f32 v13, v9;
	_ =	sdelay $0x1  }
0x239: {  	v8 =	vadd.f32 v10, v8;
	v7 =	vmul.f32 v11, v7;
	v10 =	vsub.f32 $1.500000000e+00, v12;
	_ =	sdelay $0x1  }
0x23a: {  	v7 =	vadd.f32 v7, v8;
	v8 =	vmul.f32 v10, v9;
	_ =	sdelay $0x1  }
0x23b: {  	v7 =	vmul.f32 v8, v7;
	_ =	sdelay $0x1  }
0x23c: {  	v7 =	vsub.f32 $0.0e+00, v7;
	_ =	sdelay $0x1  }
0x23d: {  	v7 =	vmul.f32 $1.442695020e+00, v7;
	_ =	sdelay $0x1  }
0x23e: {  	(erf) = vpow2.f32 v7;
	_ =	sdelay $0x8  }
0x23f: {  	v7 =	vpop (erf)  }
0x240: {  	v7 =	vadd.f32 $1.000000000e+00, v7;
	_ =	sdelay $0x1  }
.Ltmp4:
0x241: {  	(erf) = vrcp.f32 v7;
	(pc) =	sbr.rel @p0 .LBB2_10-.Ltmp4, $3  }
0x242: {  	_ =	sdelay $0x1  }
0x243: {  	v10 =	vand.u32 $0x18, v6;
	v7 =	vmov s30  }
0x244: {  	v9 =	vand.u32 $0x7, v6;
	v10 =	vadd.s32 v10, v5;
	s30 =	sadd.s32 $0x1, s30;
	v8 =	vshll.u32 v7, $0x5;
	v6 =	vmovc v7  }
0x245: {  	v7 =	vadd.s32 v4, v8;
	v8 =	vor.u32 v9, v10  }
0x246: {  	v9 =	vor.u32 $0x1, v7;
	_ =	sdelay $0x2  }
0x247: {  	v10 =	vor.u32 $0x2, v7;
	v11 =	vpop (erf)  }
0x248: {  	[tilespmem:v8+s22+$0x0] =	vst.idx.msk $0xffff, v11  }
0x249: {  	v8 =	vld.idx.msk [tilespmem:v9+s12+$0x0], $0xffff;
	v9 =	vor.u32 $0x3, v7  }
0x24a: {  	v11 =	vld.idx.msk [tilespmem:v7+s12+$0x0], $0xffff  }
0x24b: {  	v12 =	vor.u32 $0x4, v7  }
0x24c: {  	v10 =	vld.idx.msk [tilespmem:v10+s12+$0x0], $0xffff  }
0x24d: {  	v13 =	vor.u32 $0x5, v7  }
0x24e: {  	v9 =	vld.idx.msk [tilespmem:v9+s12+$0x0], $0xffff  }
0x24f: {  	v14 =	vor.u32 $0x6, v7;
	v15 =	vmul.f32 v11, v11;
	v16 =	vmul.f32 v8, v8  }
0x250: {  	v12 =	vld.idx.msk [tilespmem:v12+s12+$0x0], $0xffff  }
0x251: {  	v17 =	vor.u32 $0x7, v7;
	v40 =	vmul.f32 v10, v10;
	v15 =	vadd.f32 v16, v15  }
0x252: {  	v13 =	vld.idx.msk [tilespmem:v13+s12+$0x0], $0xffff  }
0x253: {  	v18 =	vor.u32 $0x8, v7;
	v15 =	vadd.f32 v40, v15;
	v41 =	vmul.f32 v9, v9  }
0x254: {  	v14 =	vld.idx.msk [tilespmem:v14+s12+$0x0], $0xffff  }
0x255: {  	v19 =	vor.u32 $0x9, v7;
	v42 =	vmul.f32 v12, v12;
	v15 =	vadd.f32 v41, v15  }
0x256: {  	v17 =	vld.idx.msk [tilespmem:v17+s12+$0x0], $0xffff  }
0x257: {  	v20 =	vor.u32 $0xA, v7;
	v43 =	vmul.f32 v13, v13;
	v15 =	vadd.f32 v42, v15  }
0x258: {  	v18 =	vld.idx.msk [tilespmem:v18+s12+$0x0], $0xffff  }
0x259: {  	v21 =	vor.u32 $0xB, v7;
	v44 =	vmul.f32 v14, v14;
	v15 =	vadd.f32 v43, v15  }
0x25a: {  	v19 =	vld.idx.msk [tilespmem:v19+s12+$0x0], $0xffff  }
0x25b: {  	v22 =	vor.u32 $0xC, v7;
	v45 =	vmul.f32 v17, v17;
	v15 =	vadd.f32 v44, v15  }
0x25c: {  	v20 =	vld.idx.msk [tilespmem:v20+s12+$0x0], $0xffff  }
0x25d: {  	v23 =	vor.u32 $0xD, v7;
	v46 =	vmul.f32 v18, v18;
	v15 =	vadd.f32 v45, v15  }
0x25e: {  	v21 =	vld.idx.msk [tilespmem:v21+s12+$0x0], $0xffff  }
0x25f: {  	v24 =	vor.u32 $0xE, v7;
	v47 =	vmul.f32 v19, v19;
	v15 =	vadd.f32 v46, v15  }
0x260: {  	v22 =	vld.idx.msk [tilespmem:v22+s12+$0x0], $0xffff  }
0x261: {  	v25 =	vor.u32 $0xF, v7;
	v48 =	vmul.f32 v20, v20;
	v15 =	vadd.f32 v47, v15  }
0x262: {  	v23 =	vld.idx.msk [tilespmem:v23+s12+$0x0], $0xffff  }
0x263: {  	v27 =	vor.u32 $0x10, v7;
	v26 =	vld [tilespmem:s29+$0x9800];
	v49 =	vmul.f32 v21, v21;
	v15 =	vadd.f32 v48, v15  }
0x264: {  	v24 =	vld.idx.msk [tilespmem:v24+s12+$0x0], $0xffff  }
0x265: {  	v29 =	vor.u32 $0x11, v7;
	v28 =	vld [tilespmem:s29+$0x9A00];
	v50 =	vmul.f32 v22, v22;
	v15 =	vadd.f32 v49, v15  }
0x266: {  	v25 =	vld.idx.msk [tilespmem:v25+s12+$0x0], $0xffff  }
0x267: {  	v31 =	vor.u32 $0x12, v7;
	v30 =	vld [tilespmem:s29+$0x9C00];
	v51 =	vmul.f32 v23, v23;
	v15 =	vadd.f32 v50, v15  }
0x268: {  	v27 =	vld.idx.msk [tilespmem:v27+s12+$0x0], $0xffff;
	v11 =	vmul.f32 v26, v11  }
0x269: {  	v32 =	vor.u32 $0x13, v7;
	v52 =	vld [tilespmem:s29+$0x9E00];
	v53 =	vmul.f32 v24, v24;
	v15 =	vadd.f32 v51, v15  }
0x26a: {  	v29 =	vld.idx.msk [tilespmem:v29+s12+$0x0], $0xffff;
	v8 =	vmul.f32 v28, v8;
	v11 =	vadd.f32 $0.0e+00, v11  }
0x26b: {  	v33 =	vor.u32 $0x14, v7;
	v54 =	vld [tilespmem:s29+$0xA000];
	v55 =	vmul.f32 v25, v25;
	v15 =	vadd.f32 v53, v15  }
0x26c: {  	v31 =	vld.idx.msk [tilespmem:v31+s12+$0x0], $0xffff;
	v10 =	vmul.f32 v30, v10;
	v8 =	vadd.f32 v8, v11  }
0x26d: {  	v56 =	vor.u32 $0x15, v7;
	v57 =	vmul.f32 v27, v27;
	v11 =	vld [tilespmem:s29+$0xA200];
	v15 =	vadd.f32 v55, v15  }
0x26e: {  	v32 =	vld.idx.msk [tilespmem:v32+s12+$0x0], $0xffff;
	v9 =	vmul.f32 v52, v9;
	v8 =	vadd.f32 v10, v8  }
0x26f: {  	v58 =	vor.u32 $0x16, v7;
	v59 =	vmul.f32 v29, v29;
	v10 =	vld [tilespmem:s29+$0xA400];
	v15 =	vadd.f32 v57, v15  }
0x270: {  	v33 =	vld.idx.msk [tilespmem:v33+s12+$0x0], $0xffff;
	v8 =	vadd.f32 v9, v8;
	v9 =	vmul.f32 v54, v12  }
0x271: {  	v61 =	vor.u32 $0x17, v7;
	v60 =	vld [tilespmem:s29+$0xA600];
	v62 =	vmul.f32 v31, v31;
	v15 =	vadd.f32 v59, v15  }
0x272: {  	v30 =	vld.idx.msk [tilespmem:v56+s12+$0x0], $0xffff;
	v8 =	vadd.f32 v9, v8;
	v9 =	vmul.f32 v11, v13  }
0x273: {  	v63 =	vor.u32 $0x18, v7;
	v34 =	vmul.f32 v32, v32;
	v11 =	vld [tilespmem:s29+$0xA800];
	v15 =	vadd.f32 v62, v15  }
0x274: {  	v26 =	vld.idx.msk [tilespmem:v58+s12+$0x0], $0xffff;
	v8 =	vadd.f32 v9, v8;
	v9 =	vmul.f32 v10, v14  }
0x275: {  	v35 =	vor.u32 $0x19, v7;
	v36 =	vmul.f32 v33, v33;
	v10 =	vld [tilespmem:s29+$0xAA00];
	v15 =	vadd.f32 v34, v15  }
0x276: {  	v28 =	vld.idx.msk [tilespmem:v61+s12+$0x0], $0xffff;
	v8 =	vadd.f32 v9, v8;
	v9 =	vmul.f32 v60, v17  }
0x277: {  	v38 =	vor.u32 $0x1A, v7;
	v37 =	vld [tilespmem:s29+$0xAC00];
	v39 =	vmul.f32 v30, v30;
	v15 =	vadd.f32 v36, v15  }
0x278: {  	v13 =	vld.idx.msk [tilespmem:v63+s12+$0x0], $0xffff;
	v8 =	vadd.f32 v9, v8;
	v9 =	vmul.f32 v11, v18  }
0x279: {  	v40 =	vor.u32 $0x1B, v7;
	v41 =	vmul.f32 v26, v26;
	v11 =	vld [tilespmem:s29+$0xAE00];
	v15 =	vadd.f32 v39, v15  }
0x27a: {  	v14 =	vld.idx.msk [tilespmem:v35+s12+$0x0], $0xffff;
	v8 =	vadd.f32 v9, v8;
	v9 =	vmul.f32 v10, v19  }
0x27b: {  	v42 =	vor.u32 $0x1C, v7;
	v43 =	vmul.f32 v28, v28;
	v10 =	vld [tilespmem:s29+$0xB000];
	v15 =	vadd.f32 v41, v15  }
0x27c: {  	v17 =	vld.idx.msk [tilespmem:v38+s12+$0x0], $0xffff;
	v8 =	vadd.f32 v9, v8;
	v9 =	vmul.f32 v37, v20  }
0x27d: {  	v44 =	vld [tilespmem:s29+$0xB200];
	v45 =	vor.u32 $0x1D, v7;
	v46 =	vmul.f32 v13, v13;
	v15 =	vadd.f32 v43, v15  }
0x27e: {  	v18 =	vld.idx.msk [tilespmem:v40+s12+$0x0], $0xffff;
	v8 =	vadd.f32 v9, v8;
	v9 =	vmul.f32 v11, v21  }
0x27f: {  	v47 =	vor.u32 $0x1E, v7;
	v48 =	vmul.f32 v14, v14;
	v11 =	vld [tilespmem:s29+$0xB400];
	v15 =	vadd.f32 v46, v15  }
0x280: {  	v19 =	vld.idx.msk [tilespmem:v42+s12+$0x0], $0xffff;
	v8 =	vadd.f32 v9, v8;
	v9 =	vmul.f32 v10, v22  }
0x281: {  	v7 =	vor.u32 $0x1F, v7;
	v49 =	vmul.f32 v17, v17;
	v10 =	vld [tilespmem:s29+$0xB600];
	v15 =	vadd.f32 v48, v15  }
0x282: {  	v20 =	vld.idx.msk [tilespmem:v45+s12+$0x0], $0xffff;
	v8 =	vadd.f32 v9, v8;
	v9 =	vmul.f32 v44, v23  }
0x283: {  	v50 =	vld [tilespmem:s29+$0xB800];
	v51 =	vmul.f32 v18, v18;
	v15 =	vadd.f32 v49, v15  }
0x284: {  	v21 =	vld.idx.msk [tilespmem:v47+s12+$0x0], $0xffff;
	v8 =	vadd.f32 v9, v8;
	v9 =	vmul.f32 v11, v24  }
0x285: {  	v52 =	vmul.f32 v19, v19;
	v11 =	vld [tilespmem:s29+$0xBA00];
	v15 =	vadd.f32 v51, v15  }
0x286: {  	v7 =	vld.idx.msk [tilespmem:v7+s12+$0x0], $0xffff;
	v8 =	vadd.f32 v9, v8;
	v9 =	vmul.f32 v10, v25  }
0x287: {  	v53 =	vmul.f32 v20, v20;
	v10 =	vld [tilespmem:s29+$0xBC00];
	v15 =	vadd.f32 v52, v15  }
0x288: {  	v8 =	vadd.f32 v9, v8;
	v9 =	vmul.f32 v50, v27  }
0x289: {  	v54 =	vld [tilespmem:s29+$0xBE00];
	v55 =	vmul.f32 v21, v21;
	v15 =	vadd.f32 v53, v15  }
0x28a: {  	v8 =	vadd.f32 v9, v8;
	v9 =	vmul.f32 v11, v29;
	v11 =	vld [tilespmem:s29+$0xC000]  }
0x28b: {  	v56 =	vmul.f32 v7, v7;
	v15 =	vadd.f32 v55, v15  }
0x28c: {  	v8 =	vadd.f32 v9, v8;
	v9 =	vmul.f32 v10, v31  }
0x28d: {  	v10 =	vld [tilespmem:s29+$0xC200];
	v15 =	vadd.f32 v56, v15  }
0x28e: {  	v8 =	vadd.f32 v9, v8;
	v9 =	vmul.f32 v54, v32  }
0x28f: {  	v57 =	vld [tilespmem:s29+$0xC400];
	v11 =	vmul.f32 v11, v33;
	v15 =	vmax.f32 v15, $1.000000020e-24  }
0x290: {  	v8 =	vadd.f32 v9, v8;
	v9 =	vshra.s32 v15, $0x1;
	v15 =	vmul.f32 $5.000000000e-01, v15  }
0x291: {  	v58 =	vld [tilespmem:s29+$0xC600];
	v9 =	vsub.s32 $0x5F3759DF, v9  }
0x292: {  	v10 =	vmul.f32 v10, v30;
	v8 =	vadd.f32 v11, v8;
	v11 =	vmul.f32 v9, v15  }
0x293: {  	v59 =	vld [tilespmem:s29+$0xC800]  }
0x294: {  	v8 =	vadd.f32 v10, v8;
	v10 =	vmul.f32 v57, v26;
	v11 =	vmul.f32 v9, v11  }
0x295: {  	v60 =	vld [tilespmem:s29+$0xCA00]  }
0x296: {  	v8 =	vadd.f32 v10, v8;
	v10 =	vmul.f32 v58, v28;
	v11 =	vsub.f32 $1.500000000e+00, v11  }
0x297: {  	v61 =	vld [tilespmem:s29+$0xCC00]  }
0x298: {  	v8 =	vadd.f32 v10, v8;
	v10 =	vmul.f32 v59, v13;
	v9 =	vmul.f32 v9, v11  }
0x299: {  	v11 =	vld [tilespmem:s29+$0xCE00]  }
0x29a: {  	v8 =	vadd.f32 v10, v8;
	v10 =	vmul.f32 v60, v14;
	v62 =	vmul.f32 v9, v15  }
0x29b: {  	v63 =	vld [tilespmem:s29+$0xD000]  }
0x29c: {  	v8 =	vadd.f32 v10, v8;
	v10 =	vmul.f32 v61, v17;
	v12 =	vmul.f32 v62, v9  }
0x29d: {  	v17 =	vld [tilespmem:s29+$0xD200]  }
0x29e: {  	v8 =	vadd.f32 v10, v8;
	v10 =	vmul.f32 v11, v18;
	v11 =	vsub.f32 $1.500000000e+00, v12  }
0x29f: {  	v18 =	vld [tilespmem:s29+$0xD400]  }
0x2a0: {  	v8 =	vadd.f32 v10, v8;
	v10 =	vmul.f32 v63, v19;
	v9 =	vmul.f32 v11, v9  }
0x2a1: {  	v11 =	vld [tilespmem:s29+$0xD600]  }
0x2a2: {  	v8 =	vadd.f32 v10, v8;
	v10 =	vmul.f32 v17, v20;
	v20 =	vmul.f32 v9, v15;
	_ =	sdelay $0x1  }
0x2a3: {  	v8 =	vadd.f32 v10, v8;
	v10 =	vmul.f32 v18, v21;
	v22 =	vmul.f32 v20, v9;
	_ =	sdelay $0x1  }
0x2a4: {  	v8 =	vadd.f32 v10, v8;
	v7 =	vmul.f32 v11, v7;
	v10 =	vsub.f32 $1.500000000e+00, v22;
	_ =	sdelay $0x1  }
0x2a5: {  	v7 =	vadd.f32 v7, v8;
	v8 =	vmul.f32 v10, v9;
	_ =	sdelay $0x1  }
0x2a6: {  	v7 =	vmul.f32 v8, v7;
	_ =	sdelay $0x1  }
0x2a7: {  	v7 =	vsub.f32 $0.0e+00, v7;
	_ =	sdelay $0x1  }
0x2a8: {  	v7 =	vmul.f32 $1.442695020e+00, v7;
	_ =	sdelay $0x1  }
0x2a9: {  	(erf) = vpow2.f32 v7;
	_ =	sdelay $0x8  }
0x2aa: {  	v7 =	vpop (erf)  }
0x2ab: {  	v7 =	vadd.f32 $1.000000000e+00, v7;
	_ =	sdelay $0x1  }
0x2ac: {  	(erf) = vrcp.f32 v7;
	_ =	sdelay $0x2  }
0x2ad: {  	v7 =	vand.u32 $0x18, v6  }
0x2ae: {  	v6 =	vand.u32 $0x7, v6;
	v5 =	vadd.s32 v7, v5  }
0x2af: {  	v5 =	vor.u32 v6, v5  }
0x2b0: {  	p0 =	seq.s32 s26, $0xF  }
0x2b1: {  	s29 =	smul.u32 @!p0 $0xA00, s26;
	_ =	sdelay $0x1  }
0x2b2: {  	s1 =	simm.s32 $0x0;
	s29 =	sshra.s32 @!p0 s29, $0x2;
	v6 =	vpop (erf)  }
0x2b3: {  	s31 =	simm.s32 @!p0 $0x80;
	s0 =	simm.s32 @!p0 $0xD800;
	s30 =	sadd.s32 @!p0 $0x3280, s29;
	[tilespmem:v5+s22+$0x0] =	vst.idx.msk $0xffff, v6  }
0x2b4: {  	v7 =	vmov s1;
	[tilespmem:s0], [sflag:$0x1] =	stream.indirect.gather @!p0 [hbm4b:s3+s31], $0x20, s30, s31, $0xb8;
	[tilespmem:$0x15800] =	vst v63  }
0x2b5: {  	s1 =	simm.s32 @!p0 $0xE800;
	v5 =	vshll.u32 v7, $0x5;
	s0 =	sadd.s32 @!p0 $0x3300, s29  }
0x2b6: {  	v5 =	vadd.s32 v4, v5;
	[tilespmem:s1], [sflag:$0x1] =	stream.indirect.gather @!p0 [hbm4b:s3+s31], $0x20, s0, s31, $0xb8;
	[tilespmem:$0x15800] =	vst v63  }
0x2b7: {  	v6 =	vor.u32 $0x1, v5;
	s0 =	sadd.s32 @!p0 $0x3380, s29;
	s1 =	simm.s32 @!p0 $0x40;
	s29 =	simm.s32 @!p0 $0xF800  }
0x2b8: {  	[tilespmem:s29], [sflag:$0x1] =	stream.indirect.gather @!p0 [hbm4b:s3+s1], $0x20, s0, s1, $0xb8;
	[tilespmem:$0x15800] =	vst v63  }
0x2b9: {  	_ =	swait.ge [sflag:s23], $0x2800  }
0x2ba: {  	v8 =	vor.u32 $0x2, v5;
	[sflag:s23] =	ssyncset.done $0x0  }
0x2bb: {  	[sflag:s23] =	ssyncadd.s32 $0xFFFFD800  }
0x2bc: {  	v9 =	vor.u32 $0x3, v5;
	v6 =	vld.idx.msk [tilespmem:v6+s18+$0x0], $0xffff  }
0x2bd: {  	v10 =	vld.idx.msk [tilespmem:v5+s18+$0x0], $0xffff  }
0x2be: {  	v11 =	vor.u32 $0x4, v5  }
0x2bf: {  	v8 =	vld.idx.msk [tilespmem:v8+s18+$0x0], $0xffff  }
0x2c0: {  	v23 =	vor.u32 $0x5, v5  }
0x2c1: {  	v9 =	vld.idx.msk [tilespmem:v9+s18+$0x0], $0xffff  }
0x2c2: {  	v24 =	vor.u32 $0x6, v5;
	v25 =	vmul.f32 v10, v10;
	v26 =	vmul.f32 v6, v6  }
0x2c3: {  	v11 =	vld.idx.msk [tilespmem:v11+s18+$0x0], $0xffff  }
0x2c4: {  	v27 =	vor.u32 $0x7, v5;
	v28 =	vmul.f32 v8, v8;
	v14 =	vadd.f32 v26, v25  }
0x2c5: {  	v12 =	vld.idx.msk [tilespmem:v23+s18+$0x0], $0xffff  }
0x2c6: {  	v29 =	vor.u32 $0x8, v5;
	v30 =	vmul.f32 v9, v9;
	v14 =	vadd.f32 v28, v14  }
0x2c7: {  	v13 =	vld.idx.msk [tilespmem:v24+s18+$0x0], $0xffff  }
0x2c8: {  	v31 =	vor.u32 $0x9, v5;
	v32 =	vmul.f32 v11, v11;
	v14 =	vadd.f32 v30, v14  }
0x2c9: {  	v16 =	vld.idx.msk [tilespmem:v27+s18+$0x0], $0xffff  }
0x2ca: {  	v33 =	vor.u32 $0xA, v5;
	v34 =	vmul.f32 v12, v12;
	v14 =	vadd.f32 v32, v14  }
0x2cb: {  	v17 =	vld.idx.msk [tilespmem:v29+s18+$0x0], $0xffff  }
0x2cc: {  	v35 =	vor.u32 $0xB, v5;
	v36 =	vmul.f32 v13, v13;
	v14 =	vadd.f32 v34, v14  }
0x2cd: {  	v18 =	vld.idx.msk [tilespmem:v31+s18+$0x0], $0xffff  }
0x2ce: {  	v37 =	vor.u32 $0xC, v5;
	v38 =	vmul.f32 v16, v16;
	v14 =	vadd.f32 v36, v14  }
0x2cf: {  	v19 =	vld.idx.msk [tilespmem:v33+s18+$0x0], $0xffff  }
0x2d0: {  	v39 =	vor.u32 $0xD, v5;
	v40 =	vmul.f32 v17, v17;
	v14 =	vadd.f32 v38, v14  }
0x2d1: {  	v20 =	vld.idx.msk [tilespmem:v35+s18+$0x0], $0xffff  }
0x2d2: {  	v41 =	vor.u32 $0xE, v5;
	v42 =	vmul.f32 v18, v18;
	v14 =	vadd.f32 v40, v14  }
0x2d3: {  	v21 =	vld.idx.msk [tilespmem:v37+s18+$0x0], $0xffff  }
0x2d4: {  	v43 =	vor.u32 $0xF, v5;
	v44 =	vmul.f32 v19, v19;
	v14 =	vadd.f32 v42, v14  }
0x2d5: {  	s28 =	sshll.u32 s28, $0x4;
	v22 =	vld.idx.msk [tilespmem:v39+s18+$0x0], $0xffff  }
0x2d6: {  	v46 =	vor.u32 $0x10, v5;
	v45 =	vld [tilespmem:s28+$0x9800];
	v47 =	vmul.f32 v20, v20;
	v14 =	vadd.f32 v44, v14  }
0x2d7: {  	v23 =	vld.idx.msk [tilespmem:v41+s18+$0x0], $0xffff  }
0x2d8: {  	v49 =	vor.u32 $0x11, v5;
	v48 =	vld [tilespmem:s28+$0x9A00];
	v50 =	vmul.f32 v21, v21;
	v14 =	vadd.f32 v47, v14  }
0x2d9: {  	v24 =	vld.idx.msk [tilespmem:v43+s18+$0x0], $0xffff  }
0x2da: {  	v52 =	vor.u32 $0x12, v5;
	v51 =	vld [tilespmem:s28+$0x9C00];
	v53 =	vmul.f32 v22, v22;
	v14 =	vadd.f32 v50, v14  }
0x2db: {  	v10 =	vmul.f32 v45, v10;
	v26 =	vld.idx.msk [tilespmem:v46+s18+$0x0], $0xffff  }
0x2dc: {  	v55 =	vor.u32 $0x13, v5;
	v54 =	vld [tilespmem:s28+$0x9E00];
	v56 =	vmul.f32 v23, v23;
	v14 =	vadd.f32 v53, v14  }
0x2dd: {  	v6 =	vmul.f32 v48, v6;
	v10 =	vadd.f32 $0.0e+00, v10;
	v28 =	vld.idx.msk [tilespmem:v49+s18+$0x0], $0xffff  }
0x2de: {  	v58 =	vor.u32 $0x14, v5;
	v57 =	vld [tilespmem:s28+$0xA000];
	v59 =	vmul.f32 v24, v24;
	v14 =	vadd.f32 v56, v14  }
0x2df: {  	v8 =	vmul.f32 v51, v8;
	v6 =	vadd.f32 v6, v10;
	v30 =	vld.idx.msk [tilespmem:v52+s18+$0x0], $0xffff  }
0x2e0: {  	v60 =	vor.u32 $0x15, v5;
	v10 =	vld [tilespmem:s28+$0xA200];
	v61 =	vmul.f32 v26, v26;
	v14 =	vadd.f32 v59, v14  }
0x2e1: {  	v31 =	vld.idx.msk [tilespmem:v55+s18+$0x0], $0xffff;
	v6 =	vadd.f32 v8, v6;
	v8 =	vmul.f32 v54, v9  }
0x2e2: {  	v62 =	vor.u32 $0x16, v5;
	v9 =	vld [tilespmem:s28+$0xA400];
	v63 =	vmul.f32 v28, v28;
	v14 =	vadd.f32 v61, v14  }
0x2e3: {  	v32 =	vld.idx.msk [tilespmem:v58+s18+$0x0], $0xffff;
	v6 =	vadd.f32 v8, v6;
	v8 =	vmul.f32 v57, v11  }
0x2e4: {  	v11 =	vld [tilespmem:s28+$0xA600];
	v37 =	vmul.f32 v30, v30;
	v36 =	vor.u32 $0x17, v5;
	v14 =	vadd.f32 v63, v14  }
0x2e5: {  	v29 =	vld.idx.msk [tilespmem:v60+s18+$0x0], $0xffff;
	v6 =	vadd.f32 v8, v6;
	v8 =	vmul.f32 v10, v12  }
0x2e6: {  	v39 =	vmul.f32 v31, v31;
	v10 =	vld [tilespmem:s28+$0xA800];
	v38 =	vor.u32 $0x18, v5;
	v14 =	vadd.f32 v37, v14  }
0x2e7: {  	v25 =	vld.idx.msk [tilespmem:v62+s18+$0x0], $0xffff;
	v6 =	vadd.f32 v8, v6;
	v8 =	vmul.f32 v9, v13  }
0x2e8: {  	v9 =	vld [tilespmem:s28+$0xAA00];
	v41 =	vmul.f32 v32, v32;
	v40 =	vor.u32 $0x19, v5;
	v14 =	vadd.f32 v39, v14  }
0x2e9: {  	v6 =	vadd.f32 v8, v6;
	v8 =	vmul.f32 v11, v16;
	v27 =	vld.idx.msk [tilespmem:v36+s18+$0x0], $0xffff  }
0x2ea: {  	v43 =	vmul.f32 v29, v29;
	v11 =	vld [tilespmem:s28+$0xAC00];
	v42 =	vor.u32 $0x1A, v5;
	v14 =	vadd.f32 v41, v14  }
0x2eb: {  	v6 =	vadd.f32 v8, v6;
	v8 =	vmul.f32 v10, v17;
	v12 =	vld.idx.msk [tilespmem:v38+s18+$0x0], $0xffff  }
0x2ec: {  	v45 =	vmul.f32 v25, v25;
	v10 =	vld [tilespmem:s28+$0xAE00];
	v44 =	vor.u32 $0x1B, v5;
	v14 =	vadd.f32 v43, v14  }
0x2ed: {  	v6 =	vadd.f32 v8, v6;
	v8 =	vmul.f32 v9, v18;
	v13 =	vld.idx.msk [tilespmem:v40+s18+$0x0], $0xffff  }
0x2ee: {  	v46 =	vor.u32 $0x1C, v5;
	v9 =	vld [tilespmem:s28+$0xB000];
	v47 =	vmul.f32 v27, v27;
	v14 =	vadd.f32 v45, v14  }
0x2ef: {  	v6 =	vadd.f32 v8, v6;
	v8 =	vmul.f32 v11, v19;
	v16 =	vld.idx.msk [tilespmem:v42+s18+$0x0], $0xffff  }
0x2f0: {  	v48 =	vor.u32 $0x1D, v5;
	v11 =	vld [tilespmem:s28+$0xB200];
	v49 =	vmul.f32 v12, v12;
	v14 =	vadd.f32 v47, v14  }
0x2f1: {  	v6 =	vadd.f32 v8, v6;
	v8 =	vmul.f32 v10, v20;
	v17 =	vld.idx.msk [tilespmem:v44+s18+$0x0], $0xffff  }
0x2f2: {  	v10 =	vld [tilespmem:s28+$0xB400];
	v50 =	vor.u32 $0x1E, v5;
	v51 =	vmul.f32 v13, v13;
	v14 =	vadd.f32 v49, v14  }
0x2f3: {  	v18 =	vld.idx.msk [tilespmem:v46+s18+$0x0], $0xffff;
	v6 =	vadd.f32 v8, v6;
	v8 =	vmul.f32 v9, v21  }
0x2f4: {  	v9 =	vld [tilespmem:s28+$0xB600];
	v5 =	vor.u32 $0x1F, v5;
	v52 =	vmul.f32 v16, v16;
	v14 =	vadd.f32 v51, v14  }
0x2f5: {  	v19 =	vld.idx.msk [tilespmem:v48+s18+$0x0], $0xffff;
	v6 =	vadd.f32 v8, v6;
	v8 =	vmul.f32 v11, v22  }
0x2f6: {  	v11 =	vld [tilespmem:s28+$0xB800];
	v53 =	vmul.f32 v17, v17;
	v14 =	vadd.f32 v52, v14  }
0x2f7: {  	v6 =	vadd.f32 v8, v6;
	v8 =	vmul.f32 v10, v23;
	v20 =	vld.idx.msk [tilespmem:v50+s18+$0x0], $0xffff  }
0x2f8: {  	v54 =	vmul.f32 v18, v18;
	v10 =	vld [tilespmem:s28+$0xBA00];
	v14 =	vadd.f32 v53, v14  }
0x2f9: {  	v5 =	vld.idx.msk [tilespmem:v5+s18+$0x0], $0xffff;
	v6 =	vadd.f32 v8, v6;
	v8 =	vmul.f32 v9, v24  }
0x2fa: {  	v55 =	vmul.f32 v19, v19;
	v9 =	vld [tilespmem:s28+$0xBC00];
	v14 =	vadd.f32 v54, v14  }
0x2fb: {  	v6 =	vadd.f32 v8, v6;
	v8 =	vmul.f32 v11, v26  }
0x2fc: {  	v11 =	vld [tilespmem:s28+$0xBE00];
	v56 =	vmul.f32 v20, v20;
	v14 =	vadd.f32 v55, v14  }
0x2fd: {  	v6 =	vadd.f32 v8, v6;
	v8 =	vmul.f32 v10, v28;
	v10 =	vld [tilespmem:s28+$0xC000]  }
0x2fe: {  	v57 =	vmul.f32 v5, v5;
	v14 =	vadd.f32 v56, v14  }
0x2ff: {  	v6 =	vadd.f32 v8, v6;
	v8 =	vmul.f32 v9, v30  }
0x300: {  	v9 =	vld [tilespmem:s28+$0xC200];
	v14 =	vadd.f32 v57, v14  }
0x301: {  	v6 =	vadd.f32 v8, v6;
	v8 =	vmul.f32 v11, v31  }
0x302: {  	v11 =	vld [tilespmem:s28+$0xC400];
	v10 =	vmul.f32 v10, v32;
	v14 =	vmax.f32 v14, $1.000000020e-24  }
0x303: {  	v6 =	vadd.f32 v8, v6;
	v8 =	vshra.s32 v14, $0x1;
	v14 =	vmul.f32 $5.000000000e-01, v14  }
0x304: {  	v58 =	vld [tilespmem:s28+$0xC600];
	v8 =	vsub.s32 $0x5F3759DF, v8  }
0x305: {  	v9 =	vmul.f32 v9, v29;
	v6 =	vadd.f32 v10, v6;
	v10 =	vmul.f32 v8, v14  }
0x306: {  	v59 =	vld [tilespmem:s28+$0xC800]  }
0x307: {  	v6 =	vadd.f32 v9, v6;
	v9 =	vmul.f32 v11, v25;
	v10 =	vmul.f32 v8, v10  }
0x308: {  	v11 =	vld [tilespmem:s28+$0xCA00]  }
0x309: {  	v6 =	vadd.f32 v9, v6;
	v9 =	vmul.f32 v58, v27;
	v10 =	vsub.f32 $1.500000000e+00, v10  }
0x30a: {  	v60 =	vld [tilespmem:s28+$0xCC00]  }
0x30b: {  	v6 =	vadd.f32 v9, v6;
	v9 =	vmul.f32 v59, v12;
	v8 =	vmul.f32 v8, v10  }
0x30c: {  	v10 =	vld [tilespmem:s28+$0xCE00]  }
0x30d: {  	v6 =	vadd.f32 v9, v6;
	v9 =	vmul.f32 v11, v13;
	v11 =	vmul.f32 v8, v14  }
0x30e: {  	v61 =	vld [tilespmem:s28+$0xD000]  }
0x30f: {  	v6 =	vadd.f32 v9, v6;
	v9 =	vmul.f32 v60, v16;
	v11 =	vmul.f32 v11, v8  }
0x310: {  	v62 =	vld [tilespmem:s28+$0xD200]  }
0x311: {  	v6 =	vadd.f32 v9, v6;
	v9 =	vmul.f32 v10, v17;
	v10 =	vsub.f32 $1.500000000e+00, v11  }
0x312: {  	v11 =	vld [tilespmem:s28+$0xD400]  }
0x313: {  	v6 =	vadd.f32 v9, v6;
	v9 =	vmul.f32 v61, v18;
	v8 =	vmul.f32 v10, v8  }
0x314: {  	v10 =	vld [tilespmem:s28+$0xD600]  }
0x315: {  	v6 =	vadd.f32 v9, v6;
	v9 =	vmul.f32 v62, v19;
	v63 =	vmul.f32 v8, v14;
	_ =	sdelay $0x1  }
0x316: {  	v6 =	vadd.f32 v9, v6;
	v9 =	vmul.f32 v11, v20;
	v11 =	vmul.f32 v63, v8;
	_ =	sdelay $0x1  }
0x317: {  	v6 =	vadd.f32 v9, v6;
	v5 =	vmul.f32 v10, v5;
	v9 =	vsub.f32 $1.500000000e+00, v11;
	_ =	sdelay $0x1  }
0x318: {  	v5 =	vadd.f32 v5, v6;
	v6 =	vmul.f32 v9, v8;
	_ =	sdelay $0x1  }
0x319: {  	v5 =	vmul.f32 v6, v5;
	_ =	sdelay $0x1  }
0x31a: {  	v5 =	vsub.f32 $0.0e+00, v5;
	_ =	sdelay $0x1  }
0x31b: {  	v5 =	vmul.f32 $1.442695020e+00, v5;
	_ =	sdelay $0x1  }
0x31c: {  	(erf) = vpow2.f32 v5;
	_ =	sdelay $0x8  }
0x31d: {  	v6 =	vpop (erf)  }
0x31e: {  	v5 =	vmov s28;
	v6 =	vadd.f32 $1.000000000e+00, v6  }
0x31f: {  	v5 =	vmul.u32 $0x18, v5  }
0x320: {  	(erf) = vrcp.f32 v6  }
0x321: {  	v5 =	vbroadcast v5, $0x0  }
0x322: {  	s31 =	simm.s32 $0x1  }
0x323: {  	v10 =	vand.u32 $0x18, v7;
	v5 =	vadd.s32 v3, v5;
	v6 =	vmov s31  }
0x324: {  	s29 =	simm.s32 $0x2;
	v9 =	vand.u32 $0x7, v7;
	v10 =	vadd.s32 v10, v5;
	v8 =	vshll.u32 v6, $0x5  }
.LBB2_12:
0x325: {  	p0 =	sne.s32 s29, $0x13;
	v7 =	vadd.s32 v4, v8;
	v8 =	vor.u32 v9, v10  }
0x326: {  	v9 =	vor.u32 $0x1, v7;
	_ =	sdelay $0x2  }
0x327: {  	v10 =	vor.u32 $0x2, v7;
	v11 =	vpop (erf)  }
0x328: {  	[tilespmem:v8+s22+$0x0] =	vst.idx.msk $0xffff, v11  }
0x329: {  	v8 =	vor.u32 $0x3, v7;
	v13 =	vld.idx.msk [tilespmem:v9+s18+$0x0], $0xffff  }
0x32a: {  	v11 =	vld.idx.msk [tilespmem:v7+s18+$0x0], $0xffff  }
0x32b: {  	v9 =	vor.u32 $0x4, v7  }
0x32c: {  	v15 =	vld.idx.msk [tilespmem:v10+s18+$0x0], $0xffff  }
0x32d: {  	v10 =	vor.u32 $0x5, v7  }
0x32e: {  	v17 =	vld.idx.msk [tilespmem:v8+s18+$0x0], $0xffff  }
0x32f: {  	v8 =	vor.u32 $0x6, v7  }
0x330: {  	v14 =	vmul.f32 v13, v13;
	v12 =	vmul.f32 v11, v11;
	v20 =	vld.idx.msk [tilespmem:v9+s18+$0x0], $0xffff  }
0x331: {  	v9 =	vor.u32 $0x7, v7  }
0x332: {  	v12 =	vadd.f32 v14, v12;
	v14 =	vmul.f32 v15, v15;
	v21 =	vld.idx.msk [tilespmem:v10+s18+$0x0], $0xffff  }
0x333: {  	v10 =	vor.u32 $0x8, v7  }
0x334: {  	v12 =	vadd.f32 v14, v12;
	v14 =	vmul.f32 v17, v17;
	v22 =	vld.idx.msk [tilespmem:v8+s18+$0x0], $0xffff  }
0x335: {  	v8 =	vor.u32 $0x9, v7  }
0x336: {  	v12 =	vadd.f32 v14, v12;
	v14 =	vmul.f32 v20, v20;
	v23 =	vld.idx.msk [tilespmem:v9+s18+$0x0], $0xffff  }
0x337: {  	v9 =	vor.u32 $0xA, v7  }
0x338: {  	v12 =	vadd.f32 v14, v12;
	v14 =	vmul.f32 v21, v21;
	v24 =	vld.idx.msk [tilespmem:v10+s18+$0x0], $0xffff  }
0x339: {  	v10 =	vor.u32 $0xB, v7  }
0x33a: {  	v12 =	vadd.f32 v14, v12;
	v14 =	vmul.f32 v22, v22;
	v25 =	vld.idx.msk [tilespmem:v8+s18+$0x0], $0xffff  }
0x33b: {  	v8 =	vor.u32 $0xC, v7  }
0x33c: {  	v12 =	vadd.f32 v14, v12;
	v14 =	vmul.f32 v23, v23;
	v18 =	vld.idx.msk [tilespmem:v9+s18+$0x0], $0xffff  }
0x33d: {  	v9 =	vor.u32 $0xD, v7  }
0x33e: {  	v12 =	vadd.f32 v14, v12;
	v14 =	vmul.f32 v24, v24;
	v16 =	vld.idx.msk [tilespmem:v10+s18+$0x0], $0xffff  }
0x33f: {  	v10 =	vor.u32 $0xE, v7  }
0x340: {  	v12 =	vadd.f32 v14, v12;
	v19 =	vmul.f32 v25, v25;
	v14 =	vld.idx.msk [tilespmem:v8+s18+$0x0], $0xffff  }
0x341: {  	v8 =	vor.u32 $0xF, v7  }
0x342: {  	v19 =	vadd.f32 v19, v12;
	v26 =	vmul.f32 v18, v18;
	v12 =	vld.idx.msk [tilespmem:v9+s18+$0x0], $0xffff  }
0x343: {  	v9 =	vor.u32 $0x10, v7;
	v27 =	vld [tilespmem:s28+$0x9800]  }
0x344: {  	v19 =	vadd.f32 v26, v19;
	v26 =	vmul.f32 v16, v16;
	v10 =	vld.idx.msk [tilespmem:v10+s18+$0x0], $0xffff  }
0x345: {  	v29 =	vor.u32 $0x11, v7;
	v28 =	vld [tilespmem:s28+$0x9A00]  }
0x346: {  	v19 =	vadd.f32 v26, v19;
	v26 =	vmul.f32 v14, v14;
	v8 =	vld.idx.msk [tilespmem:v8+s18+$0x0], $0xffff  }
0x347: {  	v31 =	vor.u32 $0x12, v7;
	v30 =	vld [tilespmem:s28+$0x9C00]  }
0x348: {  	v19 =	vadd.f32 v26, v19;
	v26 =	vmul.f32 v12, v12;
	v9 =	vld.idx.msk [tilespmem:v9+s18+$0x0], $0xffff  }
0x349: {  	v33 =	vor.u32 $0x13, v7;
	v27 =	vmul.f32 v27, v11;
	v32 =	vld [tilespmem:s28+$0x9E00]  }
0x34a: {  	v19 =	vadd.f32 v26, v19;
	v26 =	vmul.f32 v10, v10;
	v11 =	vld.idx.msk [tilespmem:v29+s18+$0x0], $0xffff  }
0x34b: {  	v34 =	vor.u32 $0x14, v7;
	v27 =	vadd.f32 $0.0e+00, v27;
	v28 =	vmul.f32 v28, v13;
	v29 =	vld [tilespmem:s28+$0xA000]  }
0x34c: {  	v19 =	vadd.f32 v26, v19;
	v26 =	vmul.f32 v8, v8;
	v13 =	vld.idx.msk [tilespmem:v31+s18+$0x0], $0xffff  }
0x34d: {  	v27 =	vadd.f32 v28, v27;
	v28 =	vmul.f32 v30, v15;
	v31 =	vor.u32 $0x15, v7;
	v30 =	vld [tilespmem:s28+$0xA200]  }
0x34e: {  	v19 =	vadd.f32 v26, v19;
	v26 =	vmul.f32 v9, v9;
	v15 =	vld.idx.msk [tilespmem:v33+s18+$0x0], $0xffff  }
0x34f: {  	v27 =	vadd.f32 v28, v27;
	v17 =	vmul.f32 v32, v17;
	v32 =	vor.u32 $0x16, v7;
	v28 =	vld [tilespmem:s28+$0xA400]  }
0x350: {  	v26 =	vadd.f32 v26, v19;
	v33 =	vmul.f32 v11, v11;
	v19 =	vld.idx.msk [tilespmem:v34+s18+$0x0], $0xffff  }
0x351: {  	v27 =	vadd.f32 v17, v27;
	v20 =	vmul.f32 v29, v20;
	v34 =	vor.u32 $0x17, v7;
	v29 =	vld [tilespmem:s28+$0xA600]  }
0x352: {  	v26 =	vadd.f32 v33, v26;
	v33 =	vmul.f32 v13, v13;
	v17 =	vld.idx.msk [tilespmem:v31+s18+$0x0], $0xffff  }
0x353: {  	v27 =	vadd.f32 v20, v27;
	v21 =	vmul.f32 v30, v21;
	v31 =	vor.u32 $0x18, v7;
	v30 =	vld [tilespmem:s28+$0xA800]  }
0x354: {  	v26 =	vadd.f32 v33, v26;
	v33 =	vmul.f32 v15, v15;
	v20 =	vld.idx.msk [tilespmem:v32+s18+$0x0], $0xffff  }
0x355: {  	v21 =	vadd.f32 v21, v27;
	v22 =	vmul.f32 v28, v22;
	v28 =	vor.u32 $0x19, v7;
	v27 =	vld [tilespmem:s28+$0xAA00]  }
0x356: {  	v26 =	vadd.f32 v33, v26;
	v32 =	vmul.f32 v19, v19;
	v33 =	vld.idx.msk [tilespmem:v34+s18+$0x0], $0xffff  }
0x357: {  	v21 =	vadd.f32 v22, v21;
	v22 =	vmul.f32 v29, v23;
	v29 =	vor.u32 $0x1A, v7;
	v23 =	vld [tilespmem:s28+$0xAC00]  }
0x358: {  	v26 =	vadd.f32 v32, v26;
	v32 =	vmul.f32 v17, v17;
	v31 =	vld.idx.msk [tilespmem:v31+s18+$0x0], $0xffff  }
0x359: {  	v21 =	vadd.f32 v22, v21;
	v22 =	vmul.f32 v30, v24;
	v30 =	vor.u32 $0x1B, v7;
	v24 =	vld [tilespmem:s28+$0xAE00]  }
0x35a: {  	v26 =	vadd.f32 v32, v26;
	v32 =	vmul.f32 v20, v20;
	v28 =	vld.idx.msk [tilespmem:v28+s18+$0x0], $0xffff  }
0x35b: {  	v21 =	vadd.f32 v22, v21;
	v22 =	vmul.f32 v27, v25;
	v27 =	vor.u32 $0x1C, v7;
	v25 =	vld [tilespmem:s28+$0xB000]  }
0x35c: {  	v26 =	vadd.f32 v32, v26;
	v32 =	vmul.f32 v33, v33;
	v29 =	vld.idx.msk [tilespmem:v29+s18+$0x0], $0xffff  }
0x35d: {  	v21 =	vadd.f32 v22, v21;
	v18 =	vmul.f32 v23, v18;
	v23 =	vor.u32 $0x1D, v7;
	v22 =	vld [tilespmem:s28+$0xB200]  }
0x35e: {  	v26 =	vadd.f32 v32, v26;
	v32 =	vmul.f32 v31, v31;
	v30 =	vld.idx.msk [tilespmem:v30+s18+$0x0], $0xffff  }
0x35f: {  	v18 =	vadd.f32 v18, v21;
	v16 =	vmul.f32 v24, v16;
	v24 =	vor.u32 $0x1E, v7;
	v21 =	vld [tilespmem:s28+$0xB400]  }
0x360: {  	v26 =	vadd.f32 v32, v26;
	v32 =	vmul.f32 v28, v28;
	v27 =	vld.idx.msk [tilespmem:v27+s18+$0x0], $0xffff  }
0x361: {  	v7 =	vor.u32 $0x1F, v7;
	v16 =	vadd.f32 v16, v18;
	v14 =	vmul.f32 v25, v14;
	v18 =	vld [tilespmem:s28+$0xB600]  }
0x362: {  	v25 =	vadd.f32 v32, v26;
	v26 =	vmul.f32 v29, v29;
	v23 =	vld.idx.msk [tilespmem:v23+s18+$0x0], $0xffff  }
0x363: {  	v14 =	vadd.f32 v14, v16;
	v12 =	vmul.f32 v22, v12;
	v16 =	vld [tilespmem:s28+$0xB800]  }
0x364: {  	v22 =	vadd.f32 v26, v25;
	v25 =	vmul.f32 v30, v30;
	v24 =	vld.idx.msk [tilespmem:v24+s18+$0x0], $0xffff  }
0x365: {  	v12 =	vadd.f32 v12, v14;
	v10 =	vmul.f32 v21, v10;
	v14 =	vld [tilespmem:s28+$0xBA00]  }
0x366: {  	v21 =	vadd.f32 v25, v22;
	v22 =	vmul.f32 v27, v27;
	v7 =	vld.idx.msk [tilespmem:v7+s18+$0x0], $0xffff  }
0x367: {  	v10 =	vadd.f32 v10, v12;
	v8 =	vmul.f32 v18, v8  }
0x368: {  	v18 =	vadd.f32 v22, v21;
	v21 =	vmul.f32 v23, v23;
	v12 =	vld [tilespmem:s28+$0xBC00]  }
0x369: {  	v8 =	vadd.f32 v8, v10;
	v9 =	vmul.f32 v16, v9  }
0x36a: {  	v16 =	vadd.f32 v21, v18;
	v18 =	vmul.f32 v24, v24;
	v10 =	vld [tilespmem:s28+$0xBE00]  }
0x36b: {  	v8 =	vadd.f32 v9, v8;
	v9 =	vmul.f32 v14, v11;
	v11 =	vld [tilespmem:s28+$0xC000]  }
0x36c: {  	v14 =	vadd.f32 v18, v16;
	v16 =	vmul.f32 v7, v7  }
0x36d: {  	v8 =	vadd.f32 v9, v8;
	v9 =	vmul.f32 v12, v13  }
0x36e: {  	v13 =	vadd.f32 v16, v14;
	v12 =	vld [tilespmem:s28+$0xC200]  }
0x36f: {  	v8 =	vadd.f32 v9, v8;
	v9 =	vmul.f32 v10, v15  }
0x370: {  	v13 =	vmax.f32 v13, $1.000000020e-24;
	v10 =	vmul.f32 v11, v19;
	v11 =	vld [tilespmem:s28+$0xC400]  }
0x371: {  	v8 =	vadd.f32 v9, v8;
	v9 =	vshra.s32 v13, $0x1;
	v13 =	vmul.f32 $5.000000000e-01, v13  }
0x372: {  	v14 =	vld [tilespmem:s28+$0xC600];
	v9 =	vsub.s32 $0x5F3759DF, v9  }
0x373: {  	v8 =	vadd.f32 v10, v8;
	v10 =	vmul.f32 v12, v17;
	v12 =	vmul.f32 v9, v13  }
0x374: {  	v15 =	vld [tilespmem:s28+$0xC800]  }
0x375: {  	v8 =	vadd.f32 v10, v8;
	v10 =	vmul.f32 v11, v20;
	v11 =	vmul.f32 v9, v12  }
0x376: {  	v12 =	vld [tilespmem:s28+$0xCA00]  }
0x377: {  	v8 =	vadd.f32 v10, v8;
	v10 =	vmul.f32 v14, v33;
	v11 =	vsub.f32 $1.500000000e+00, v11  }
0x378: {  	v14 =	vld [tilespmem:s28+$0xCC00]  }
0x379: {  	v8 =	vadd.f32 v10, v8;
	v10 =	vmul.f32 v15, v31;
	v9 =	vmul.f32 v9, v11  }
0x37a: {  	v11 =	vld [tilespmem:s28+$0xCE00]  }
0x37b: {  	v8 =	vadd.f32 v10, v8;
	v10 =	vmul.f32 v12, v28;
	v12 =	vmul.f32 v9, v13  }
0x37c: {  	v15 =	vld [tilespmem:s28+$0xD000]  }
0x37d: {  	v8 =	vadd.f32 v10, v8;
	v10 =	vmul.f32 v14, v29;
	v12 =	vmul.f32 v12, v9  }
0x37e: {  	v14 =	vld [tilespmem:s28+$0xD200]  }
0x37f: {  	v8 =	vadd.f32 v10, v8;
	v10 =	vmul.f32 v11, v30;
	v11 =	vsub.f32 $1.500000000e+00, v12  }
0x380: {  	v12 =	vld [tilespmem:s28+$0xD400]  }
0x381: {  	v8 =	vadd.f32 v10, v8;
	v10 =	vmul.f32 v15, v27;
	v9 =	vmul.f32 v11, v9  }
0x382: {  	v11 =	vld [tilespmem:s28+$0xD600]  }
0x383: {  	v8 =	vadd.f32 v10, v8;
	v10 =	vmul.f32 v14, v23;
	v13 =	vmul.f32 v9, v13;
	_ =	sdelay $0x1  }
0x384: {  	v8 =	vadd.f32 v10, v8;
	v10 =	vmul.f32 v12, v24;
	v12 =	vmul.f32 v13, v9;
	_ =	sdelay $0x1  }
0x385: {  	v8 =	vadd.f32 v10, v8;
	v7 =	vmul.f32 v11, v7;
	v10 =	vsub.f32 $1.500000000e+00, v12;
	_ =	sdelay $0x1  }
0x386: {  	v7 =	vadd.f32 v7, v8;
	v8 =	vmul.f32 v10, v9;
	_ =	sdelay $0x1  }
0x387: {  	v7 =	vmul.f32 v8, v7;
	_ =	sdelay $0x1  }
0x388: {  	v7 =	vsub.f32 $0.0e+00, v7;
	_ =	sdelay $0x1  }
0x389: {  	v7 =	vmul.f32 $1.442695020e+00, v7;
	_ =	sdelay $0x1  }
0x38a: {  	(erf) = vpow2.f32 v7;
	_ =	sdelay $0x8  }
0x38b: {  	v7 =	vpop (erf)  }
0x38c: {  	v7 =	vadd.f32 $1.000000000e+00, v7;
	_ =	sdelay $0x1  }
.Ltmp5:
0x38d: {  	(erf) = vrcp.f32 v7;
	(pc) =	sbr.rel @p0 .LBB2_12-.Ltmp5, $3  }
0x38e: {  	_ =	sdelay $0x1  }
0x38f: {  	v10 =	vand.u32 $0x18, v6;
	v7 =	vmov s29  }
0x390: {  	v9 =	vand.u32 $0x7, v6;
	v10 =	vadd.s32 v10, v5;
	s29 =	sadd.s32 $0x1, s29;
	v8 =	vshll.u32 v7, $0x5;
	v6 =	vmovc v7  }
0x391: {  	v7 =	vadd.s32 v4, v8;
	v24 =	vor.u32 v9, v10  }
0x392: {  	v25 =	vor.u32 $0x1, v7;
	_ =	sdelay $0x2  }
0x393: {  	v26 =	vor.u32 $0x2, v7;
	v11 =	vpop (erf)  }
0x394: {  	[tilespmem:v24+s22+$0x0] =	vst.idx.msk $0xffff, v11  }
0x395: {  	v27 =	vor.u32 $0x3, v7;
	v8 =	vld.idx.msk [tilespmem:v25+s18+$0x0], $0xffff  }
0x396: {  	v11 =	vld.idx.msk [tilespmem:v7+s18+$0x0], $0xffff  }
0x397: {  	v12 =	vor.u32 $0x4, v7  }
0x398: {  	v10 =	vld.idx.msk [tilespmem:v26+s18+$0x0], $0xffff  }
0x399: {  	v13 =	vor.u32 $0x5, v7  }
0x39a: {  	v9 =	vld.idx.msk [tilespmem:v27+s18+$0x0], $0xffff  }
0x39b: {  	v14 =	vor.u32 $0x6, v7;
	v15 =	vmul.f32 v11, v11;
	v16 =	vmul.f32 v8, v8  }
0x39c: {  	v12 =	vld.idx.msk [tilespmem:v12+s18+$0x0], $0xffff  }
0x39d: {  	v17 =	vor.u32 $0x7, v7;
	v28 =	vmul.f32 v10, v10;
	v15 =	vadd.f32 v16, v15  }
0x39e: {  	v13 =	vld.idx.msk [tilespmem:v13+s18+$0x0], $0xffff  }
0x39f: {  	v18 =	vor.u32 $0x8, v7;
	v29 =	vmul.f32 v9, v9;
	v15 =	vadd.f32 v28, v15  }
0x3a0: {  	v14 =	vld.idx.msk [tilespmem:v14+s18+$0x0], $0xffff  }
0x3a1: {  	v19 =	vor.u32 $0x9, v7;
	v30 =	vmul.f32 v12, v12;
	v15 =	vadd.f32 v29, v15  }
0x3a2: {  	v17 =	vld.idx.msk [tilespmem:v17+s18+$0x0], $0xffff  }
0x3a3: {  	v20 =	vor.u32 $0xA, v7;
	v31 =	vmul.f32 v13, v13;
	v15 =	vadd.f32 v30, v15  }
0x3a4: {  	v18 =	vld.idx.msk [tilespmem:v18+s18+$0x0], $0xffff  }
0x3a5: {  	v21 =	vor.u32 $0xB, v7;
	v32 =	vmul.f32 v14, v14;
	v15 =	vadd.f32 v31, v15  }
0x3a6: {  	v19 =	vld.idx.msk [tilespmem:v19+s18+$0x0], $0xffff  }
0x3a7: {  	v22 =	vor.u32 $0xC, v7;
	v33 =	vmul.f32 v17, v17;
	v15 =	vadd.f32 v32, v15  }
0x3a8: {  	v20 =	vld.idx.msk [tilespmem:v20+s18+$0x0], $0xffff  }
0x3a9: {  	v23 =	vor.u32 $0xD, v7;
	v34 =	vmul.f32 v18, v18;
	v15 =	vadd.f32 v33, v15  }
0x3aa: {  	v21 =	vld.idx.msk [tilespmem:v21+s18+$0x0], $0xffff  }
0x3ab: {  	v24 =	vor.u32 $0xE, v7;
	v35 =	vmul.f32 v19, v19;
	v15 =	vadd.f32 v34, v15  }
0x3ac: {  	v22 =	vld.idx.msk [tilespmem:v22+s18+$0x0], $0xffff  }
0x3ad: {  	v25 =	vor.u32 $0xF, v7;
	v36 =	vmul.f32 v20, v20;
	v15 =	vadd.f32 v35, v15  }
0x3ae: {  	v23 =	vld.idx.msk [tilespmem:v23+s18+$0x0], $0xffff  }
0x3af: {  	v26 =	vld [tilespmem:s28+$0x9800];
	v27 =	vor.u32 $0x10, v7;
	v37 =	vmul.f32 v21, v21;
	v15 =	vadd.f32 v36, v15  }
0x3b0: {  	v24 =	vld.idx.msk [tilespmem:v24+s18+$0x0], $0xffff  }
0x3b1: {  	v38 =	vmul.f32 v22, v22;
	v28 =	vld [tilespmem:s28+$0x9A00];
	v29 =	vor.u32 $0x11, v7;
	v15 =	vadd.f32 v37, v15  }
0x3b2: {  	v25 =	vld.idx.msk [tilespmem:v25+s18+$0x0], $0xffff  }
0x3b3: {  	v39 =	vmul.f32 v23, v23;
	v30 =	vld [tilespmem:s28+$0x9C00];
	v31 =	vor.u32 $0x12, v7;
	v15 =	vadd.f32 v38, v15  }
0x3b4: {  	v27 =	vld.idx.msk [tilespmem:v27+s18+$0x0], $0xffff;
	v11 =	vmul.f32 v26, v11  }
0x3b5: {  	v40 =	vld [tilespmem:s28+$0x9E00];
	v41 =	vmul.f32 v24, v24;
	v32 =	vor.u32 $0x13, v7;
	v15 =	vadd.f32 v39, v15  }
0x3b6: {  	v11 =	vadd.f32 $0.0e+00, v11;
	v8 =	vmul.f32 v28, v8;
	v29 =	vld.idx.msk [tilespmem:v29+s18+$0x0], $0xffff  }
0x3b7: {  	v42 =	vld [tilespmem:s28+$0xA000];
	v43 =	vmul.f32 v25, v25;
	v33 =	vor.u32 $0x14, v7;
	v15 =	vadd.f32 v41, v15  }
0x3b8: {  	v8 =	vadd.f32 v8, v11;
	v10 =	vmul.f32 v30, v10;
	v31 =	vld.idx.msk [tilespmem:v31+s18+$0x0], $0xffff  }
0x3b9: {  	v45 =	vor.u32 $0x15, v7;
	v44 =	vld [tilespmem:s28+$0xA200];
	v46 =	vmul.f32 v27, v27;
	v15 =	vadd.f32 v43, v15  }
0x3ba: {  	v9 =	vmul.f32 v40, v9;
	v8 =	vadd.f32 v10, v8;
	v32 =	vld.idx.msk [tilespmem:v32+s18+$0x0], $0xffff  }
0x3bb: {  	v48 =	vor.u32 $0x16, v7;
	v47 =	vld [tilespmem:s28+$0xA400];
	v49 =	vmul.f32 v29, v29;
	v15 =	vadd.f32 v46, v15  }
0x3bc: {  	v50 =	vmul.f32 v42, v12;
	v8 =	vadd.f32 v9, v8;
	v33 =	vld.idx.msk [tilespmem:v33+s18+$0x0], $0xffff  }
0x3bd: {  	v52 =	vor.u32 $0x17, v7;
	v51 =	vld [tilespmem:s28+$0xA600];
	v53 =	vmul.f32 v31, v31;
	v15 =	vadd.f32 v49, v15  }
0x3be: {  	v54 =	vmul.f32 v44, v13;
	v30 =	vld.idx.msk [tilespmem:v45+s18+$0x0], $0xffff;
	v8 =	vadd.f32 v50, v8  }
0x3bf: {  	v56 =	vor.u32 $0x18, v7;
	v55 =	vld [tilespmem:s28+$0xA800];
	v57 =	vmul.f32 v32, v32;
	v15 =	vadd.f32 v53, v15  }
0x3c0: {  	v26 =	vld.idx.msk [tilespmem:v48+s18+$0x0], $0xffff;
	v58 =	vmul.f32 v47, v14;
	v8 =	vadd.f32 v54, v8  }
0x3c1: {  	v60 =	vor.u32 $0x19, v7;
	v59 =	vld [tilespmem:s28+$0xAA00];
	v61 =	vmul.f32 v33, v33;
	v15 =	vadd.f32 v57, v15  }
0x3c2: {  	v62 =	vmul.f32 v51, v17;
	v28 =	vld.idx.msk [tilespmem:v52+s18+$0x0], $0xffff;
	v8 =	vadd.f32 v58, v8  }
0x3c3: {  	v63 =	vld [tilespmem:s28+$0xAC00];
	v34 =	vor.u32 $0x1A, v7;
	v35 =	vmul.f32 v30, v30;
	v15 =	vadd.f32 v61, v15  }
0x3c4: {  	v13 =	vld.idx.msk [tilespmem:v56+s18+$0x0], $0xffff;
	v36 =	vmul.f32 v55, v18;
	v8 =	vadd.f32 v62, v8  }
0x3c5: {  	v37 =	vld [tilespmem:s28+$0xAE00];
	v38 =	vor.u32 $0x1B, v7;
	v39 =	vmul.f32 v26, v26;
	v15 =	vadd.f32 v35, v15  }
0x3c6: {  	v14 =	vld.idx.msk [tilespmem:v60+s18+$0x0], $0xffff;
	v40 =	vmul.f32 v59, v19;
	v8 =	vadd.f32 v36, v8  }
0x3c7: {  	v42 =	vor.u32 $0x1C, v7;
	v41 =	vld [tilespmem:s28+$0xB000];
	v43 =	vmul.f32 v28, v28;
	v15 =	vadd.f32 v39, v15  }
0x3c8: {  	v44 =	vmul.f32 v63, v20;
	v17 =	vld.idx.msk [tilespmem:v34+s18+$0x0], $0xffff;
	v8 =	vadd.f32 v40, v8  }
0x3c9: {  	v47 =	vmul.f32 v13, v13;
	v45 =	vld [tilespmem:s28+$0xB200];
	v46 =	vor.u32 $0x1D, v7;
	v15 =	vadd.f32 v43, v15  }
0x3ca: {  	v48 =	vmul.f32 v37, v21;
	v18 =	vld.idx.msk [tilespmem:v38+s18+$0x0], $0xffff;
	v8 =	vadd.f32 v44, v8  }
0x3cb: {  	v51 =	vmul.f32 v14, v14;
	v50 =	vor.u32 $0x1E, v7;
	v49 =	vld [tilespmem:s28+$0xB400];
	v15 =	vadd.f32 v47, v15  }
0x3cc: {  	v19 =	vld.idx.msk [tilespmem:v42+s18+$0x0], $0xffff;
	v8 =	vadd.f32 v48, v8;
	v52 =	vmul.f32 v41, v22  }
0x3cd: {  	v54 =	vmul.f32 v17, v17;
	v7 =	vor.u32 $0x1F, v7;
	v53 =	vld [tilespmem:s28+$0xB600];
	v15 =	vadd.f32 v51, v15  }
0x3ce: {  	v55 =	vmul.f32 v45, v23;
	v8 =	vadd.f32 v52, v8;
	v20 =	vld.idx.msk [tilespmem:v46+s18+$0x0], $0xffff  }
0x3cf: {  	v56 =	vld [tilespmem:s28+$0xB800];
	v57 =	vmul.f32 v18, v18;
	v15 =	vadd.f32 v54, v15  }
0x3d0: {  	v21 =	vld.idx.msk [tilespmem:v50+s18+$0x0], $0xffff;
	v8 =	vadd.f32 v55, v8;
	v58 =	vmul.f32 v49, v24  }
0x3d1: {  	v59 =	vld [tilespmem:s28+$0xBA00];
	v60 =	vmul.f32 v19, v19;
	v15 =	vadd.f32 v57, v15  }
0x3d2: {  	v7 =	vld.idx.msk [tilespmem:v7+s18+$0x0], $0xffff;
	v8 =	vadd.f32 v58, v8;
	v61 =	vmul.f32 v53, v25  }
0x3d3: {  	v62 =	vld [tilespmem:s28+$0xBC00];
	v63 =	vmul.f32 v20, v20;
	v15 =	vadd.f32 v60, v15  }
0x3d4: {  	v22 =	vmul.f32 v56, v27;
	v8 =	vadd.f32 v61, v8  }
0x3d5: {  	v23 =	vld [tilespmem:s28+$0xBE00];
	v24 =	vmul.f32 v21, v21;
	v15 =	vadd.f32 v63, v15  }
0x3d6: {  	v27 =	vld [tilespmem:s28+$0xC000];
	v25 =	vmul.f32 v59, v29;
	v8 =	vadd.f32 v22, v8  }
0x3d7: {  	v29 =	vmul.f32 v7, v7;
	v15 =	vadd.f32 v24, v15  }
0x3d8: {  	v34 =	vmul.f32 v62, v31;
	v8 =	vadd.f32 v25, v8  }
0x3d9: {  	v35 =	vld [tilespmem:s28+$0xC200];
	v15 =	vadd.f32 v29, v15  }
0x3da: {  	v36 =	vmul.f32 v23, v32;
	v8 =	vadd.f32 v34, v8  }
0x3db: {  	v37 =	vld [tilespmem:s28+$0xC400];
	v11 =	vmul.f32 v27, v33;
	v15 =	vmax.f32 v15, $1.000000020e-24  }
0x3dc: {  	v8 =	vadd.f32 v36, v8;
	v38 =	vshra.s32 v15, $0x1;
	v15 =	vmul.f32 $5.000000000e-01, v15  }
0x3dd: {  	v39 =	vld [tilespmem:s28+$0xC600];
	v9 =	vsub.s32 $0x5F3759DF, v38  }
0x3de: {  	v10 =	vmul.f32 v35, v30;
	v8 =	vadd.f32 v11, v8;
	v40 =	vmul.f32 v9, v15  }
0x3df: {  	v41 =	vld [tilespmem:s28+$0xC800]  }
0x3e0: {  	v42 =	vmul.f32 v37, v26;
	v8 =	vadd.f32 v10, v8;
	v11 =	vmul.f32 v9, v40  }
0x3e1: {  	v43 =	vld [tilespmem:s28+$0xCA00]  }
0x3e2: {  	v44 =	vmul.f32 v39, v28;
	v8 =	vadd.f32 v42, v8;
	v11 =	vsub.f32 $1.500000000e+00, v11  }
0x3e3: {  	v45 =	vld [tilespmem:s28+$0xCC00]  }
0x3e4: {  	v46 =	vmul.f32 v41, v13;
	v8 =	vadd.f32 v44, v8;
	v9 =	vmul.f32 v9, v11  }
0x3e5: {  	v47 =	vld [tilespmem:s28+$0xCE00]  }
0x3e6: {  	v48 =	vmul.f32 v43, v14;
	v8 =	vadd.f32 v46, v8;
	v49 =	vmul.f32 v9, v15  }
0x3e7: {  	v50 =	vld [tilespmem:s28+$0xD000]  }
0x3e8: {  	v51 =	vmul.f32 v45, v17;
	v8 =	vadd.f32 v48, v8;
	v12 =	vmul.f32 v49, v9  }
0x3e9: {  	v52 =	vld [tilespmem:s28+$0xD200]  }
0x3ea: {  	v53 =	vmul.f32 v47, v18;
	v8 =	vadd.f32 v51, v8;
	v54 =	vsub.f32 $1.500000000e+00, v12  }
0x3eb: {  	v55 =	vld [tilespmem:s28+$0xD400]  }
0x3ec: {  	v56 =	vmul.f32 v50, v19;
	v8 =	vadd.f32 v53, v8;
	v9 =	vmul.f32 v54, v9  }
0x3ed: {  	v57 =	vld [tilespmem:s28+$0xD600]  }
0x3ee: {  	v58 =	vmul.f32 v52, v20;
	v8 =	vadd.f32 v56, v8;
	v59 =	vmul.f32 v9, v15;
	_ =	sdelay $0x1  }
0x3ef: {  	v60 =	vmul.f32 v55, v21;
	v8 =	vadd.f32 v58, v8;
	v61 =	vmul.f32 v59, v9;
	_ =	sdelay $0x1  }
0x3f0: {  	v7 =	vmul.f32 v57, v7;
	v8 =	vadd.f32 v60, v8;
	v62 =	vsub.f32 $1.500000000e+00, v61;
	_ =	sdelay $0x1  }
0x3f1: {  	v7 =	vadd.f32 v7, v8;
	v63 =	vmul.f32 v62, v9;
	_ =	sdelay $0x1  }
0x3f2: {  	v7 =	vmul.f32 v63, v7;
	_ =	sdelay $0x1  }
0x3f3: {  	v7 =	vsub.f32 $0.0e+00, v7;
	_ =	sdelay $0x1  }
0x3f4: {  	v7 =	vmul.f32 $1.442695020e+00, v7;
	_ =	sdelay $0x1  }
0x3f5: {  	(erf) = vpow2.f32 v7;
	_ =	sdelay $0x8  }
0x3f6: {  	v7 =	vpop (erf)  }
0x3f7: {  	v7 =	vadd.f32 $1.000000000e+00, v7;
	_ =	sdelay $0x1  }
0x3f8: {  	(erf) = vrcp.f32 v7;
	_ =	sdelay $0x2  }
0x3f9: {  	v7 =	vand.u32 $0x18, v6  }
0x3fa: {  	s26 =	sadd.s32 $0x1, s26;
	v6 =	vand.u32 $0x7, v6;
	v5 =	vadd.s32 v7, v5  }
0x3fb: {  	p0 =	sne.s32 s26, $0x10;
	v5 =	vor.u32 v6, v5  }
.Ltmp6:
0x3fc: {  	_ = 	snop;
	(pc) =	sbr.rel @p0 .LBB2_9-.Ltmp6, $3  }
0x3fd: {  	_ =	sdelay $0x1  }
0x3fe: {  	v6 =	vpop (erf)  }
0x3ff: {  	[tilespmem:v5+s22+$0x0] =	vst.idx.msk $0xffff, v6  }
0x400: {  	[hbm4b:s6+s2] =	stream.linear.scatter [tilespmem:s22], [sflag:$0x3], $0x3000, $0x38;
	[tilespmem:$0x15800] =	vst v63  }
0x401: {  	s24 =	sadd.s32 $0x1, s24  }
0x402: {  	p0 =	sne.s32 s24, s7  }
.Ltmp7:
0x403: {  	_ = 	snop;
	(pc) =	sbr.rel @p0 .LBB2_1-.Ltmp7, $4  }
.Ltmp8:
0x404: {  	_ = 	snop;
	(pc) =	sbr.rel @!p0 .LBB2_15-.Ltmp8, $4  }
0x405: {  	_ =	swait.ge [sflag:s8], $0x3000  }
0x406: {  	[sflag:s8] =	ssyncset.done $0x0  }
0x407: {  	[sflag:s8] =	ssyncadd.s32 $0xFFFFD000  }
0x408: {  	_ = 	snop  }
.LBB2_4:
.Ltmp9:
0x409: {  	(pc) =	sbr.rel .LBB2_8-.Ltmp9, $2  }
0x40a: {  	_ =	sdelay $0x2  }
0x40b: {  	s28 =	simm.s32 $0xB800  }
.LBB2_6:
.Ltmp10:
0x40c: {  	(pc) =	sbr.rel .LBB2_8-.Ltmp10, $2  }
0x40d: {  	_ =	sdelay $0x2  }
0x40e: {  	s28 =	simm.s32 $0xB800  }
.LBB2_15:
0x40f: {  	_ =	sfence.sel $0x180000  }
0x410: {  	[bflag:$0x0] =	sbarrier.arrive $0xFFFF  }
0x411: {  	_ =	strace $0x9000004A  }
0x412: {  	s0 =	stileid.u32;
	[bflag:$0x2] =	sbarrier.arrive $0xFFFF  }
0x413: {  	p0 =	sne.s32 s0, $0x0;
	s0 =	rddreg [dreg:$0x2]  }
0x414: {  	s0 =	sadd.s32 @!p0 $0x100000, s0  }
0x415: {  	[sflag:s0] =	ssyncadd.tile.s32 @!p0 $0x1;
	_ =	shalt  }
.Lfunc_end2:
_tile_overlayer_lowered:
.L_overlay_start_2:
0x416: {  	(tag) =	ssettag $0x2  }
0x417: {  	s0 =	rddreg [dreg:$0x0];
	s2 =	stileid.u32  }
0x418: {  	s1 =	rddreg [dreg:$0x1];
	p0 =	sne.s32 s2, $0x0  }
0x419: {  	s3 =	rddreg [dreg:$0x2];
	[bflag:$0x3] =	sbarrier.arrive $0xFFFF;
	s2 =	simm.s32 @!p0 $0x1C03  }
0x41a: {  	[timem:s3], [sflag:s2] =	dma.local @!p0 [hbm:s0], s1  }
0x41b: {  	s0 =	simm.s32 @!p0 $0x3  }
0x41c: {  	_ =	swait.ge @!p0 [sflag:s0], s1  }
0x41d: {  	s1 =	ssub.s32 @!p0 $0x0, s1;
	[sflag:s0] =	ssyncset.done @!p0 $0x0  }
0x41e: {  	[sflag:s0] =	ssyncadd.s32 @!p0 s1  }
0x41f: {  	[bflag:$0x3] =	sbarrier.arrive $0xFFFF  }
0x420: {  	_ =	shalt  }

</sc_bundles>
